<compile_context>
chip_gen: v7x
topology: tpu7x:2x2x1
jax: 0.10.2.dev20260603
libtpu: 0.0.44.dev20260713+nightly
codegen_flags: <defaults>
</compile_context>

<pallas_src>
import functools

import jax
import jax.numpy as jnp
from jax import lax
from jax.experimental import pallas as pl
from jax.experimental.pallas import tpu as pltpu
from jax.experimental.pallas import tpu_sc as plsc

_NUM_CLASSES = 20
_DSF = 8
_NC = 2
_NS = 16
_L = 16


def _sc_modal_downsample(labels, class_weights):
    bs, H, W = labels.shape
    Hs, Ws = H // _DSF, W // _DSF
    n_strips = bs * Hs
    strip_words = _DSF * W
    NW = _NC * _NS
    strips_per_w = n_strips // NW
    groups = Ws // _L
    labels_strips = labels.reshape(n_strips, strip_words)
    mesh = plsc.VectorSubcoreMesh(core_axis_name="c", subcore_axis_name="s")

    @functools.partial(
        pl.kernel,
        mesh=mesh,
        out_type=jax.ShapeDtypeStruct((n_strips, Ws), jnp.int32),
        compiler_params=pltpu.CompilerParams(needs_layout_passes=False),
        scratch_types=[
            pltpu.VMEM((strip_words,), jnp.int32),
            pltpu.VMEM((_L * _NUM_CLASSES,), jnp.int32),
            pltpu.VMEM((Ws,), jnp.int32),
            pltpu.VMEM((_NUM_CLASSES,), jnp.float32),
        ],
    )
    def body(labels_hbm, w_hbm, out_hbm, buf, hist, outrow, wbuf):
        wid = lax.axis_index("s") * _NC + lax.axis_index("c")
        iota = lax.iota(jnp.int32, _L)
        iota8 = iota * _DSF
        iota_h = iota * _NUM_CLASSES
        ones = jnp.ones((_L,), jnp.int32)
        zeros = jnp.zeros((_L,), jnp.int32)
        pltpu.sync_copy(w_hbm, wbuf)

        def strip_body(j, carry):
            s = wid * strips_per_w + j
            pltpu.sync_copy(labels_hbm.at[s], buf)
            for g in range(groups):
                for i in range(_L * _NUM_CLASSES // _L):
                    hist[pl.ds(i * _L, _L)] = zeros
                for re in range(_DSF):
                    for k in range(_DSF):
                        idx = iota8 + (re * W + g * _L * _DSF + k)
                        v = plsc.load_gather(buf, [idx])
                        plsc.addupdate_scatter(hist, [iota_h + v], ones)

                def cls_body(c, bc):
                    best_score, best_class = bc
                    cvec = jnp.full((_L,), c, jnp.int32)
                    cnt = plsc.load_gather(hist, [iota_h + cvec])
                    w = plsc.load_gather(wbuf, [cvec])
                    score = cnt.astype(jnp.float32) * w
                    upd = score > best_score
                    return (jnp.where(upd, score, best_score),
                            jnp.where(upd, cvec, best_class))

                init = (jnp.full((_L,), -jnp.inf, jnp.float32), zeros)
                _, best_class = lax.fori_loop(0, _NUM_CLASSES, cls_body, init)
                outrow[pl.ds(g * _L, _L)] = best_class
            pltpu.sync_copy(outrow, out_hbm.at[s])
            return carry

        lax.fori_loop(0, strips_per_w, strip_body, 0)

    out = body(labels_strips, class_weights)
    return out.reshape(bs, Hs, Ws)


def kernel(labels, class_weights, dsf):
    del dsf
    return _sc_modal_downsample(labels, class_weights)

# --- scband reference (transcript-rebuilt; emitter-appended) ---
"""Pipeline reference for scband-class-weighted-modal-down-sampler-54262616818229 (READ-ONLY COPY).

The authoritative reference and input builder live on the scoring server;
editing this copy changes nothing except your own understanding.
"""

import jax, jax.numpy as jnp
import numpy as np

KNOWN_CLASS_LIST = ['road', 'sidewalk', 'building', 'wall', 'fence', 'pole', 'traffic_light', 'traffic_sign', 'vegetation', 'terrain', 'sky', 'person', 'rider', 'car', 'truck', 'bus', 'train', 'motorcycle', 'bicycle']
NUM_CLASSES = len(KNOWN_CLASS_LIST) + 1  # 20
THING_CLASSES = ['pole', 'traffic_light', 'traffic_sign', 'person', 'rider', 'car', 'truck', 'bus', 'train', 'motorcycle', 'bicycle']
THING_IDX = np.array([KNOWN_CLASS_LIST.index(c) for c in THING_CLASSES])
THING_CLASSES_WEIGHT = 10.0


def setup_inputs(seed: int = 0) -> dict:
    key = jax.random.key(seed)
    labels = jax.random.randint(key, (16, 512, 512), 0, NUM_CLASSES)
    class_weights = jnp.ones((NUM_CLASSES,), dtype=jnp.float32).at[jnp.asarray(THING_IDX)].set(THING_CLASSES_WEIGHT)
    return {"labels": labels, "class_weights": class_weights, "dsf": 8}


def reference(labels, class_weights, dsf=8):
    # labels: int[bs, H, W]; class_weights: float[num_classes]
    bs, H, W = labels.shape
    DSF = 8
    Hs, Ws = H // DSF, W // DSF
    # Equivalent of F.unfold(kernel=dsf, stride=dsf): extract non-overlapping dsf x dsf patches.
    patches = labels.reshape(bs, Hs, DSF, Ws, DSF)
    patches = jnp.transpose(patches, (0, 1, 3, 2, 4)).reshape(bs, Hs * Ws, DSF * DSF)
    # One-hot over classes, then count occurrences per patch (sum over kernel elements).
    one_hot = jax.nn.one_hot(patches, NUM_CLASSES, dtype=jnp.float32)  # [bs, L, k*k, C]
    class_counts = jnp.sum(one_hot, axis=2)  # [bs, L, C]
    weighted_class_counts = class_counts * class_weights[None, None, :]
    modes = jnp.argmax(weighted_class_counts, axis=-1)  # [bs, L]
    modes = modes.reshape(bs, Hs, Ws)
    modes = modes + (jnp.asarray(dsf) * 0).astype(modes.dtype)
    return modes

if __name__ == "__main__":
    import jax
    _d = setup_inputs()
    print(jax.jit(kernel)(*tuple(_d.values())))

</pallas_src>

<mosaic_0001>
#map = affine_map<(d0, d1) -> (0, 0)>
#map1 = affine_map<(d0, d1) -> (0)>
module attributes {stable_mosaic.version = 14 : i64} {
  func.func @body(%arg0: i32, %arg1: i32, %arg2: memref<1024x4096xi32, #tpu.memory_space<hbm>>, %arg3: memref<20xf32, #tpu.memory_space<hbm>>, %arg4: memref<1024x64xi32, #tpu.memory_space<hbm>>, %arg5: memref<4096xi32, #tpu.memory_space<vmem>>, %arg6: memref<320xi32, #tpu.memory_space<vmem>>, %arg7: memref<64xi32, #tpu.memory_space<vmem>>, %arg8: memref<20xf32, #tpu.memory_space<vmem>>) attributes {dimension_semantics = [#tpu.dimension_semantics<core_parallel>, #tpu.dimension_semantics<subcore_parallel>], iteration_bounds = array<i64: 2, 16>, scalar_prefetch = 0 : i64, scratch_operands = 4 : i64, tpu.core_type = #tpu.core_type<sc_vector_subcore>, window_params = [{transform_indices = #map}, {transform_indices = #map1}, {transform_indices = #map}]} {
    %mul3A = arith.constant 2 : i32
    %mul3A_0 = arith.muli %arg1, %mul3A : i32
    %add3A = arith.addi %mul3A_0, %arg0 : i32
    %iota3A = tpu.iota {dimensions = array<i32: 0>} : vector<16xi32>
    %mul3A_1 = arith.constant 8 : i32
    %mul3A_2 = vector.broadcast %mul3A_1 : i32 to vector<16xi32>
    %mul3A_3 = arith.muli %iota3A, %mul3A_2 : vector<16xi32>
    %mul3A_4 = arith.constant 20 : i32
    %mul3A_5 = vector.broadcast %mul3A_4 : i32 to vector<16xi32>
    %mul3A_6 = arith.muli %iota3A, %mul3A_5 : vector<16xi32>
    %broadcast_in_dim3A = arith.constant 1 : i32
    %broadcast_in_dim3A_7 = vector.broadcast %broadcast_in_dim3A : i32 to vector<16xi32>
    %broadcast_in_dim3A_8 = arith.constant 0 : i32
    %broadcast_in_dim3A_9 = vector.broadcast %broadcast_in_dim3A_8 : i32 to vector<16xi32>
    "tpu.region"() ({
      %run_scoped3A = tpu.sem_alloc : memref<!tpu.dma_semaphore, #tpu.memory_space<semaphore_mem>>
      tpu.enqueue_dma source(%arg3 : memref<20xf32, #tpu.memory_space<hbm>>) target(%arg8 : memref<20xf32, #tpu.memory_space<vmem>>) target_semaphore(%run_scoped3A : memref<!tpu.dma_semaphore, #tpu.memory_space<semaphore_mem>>)
      tpu.wait_dma2 semaphore(%run_scoped3A : memref<!tpu.dma_semaphore, #tpu.memory_space<semaphore_mem>>) src(%arg3 : memref<20xf32, #tpu.memory_space<hbm>>) dst(%arg8 : memref<20xf32, #tpu.memory_space<vmem>>)
      tpu.yield
    }) : () -> ()
    %scan3A = arith.constant 0 : i32
    %scan3A_10 = arith.constant 0 : i32
    %scan3A_11 = arith.constant 32 : i32
    %scan3A_12 = arith.addi %scan3A_10, %scan3A_11 : i32
    %scan3A_13 = arith.constant 1 : i32
    scf.for %scan3A_15 = %scan3A_10 to %scan3A_12 step %scan3A_13  : i32 {
      %mul3A_16 = arith.constant 32 : i32
      %mul3A_17 = arith.muli %add3A, %mul3A_16 : i32
      %add3A_18 = arith.addi %mul3A_17, %scan3A_15 : i32
      "tpu.region"() ({
        %run_scoped3A = tpu.sem_alloc : memref<!tpu.dma_semaphore, #tpu.memory_space<semaphore_mem>>
        %dma_start3A = arith.constant 0 : i32
        %dma_start3A_1497 = tpu.memref_slice %arg2[%add3A_18, %dma_start3A] : memref<1024x4096xi32, #tpu.memory_space<hbm>> -> memref<1x4096xi32, #tpu.memory_space<hbm>>
        %dma_start3A_1498 = tpu.memref_squeeze %dma_start3A_1497 : memref<1x4096xi32, #tpu.memory_space<hbm>> -> memref<4096xi32, #tpu.memory_space<hbm>>
        %dma_start3A_1499 = arith.constant 0 : i32
        %dma_start3A_1500 = tpu.memref_slice %arg2[%add3A_18, %dma_start3A_1499] : memref<1024x4096xi32, #tpu.memory_space<hbm>> -> memref<1x4096xi32, #tpu.memory_space<hbm>>
        %dma_start3A_1501 = tpu.memref_squeeze %dma_start3A_1500 : memref<1x4096xi32, #tpu.memory_space<hbm>> -> memref<4096xi32, #tpu.memory_space<hbm>>
        tpu.enqueue_dma source(%dma_start3A_1501 : memref<4096xi32, #tpu.memory_space<hbm>>) target(%arg5 : memref<4096xi32, #tpu.memory_space<vmem>>) target_semaphore(%run_scoped3A : memref<!tpu.dma_semaphore, #tpu.memory_space<semaphore_mem>>)
        %dma_wait3A = arith.constant 0 : i32
        %dma_wait3A_1502 = tpu.memref_slice %arg2[%add3A_18, %dma_wait3A] : memref<1024x4096xi32, #tpu.memory_space<hbm>> -> memref<1x4096xi32, #tpu.memory_space<hbm>>
        %dma_wait3A_1503 = tpu.memref_squeeze %dma_wait3A_1502 : memref<1x4096xi32, #tpu.memory_space<hbm>> -> memref<4096xi32, #tpu.memory_space<hbm>>
        %dma_wait3A_1504 = arith.constant 0 : i32
        %dma_wait3A_1505 = tpu.memref_slice %arg2[%add3A_18, %dma_wait3A_1504] : memref<1024x4096xi32, #tpu.memory_space<hbm>> -> memref<1x4096xi32, #tpu.memory_space<hbm>>
        %dma_wait3A_1506 = tpu.memref_squeeze %dma_wait3A_1505 : memref<1x4096xi32, #tpu.memory_space<hbm>> -> memref<4096xi32, #tpu.memory_space<hbm>>
        tpu.wait_dma2 semaphore(%run_scoped3A : memref<!tpu.dma_semaphore, #tpu.memory_space<semaphore_mem>>) src(%dma_wait3A_1506 : memref<4096xi32, #tpu.memory_space<hbm>>) dst(%arg5 : memref<4096xi32, #tpu.memory_space<vmem>>)
        tpu.yield
      }) : () -> ()
      %swap3A = arith.constant 0 : index
      %swap3A_19 = tpu.vector_load %arg6[%swap3A] {strides = array<i32>} : memref<320xi32, #tpu.memory_space<vmem>>, vector<16xi32>,
      tpu.vector_store %arg6[%swap3A], %broadcast_in_dim3A_9 {strides = array<i32>} : memref<320xi32, #tpu.memory_space<vmem>>, vector<16xi32>,
      %swap3A_20 = arith.constant 16 : index
      %swap3A_21 = tpu.vector_load %arg6[%swap3A_20] {strides = array<i32>} : memref<320xi32, #tpu.memory_space<vmem>>, vector<16xi32>,
      tpu.vector_store %arg6[%swap3A_20], %broadcast_in_dim3A_9 {strides = array<i32>} : memref<320xi32, #tpu.memory_space<vmem>>, vector<16xi32>,
      %swap3A_22 = arith.constant 32 : index
      %swap3A_23 = tpu.vector_load %arg6[%swap3A_22] {strides = array<i32>} : memref<320xi32, #tpu.memory_space<vmem>>, vector<16xi32>,
      tpu.vector_store %arg6[%swap3A_22], %broadcast_in_dim3A_9 {strides = array<i32>} : memref<320xi32, #tpu.memory_space<vmem>>, vector<16xi32>,
      %swap3A_24 = arith.constant 48 : index
      %swap3A_25 = tpu.vector_load %arg6[%swap3A_24] {strides = array<i32>} : memref<320xi32, #tpu.memory_space<vmem>>, vector<16xi32>,
      tpu.vector_store %arg6[%swap3A_24], %broadcast_in_dim3A_9 {strides = array<i32>} : memref<320xi32, #tpu.memory_space<vmem>>, vector<16xi32>,
      %swap3A_26 = arith.constant 64 : index
      %swap3A_27 = tpu.vector_load %arg6[%swap3A_26] {strides = array<i32>} : memref<320xi32, #tpu.memory_space<vmem>>, vector<16xi32>,
      tpu.vector_store %arg6[%swap3A_26], %broadcast_in_dim3A_9 {strides = array<i32>} : memref<320xi32, #tpu.memory_space<vmem>>, vector<16xi32>,
      %swap3A_28 = arith.constant 80 : index
      %swap3A_29 = tpu.vector_load %arg6[%swap3A_28] {strides = array<i32>} : memref<320xi32, #tpu.memory_space<vmem>>, vector<16xi32>,
      tpu.vector_store %arg6[%swap3A_28], %broadcast_in_dim3A_9 {strides = array<i32>} : memref<320xi32, #tpu.memory_space<vmem>>, vector<16xi32>,
      %swap3A_30 = arith.constant 96 : index
      %swap3A_31 = tpu.vector_load %arg6[%swap3A_30] {strides = array<i32>} : memref<320xi32, #tpu.memory_space<vmem>>, vector<16xi32>,
      tpu.vector_store %arg6[%swap3A_30], %broadcast_in_dim3A_9 {strides = array<i32>} : memref<320xi32, #tpu.memory_space<vmem>>, vector<16xi32>,
      %swap3A_32 = arith.constant 112 : index
      %swap3A_33 = tpu.vector_load %arg6[%swap3A_32] {strides = array<i32>} : memref<320xi32, #tpu.memory_space<vmem>>, vector<16xi32>,
      tpu.vector_store %arg6[%swap3A_32], %broadcast_in_dim3A_9 {strides = array<i32>} : memref<320xi32, #tpu.memory_space<vmem>>, vector<16xi32>,
      %swap3A_34 = arith.constant 128 : index
      %swap3A_35 = tpu.vector_load %arg6[%swap3A_34] {strides = array<i32>} : memref<320xi32, #tpu.memory_space<vmem>>, vector<16xi32>,
      tpu.vector_store %arg6[%swap3A_34], %broadcast_in_dim3A_9 {strides = array<i32>} : memref<320xi32, #tpu.memory_space<vmem>>, vector<16xi32>,
      %swap3A_36 = arith.constant 144 : index
      %swap3A_37 = tpu.vector_load %arg6[%swap3A_36] {strides = array<i32>} : memref<320xi32, #tpu.memory_space<vmem>>, vector<16xi32>,
      tpu.vector_store %arg6[%swap3A_36], %broadcast_in_dim3A_9 {strides = array<i32>} : memref<320xi32, #tpu.memory_space<vmem>>, vector<16xi32>,
      %swap3A_38 = arith.constant 160 : index
      %swap3A_39 = tpu.vector_load %arg6[%swap3A_38] {strides = array<i32>} : memref<320xi32, #tpu.memory_space<vmem>>, vector<16xi32>,
      tpu.vector_store %arg6[%swap3A_38], %broadcast_in_dim3A_9 {strides = array<i32>} : memref<320xi32, #tpu.memory_space<vmem>>, vector<16xi32>,
      %swap3A_40 = arith.constant 176 : index
      %swap3A_41 = tpu.vector_load %arg6[%swap3A_40] {strides = array<i32>} : memref<320xi32, #tpu.memory_space<vmem>>, vector<16xi32>,
      tpu.vector_store %arg6[%swap3A_40], %broadcast_in_dim3A_9 {strides = array<i32>} : memref<320xi32, #tpu.memory_space<vmem>>, vector<16xi32>,
      %swap3A_42 = arith.constant 192 : index
      %swap3A_43 = tpu.vector_load %arg6[%swap3A_42] {strides = array<i32>} : memref<320xi32, #tpu.memory_space<vmem>>, vector<16xi32>,
      tpu.vector_store %arg6[%swap3A_42], %broadcast_in_dim3A_9 {strides = array<i32>} : memref<320xi32, #tpu.memory_space<vmem>>, vector<16xi32>,
      %swap3A_44 = arith.constant 208 : index
      %swap3A_45 = tpu.vector_load %arg6[%swap3A_44] {strides = array<i32>} : memref<320xi32, #tpu.memory_space<vmem>>, vector<16xi32>,
      tpu.vector_store %arg6[%swap3A_44], %broadcast_in_dim3A_9 {strides = array<i32>} : memref<320xi32, #tpu.memory_space<vmem>>, vector<16xi32>,
      %swap3A_46 = arith.constant 224 : index
      %swap3A_47 = tpu.vector_load %arg6[%swap3A_46] {strides = array<i32>} : memref<320xi32, #tpu.memory_space<vmem>>, vector<16xi32>,
      tpu.vector_store %arg6[%swap3A_46], %broadcast_in_dim3A_9 {strides = array<i32>} : memref<320xi32, #tpu.memory_space<vmem>>, vector<16xi32>,
      %swap3A_48 = arith.constant 240 : index
      %swap3A_49 = tpu.vector_load %arg6[%swap3A_48] {strides = array<i32>} : memref<320xi32, #tpu.memory_space<vmem>>, vector<16xi32>,
      tpu.vector_store %arg6[%swap3A_48], %broadcast_in_dim3A_9 {strides = array<i32>} : memref<320xi32, #tpu.memory_space<vmem>>, vector<16xi32>,
      %swap3A_50 = arith.constant 256 : index
      %swap3A_51 = tpu.vector_load %arg6[%swap3A_50] {strides = array<i32>} : memref<320xi32, #tpu.memory_space<vmem>>, vector<16xi32>,
      tpu.vector_store %arg6[%swap3A_50], %broadcast_in_dim3A_9 {strides = array<i32>} : memref<320xi32, #tpu.memory_space<vmem>>, vector<16xi32>,
      %swap3A_52 = arith.constant 272 : index
      %swap3A_53 = tpu.vector_load %arg6[%swap3A_52] {strides = array<i32>} : memref<320xi32, #tpu.memory_space<vmem>>, vector<16xi32>,
      tpu.vector_store %arg6[%swap3A_52], %broadcast_in_dim3A_9 {strides = array<i32>} : memref<320xi32, #tpu.memory_space<vmem>>, vector<16xi32>,
      %swap3A_54 = arith.constant 288 : index
      %swap3A_55 = tpu.vector_load %arg6[%swap3A_54] {strides = array<i32>} : memref<320xi32, #tpu.memory_space<vmem>>, vector<16xi32>,
      tpu.vector_store %arg6[%swap3A_54], %broadcast_in_dim3A_9 {strides = array<i32>} : memref<320xi32, #tpu.memory_space<vmem>>, vector<16xi32>,
      %swap3A_56 = arith.constant 304 : index
      %swap3A_57 = tpu.vector_load %arg6[%swap3A_56] {strides = array<i32>} : memref<320xi32, #tpu.memory_space<vmem>>, vector<16xi32>,
      tpu.vector_store %arg6[%swap3A_56], %broadcast_in_dim3A_9 {strides = array<i32>} : memref<320xi32, #tpu.memory_space<vmem>>, vector<16xi32>,
      %add3A_58 = arith.constant 0 : i32
      %add3A_59 = vector.broadcast %add3A_58 : i32 to vector<16xi32>
      %add3A_60 = arith.addi %mul3A_3, %add3A_59 : vector<16xi32>
      %gather3A = tpu.vector_load_idx %arg5[%add3A_60] : memref<4096xi32, #tpu.memory_space<vmem>>[vector<16xi32>], vector<16xi32>,
      %add3A_61 = arith.addi %mul3A_6, %gather3A : vector<16xi32>
      tpu.vector_store_idx %arg6[%add3A_61], %broadcast_in_dim3A_7 {add = true} : memref<320xi32, #tpu.memory_space<vmem>>[vector<16xi32>], vector<16xi32>,
      %add3A_62 = arith.constant 1 : i32
      %add3A_63 = vector.broadcast %add3A_62 : i32 to vector<16xi32>
      %add3A_64 = arith.addi %mul3A_3, %add3A_63 : vector<16xi32>
      %gather3A_65 = tpu.vector_load_idx %arg5[%add3A_64] : memref<4096xi32, #tpu.memory_space<vmem>>[vector<16xi32>], vector<16xi32>,
      %add3A_66 = arith.addi %mul3A_6, %gather3A_65 : vector<16xi32>
      tpu.vector_store_idx %arg6[%add3A_66], %broadcast_in_dim3A_7 {add = true} : memref<320xi32, #tpu.memory_space<vmem>>[vector<16xi32>], vector<16xi32>,
      %add3A_67 = arith.constant 2 : i32
      %add3A_68 = vector.broadcast %add3A_67 : i32 to vector<16xi32>
      %add3A_69 = arith.addi %mul3A_3, %add3A_68 : vector<16xi32>
      %gather3A_70 = tpu.vector_load_idx %arg5[%add3A_69] : memref<4096xi32, #tpu.memory_space<vmem>>[vector<16xi32>], vector<16xi32>,
      %add3A_71 = arith.addi %mul3A_6, %gather3A_70 : vector<16xi32>
      tpu.vector_store_idx %arg6[%add3A_71], %broadcast_in_dim3A_7 {add = true} : memref<320xi32, #tpu.memory_space<vmem>>[vector<16xi32>], vector<16xi32>,
      %add3A_72 = arith.constant 3 : i32
      %add3A_73 = vector.broadcast %add3A_72 : i32 to vector<16xi32>
      %add3A_74 = arith.addi %mul3A_3, %add3A_73 : vector<16xi32>
      %gather3A_75 = tpu.vector_load_idx %arg5[%add3A_74] : memref<4096xi32, #tpu.memory_space<vmem>>[vector<16xi32>], vector<16xi32>,
      %add3A_76 = arith.addi %mul3A_6, %gather3A_75 : vector<16xi32>
      tpu.vector_store_idx %arg6[%add3A_76], %broadcast_in_dim3A_7 {add = true} : memref<320xi32, #tpu.memory_space<vmem>>[vector<16xi32>], vector<16xi32>,
      %add3A_77 = arith.constant 4 : i32
      %add3A_78 = vector.broadcast %add3A_77 : i32 to vector<16xi32>
      %add3A_79 = arith.addi %mul3A_3, %add3A_78 : vector<16xi32>
      %gather3A_80 = tpu.vector_load_idx %arg5[%add3A_79] : memref<4096xi32, #tpu.memory_space<vmem>>[vector<16xi32>], vector<16xi32>,
      %add3A_81 = arith.addi %mul3A_6, %gather3A_80 : vector<16xi32>
      tpu.vector_store_idx %arg6[%add3A_81], %broadcast_in_dim3A_7 {add = true} : memref<320xi32, #tpu.memory_space<vmem>>[vector<16xi32>], vector<16xi32>,
      %add3A_82 = arith.constant 5 : i32
      %add3A_83 = vector.broadcast %add3A_82 : i32 to vector<16xi32>
      %add3A_84 = arith.addi %mul3A_3, %add3A_83 : vector<16xi32>
      %gather3A_85 = tpu.vector_load_idx %arg5[%add3A_84] : memref<4096xi32, #tpu.memory_space<vmem>>[vector<16xi32>], vector<16xi32>,
      %add3A_86 = arith.addi %mul3A_6, %gather3A_85 : vector<16xi32>
      tpu.vector_store_idx %arg6[%add3A_86], %broadcast_in_dim3A_7 {add = true} : memref<320xi32, #tpu.memory_space<vmem>>[vector<16xi32>], vector<16xi32>,
      %add3A_87 = arith.constant 6 : i32
      %add3A_88 = vector.broadcast %add3A_87 : i32 to vector<16xi32>
      %add3A_89 = arith.addi %mul3A_3, %add3A_88 : vector<16xi32>
      %gather3A_90 = tpu.vector_load_idx %arg5[%add3A_89] : memref<4096xi32, #tpu.memory_space<vmem>>[vector<16xi32>], vector<16xi32>,
      %add3A_91 = arith.addi %mul3A_6, %gather3A_90 : vector<16xi32>
      tpu.vector_store_idx %arg6[%add3A_91], %broadcast_in_dim3A_7 {add = true} : memref<320xi32, #tpu.memory_space<vmem>>[vector<16xi32>], vector<16xi32>,
      %add3A_92 = arith.constant 7 : i32
      %add3A_93 = vector.broadcast %add3A_92 : i32 to vector<16xi32>
      %add3A_94 = arith.addi %mul3A_3, %add3A_93 : vector<16xi32>
      %gather3A_95 = tpu.vector_load_idx %arg5[%add3A_94] : memref<4096xi32, #tpu.memory_space<vmem>>[vector<16xi32>], vector<16xi32>,
      %add3A_96 = arith.addi %mul3A_6, %gather3A_95 : vector<16xi32>
      tpu.vector_store_idx %arg6[%add3A_96], %broadcast_in_dim3A_7 {add = true} : memref<320xi32, #tpu.memory_space<vmem>>[vector<16xi32>], vector<16xi32>,
      %add3A_97 = arith.constant 512 : i32
      %add3A_98 = vector.broadcast %add3A_97 : i32 to vector<16xi32>
      %add3A_99 = arith.addi %mul3A_3, %add3A_98 : vector<16xi32>
      %gather3A_100 = tpu.vector_load_idx %arg5[%add3A_99] : memref<4096xi32, #tpu.memory_space<vmem>>[vector<16xi32>], vector<16xi32>,
      %add3A_101 = arith.addi %mul3A_6, %gather3A_100 : vector<16xi32>
      tpu.vector_store_idx %arg6[%add3A_101], %broadcast_in_dim3A_7 {add = true} : memref<320xi32, #tpu.memory_space<vmem>>[vector<16xi32>], vector<16xi32>,
      %add3A_102 = arith.constant 513 : i32
      %add3A_103 = vector.broadcast %add3A_102 : i32 to vector<16xi32>
      %add3A_104 = arith.addi %mul3A_3, %add3A_103 : vector<16xi32>
      %gather3A_105 = tpu.vector_load_idx %arg5[%add3A_104] : memref<4096xi32, #tpu.memory_space<vmem>>[vector<16xi32>], vector<16xi32>,
      %add3A_106 = arith.addi %mul3A_6, %gather3A_105 : vector<16xi32>
      tpu.vector_store_idx %arg6[%add3A_106], %broadcast_in_dim3A_7 {add = true} : memref<320xi32, #tpu.memory_space<vmem>>[vector<16xi32>], vector<16xi32>,
      %add3A_107 = arith.constant 514 : i32
      %add3A_108 = vector.broadcast %add3A_107 : i32 to vector<16xi32>
      %add3A_109 = arith.addi %mul3A_3, %add3A_108 : vector<16xi32>
      %gather3A_110 = tpu.vector_load_idx %arg5[%add3A_109] : memref<4096xi32, #tpu.memory_space<vmem>>[vector<16xi32>], vector<16xi32>,
      %add3A_111 = arith.addi %mul3A_6, %gather3A_110 : vector<16xi32>
      tpu.vector_store_idx %arg6[%add3A_111], %broadcast_in_dim3A_7 {add = true} : memref<320xi32, #tpu.memory_space<vmem>>[vector<16xi32>], vector<16xi32>,
      %add3A_112 = arith.constant 515 : i32
      %add3A_113 = vector.broadcast %add3A_112 : i32 to vector<16xi32>
      %add3A_114 = arith.addi %mul3A_3, %add3A_113 : vector<16xi32>
      %gather3A_115 = tpu.vector_load_idx %arg5[%add3A_114] : memref<4096xi32, #tpu.memory_space<vmem>>[vector<16xi32>], vector<16xi32>,
      %add3A_116 = arith.addi %mul3A_6, %gather3A_115 : vector<16xi32>
      tpu.vector_store_idx %arg6[%add3A_116], %broadcast_in_dim3A_7 {add = true} : memref<320xi32, #tpu.memory_space<vmem>>[vector<16xi32>], vector<16xi32>,
      %add3A_117 = arith.constant 516 : i32
      %add3A_118 = vector.broadcast %add3A_117 : i32 to vector<16xi32>
      %add3A_119 = arith.addi %mul3A_3, %add3A_118 : vector<16xi32>
      %gather3A_120 = tpu.vector_load_idx %arg5[%add3A_119] : memref<4096xi32, #tpu.memory_space<vmem>>[vector<16xi32>], vector<16xi32>,
      %add3A_121 = arith.addi %mul3A_6, %gather3A_120 : vector<16xi32>
      tpu.vector_store_idx %arg6[%add3A_121], %broadcast_in_dim3A_7 {add = true} : memref<320xi32, #tpu.memory_space<vmem>>[vector<16xi32>], vector<16xi32>,
      %add3A_122 = arith.constant 517 : i32
      %add3A_123 = vector.broadcast %add3A_122 : i32 to vector<16xi32>
      %add3A_124 = arith.addi %mul3A_3, %add3A_123 : vector<16xi32>
      %gather3A_125 = tpu.vector_load_idx %arg5[%add3A_124] : memref<4096xi32, #tpu.memory_space<vmem>>[vector<16xi32>], vector<16xi32>,
      %add3A_126 = arith.addi %mul3A_6, %gather3A_125 : vector<16xi32>
      tpu.vector_store_idx %arg6[%add3A_126], %broadcast_in_dim3A_7 {add = true} : memref<320xi32, #tpu.memory_space<vmem>>[vector<16xi32>], vector<16xi32>,
      %add3A_127 = arith.constant 518 : i32
      %add3A_128 = vector.broadcast %add3A_127 : i32 to vector<16xi32>
      %add3A_129 = arith.addi %mul3A_3, %add3A_128 : vector<16xi32>
      %gather3A_130 = tpu.vector_load_idx %arg5[%add3A_129] : memref<4096xi32, #tpu.memory_space<vmem>>[vector<16xi32>], vector<16xi32>,
      %add3A_131 = arith.addi %mul3A_6, %gather3A_130 : vector<16xi32>
      tpu.vector_store_idx %arg6[%add3A_131], %broadcast_in_dim3A_7 {add = true} : memref<320xi32, #tpu.memory_space<vmem>>[vector<16xi32>], vector<16xi32>,
      %add3A_132 = arith.constant 519 : i32
      %add3A_133 = vector.broadcast %add3A_132 : i32 to vector<16xi32>
      %add3A_134 = arith.addi %mul3A_3, %add3A_133 : vector<16xi32>
      %gather3A_135 = tpu.vector_load_idx %arg5[%add3A_134] : memref<4096xi32, #tpu.memory_space<vmem>>[vector<16xi32>], vector<16xi32>,
      %add3A_136 = arith.addi %mul3A_6, %gather3A_135 : vector<16xi32>
      tpu.vector_store_idx %arg6[%add3A_136], %broadcast_in_dim3A_7 {add = true} : memref<320xi32, #tpu.memory_space<vmem>>[vector<16xi32>], vector<16xi32>,
      %add3A_137 = arith.constant 1024 : i32
      %add3A_138 = vector.broadcast %add3A_137 : i32 to vector<16xi32>
      %add3A_139 = arith.addi %mul3A_3, %add3A_138 : vector<16xi32>
      %gather3A_140 = tpu.vector_load_idx %arg5[%add3A_139] : memref<4096xi32, #tpu.memory_space<vmem>>[vector<16xi32>], vector<16xi32>,
      %add3A_141 = arith.addi %mul3A_6, %gather3A_140 : vector<16xi32>
      tpu.vector_store_idx %arg6[%add3A_141], %broadcast_in_dim3A_7 {add = true} : memref<320xi32, #tpu.memory_space<vmem>>[vector<16xi32>], vector<16xi32>,
      %add3A_142 = arith.constant 1025 : i32
      %add3A_143 = vector.broadcast %add3A_142 : i32 to vector<16xi32>
      %add3A_144 = arith.addi %mul3A_3, %add3A_143 : vector<16xi32>
      %gather3A_145 = tpu.vector_load_idx %arg5[%add3A_144] : memref<4096xi32, #tpu.memory_space<vmem>>[vector<16xi32>], vector<16xi32>,
      %add3A_146 = arith.addi %mul3A_6, %gather3A_145 : vector<16xi32>
      tpu.vector_store_idx %arg6[%add3A_146], %broadcast_in_dim3A_7 {add = true} : memref<320xi32, #tpu.memory_space<vmem>>[vector<16xi32>], vector<16xi32>,
      %add3A_147 = arith.constant 1026 : i32
      %add3A_148 = vector.broadcast %add3A_147 : i32 to vector<16xi32>
      %add3A_149 = arith.addi %mul3A_3, %add3A_148 : vector<16xi32>
      %gather3A_150 = tpu.vector_load_idx %arg5[%add3A_149] : memref<4096xi32, #tpu.memory_space<vmem>>[vector<16xi32>], vector<16xi32>,
      %add3A_151 = arith.addi %mul3A_6, %gather3A_150 : vector<16xi32>
      tpu.vector_store_idx %arg6[%add3A_151], %broadcast_in_dim3A_7 {add = true} : memref<320xi32, #tpu.memory_space<vmem>>[vector<16xi32>], vector<16xi32>,
      %add3A_152 = arith.constant 1027 : i32
      %add3A_153 = vector.broadcast %add3A_152 : i32 to vector<16xi32>
      %add3A_154 = arith.addi %mul3A_3, %add3A_153 : vector<16xi32>
      %gather3A_155 = tpu.vector_load_idx %arg5[%add3A_154] : memref<4096xi32, #tpu.memory_space<vmem>>[vector<16xi32>], vector<16xi32>,
      %add3A_156 = arith.addi %mul3A_6, %gather3A_155 : vector<16xi32>
      tpu.vector_store_idx %arg6[%add3A_156], %broadcast_in_dim3A_7 {add = true} : memref<320xi32, #tpu.memory_space<vmem>>[vector<16xi32>], vector<16xi32>,
      %add3A_157 = arith.constant 1028 : i32
      %add3A_158 = vector.broadcast %add3A_157 : i32 to vector<16xi32>
      %add3A_159 = arith.addi %mul3A_3, %add3A_158 : vector<16xi32>
      %gather3A_160 = tpu.vector_load_idx %arg5[%add3A_159] : memref<4096xi32, #tpu.memory_space<vmem>>[vector<16xi32>], vector<16xi32>,
      %add3A_161 = arith.addi %mul3A_6, %gather3A_160 : vector<16xi32>
      tpu.vector_store_idx %arg6[%add3A_161], %broadcast_in_dim3A_7 {add = true} : memref<320xi32, #tpu.memory_space<vmem>>[vector<16xi32>], vector<16xi32>,
      %add3A_162 = arith.constant 1029 : i32
      %add3A_163 = vector.broadcast %add3A_162 : i32 to vector<16xi32>
      %add3A_164 = arith.addi %mul3A_3, %add3A_163 : vector<16xi32>
      %gather3A_165 = tpu.vector_load_idx %arg5[%add3A_164] : memref<4096xi32, #tpu.memory_space<vmem>>[vector<16xi32>], vector<16xi32>,
      %add3A_166 = arith.addi %mul3A_6, %gather3A_165 : vector<16xi32>
      tpu.vector_store_idx %arg6[%add3A_166], %broadcast_in_dim3A_7 {add = true} : memref<320xi32, #tpu.memory_space<vmem>>[vector<16xi32>], vector<16xi32>,
      %add3A_167 = arith.constant 1030 : i32
      %add3A_168 = vector.broadcast %add3A_167 : i32 to vector<16xi32>
      %add3A_169 = arith.addi %mul3A_3, %add3A_168 : vector<16xi32>
      %gather3A_170 = tpu.vector_load_idx %arg5[%add3A_169] : memref<4096xi32, #tpu.memory_space<vmem>>[vector<16xi32>], vector<16xi32>,
      %add3A_171 = arith.addi %mul3A_6, %gather3A_170 : vector<16xi32>
      tpu.vector_store_idx %arg6[%add3A_171], %broadcast_in_dim3A_7 {add = true} : memref<320xi32, #tpu.memory_space<vmem>>[vector<16xi32>], vector<16xi32>,
      %add3A_172 = arith.constant 1031 : i32
      %add3A_173 = vector.broadcast %add3A_172 : i32 to vector<16xi32>
      %add3A_174 = arith.addi %mul3A_3, %add3A_173 : vector<16xi32>
      %gather3A_175 = tpu.vector_load_idx %arg5[%add3A_174] : memref<4096xi32, #tpu.memory_space<vmem>>[vector<16xi32>], vector<16xi32>,
      %add3A_176 = arith.addi %mul3A_6, %gather3A_175 : vector<16xi32>
      tpu.vector_store_idx %arg6[%add3A_176], %broadcast_in_dim3A_7 {add = true} : memref<320xi32, #tpu.memory_space<vmem>>[vector<16xi32>], vector<16xi32>,
      %add3A_177 = arith.constant 1536 : i32
      %add3A_178 = vector.broadcast %add3A_177 : i32 to vector<16xi32>
      %add3A_179 = arith.addi %mul3A_3, %add3A_178 : vector<16xi32>
      %gather3A_180 = tpu.vector_load_idx %arg5[%add3A_179] : memref<4096xi32, #tpu.memory_space<vmem>>[vector<16xi32>], vector<16xi32>,
      %add3A_181 = arith.addi %mul3A_6, %gather3A_180 : vector<16xi32>
      tpu.vector_store_idx %arg6[%add3A_181], %broadcast_in_dim3A_7 {add = true} : memref<320xi32, #tpu.memory_space<vmem>>[vector<16xi32>], vector<16xi32>,
      %add3A_182 = arith.constant 1537 : i32
      %add3A_183 = vector.broadcast %add3A_182 : i32 to vector<16xi32>
      %add3A_184 = arith.addi %mul3A_3, %add3A_183 : vector<16xi32>
      %gather3A_185 = tpu.vector_load_idx %arg5[%add3A_184] : memref<4096xi32, #tpu.memory_space<vmem>>[vector<16xi32>], vector<16xi32>,
      %add3A_186 = arith.addi %mul3A_6, %gather3A_185 : vector<16xi32>
      tpu.vector_store_idx %arg6[%add3A_186], %broadcast_in_dim3A_7 {add = true} : memref<320xi32, #tpu.memory_space<vmem>>[vector<16xi32>], vector<16xi32>,
      %add3A_187 = arith.constant 1538 : i32
      %add3A_188 = vector.broadcast %add3A_187 : i32 to vector<16xi32>
      %add3A_189 = arith.addi %mul3A_3, %add3A_188 : vector<16xi32>
      %gather3A_190 = tpu.vector_load_idx %arg5[%add3A_189] : memref<4096xi32, #tpu.memory_space<vmem>>[vector<16xi32>], vector<16xi32>,
      %add3A_191 = arith.addi %mul3A_6, %gather3A_190 : vector<16xi32>
      tpu.vector_store_idx %arg6[%add3A_191], %broadcast_in_dim3A_7 {add = true} : memref<320xi32, #tpu.memory_space<vmem>>[vector<16xi32>], vector<16xi32>,
      %add3A_192 = arith.constant 1539 : i32
      %add3A_193 = vector.broadcast %add3A_192 : i32 to vector<16xi32>
      %add3A_194 = arith.addi %mul3A_3, %add3A_193 : vector<16xi32>
      %gather3A_195 = tpu.vector_load_idx %arg5[%add3A_194] : memref<4096xi32, #tpu.memory_space<vmem>>[vector<16xi32>], vector<16xi32>,
      %add3A_196 = arith.addi %mul3A_6, %gather3A_195 : vector<16xi32>
      tpu.vector_store_idx %arg6[%add3A_196], %broadcast_in_dim3A_7 {add = true} : memref<320xi32, #tpu.memory_space<vmem>>[vector<16xi32>], vector<16xi32>,
      %add3A_197 = arith.constant 1540 : i32
      %add3A_198 = vector.broadcast %add3A_197 : i32 to vector<16xi32>
      %add3A_199 = arith.addi %mul3A_3, %add3A_198 : vector<16xi32>
      %gather3A_200 = tpu.vector_load_idx %arg5[%add3A_199] : memref<4096xi32, #tpu.memory_space<vmem>>[vector<16xi32>], vector<16xi32>,
      %add3A_201 = arith.addi %mul3A_6, %gather3A_200 : vector<16xi32>
      tpu.vector_store_idx %arg6[%add3A_201], %broadcast_in_dim3A_7 {add = true} : memref<320xi32, #tpu.memory_space<vmem>>[vector<16xi32>], vector<16xi32>,
      %add3A_202 = arith.constant 1541 : i32
      %add3A_203 = vector.broadcast %add3A_202 : i32 to vector<16xi32>
      %add3A_204 = arith.addi %mul3A_3, %add3A_203 : vector<16xi32>
      %gather3A_205 = tpu.vector_load_idx %arg5[%add3A_204] : memref<4096xi32, #tpu.memory_space<vmem>>[vector<16xi32>], vector<16xi32>,
      %add3A_206 = arith.addi %mul3A_6, %gather3A_205 : vector<16xi32>
      tpu.vector_store_idx %arg6[%add3A_206], %broadcast_in_dim3A_7 {add = true} : memref<320xi32, #tpu.memory_space<vmem>>[vector<16xi32>], vector<16xi32>,
      %add3A_207 = arith.constant 1542 : i32
      %add3A_208 = vector.broadcast %add3A_207 : i32 to vector<16xi32>
      %add3A_209 = arith.addi %mul3A_3, %add3A_208 : vector<16xi32>
      %gather3A_210 = tpu.vector_load_idx %arg5[%add3A_209] : memref<4096xi32, #tpu.memory_space<vmem>>[vector<16xi32>], vector<16xi32>,
      %add3A_211 = arith.addi %mul3A_6, %gather3A_210 : vector<16xi32>
      tpu.vector_store_idx %arg6[%add3A_211], %broadcast_in_dim3A_7 {add = true} : memref<320xi32, #tpu.memory_space<vmem>>[vector<16xi32>], vector<16xi32>,
      %add3A_212 = arith.constant 1543 : i32
      %add3A_213 = vector.broadcast %add3A_212 : i32 to vector<16xi32>
      %add3A_214 = arith.addi %mul3A_3, %add3A_213 : vector<16xi32>
      %gather3A_215 = tpu.vector_load_idx %arg5[%add3A_214] : memref<4096xi32, #tpu.memory_space<vmem>>[vector<16xi32>], vector<16xi32>,
      %add3A_216 = arith.addi %mul3A_6, %gather3A_215 : vector<16xi32>
      tpu.vector_store_idx %arg6[%add3A_216], %broadcast_in_dim3A_7 {add = true} : memref<320xi32, #tpu.memory_space<vmem>>[vector<16xi32>], vector<16xi32>,
      %add3A_217 = arith.constant 2048 : i32
      %add3A_218 = vector.broadcast %add3A_217 : i32 to vector<16xi32>
      %add3A_219 = arith.addi %mul3A_3, %add3A_218 : vector<16xi32>
      %gather3A_220 = tpu.vector_load_idx %arg5[%add3A_219] : memref<4096xi32, #tpu.memory_space<vmem>>[vector<16xi32>], vector<16xi32>,
      %add3A_221 = arith.addi %mul3A_6, %gather3A_220 : vector<16xi32>
      tpu.vector_store_idx %arg6[%add3A_221], %broadcast_in_dim3A_7 {add = true} : memref<320xi32, #tpu.memory_space<vmem>>[vector<16xi32>], vector<16xi32>,
      %add3A_222 = arith.constant 2049 : i32
      %add3A_223 = vector.broadcast %add3A_222 : i32 to vector<16xi32>
      %add3A_224 = arith.addi %mul3A_3, %add3A_223 : vector<16xi32>
      %gather3A_225 = tpu.vector_load_idx %arg5[%add3A_224] : memref<4096xi32, #tpu.memory_space<vmem>>[vector<16xi32>], vector<16xi32>,
      %add3A_226 = arith.addi %mul3A_6, %gather3A_225 : vector<16xi32>
      tpu.vector_store_idx %arg6[%add3A_226], %broadcast_in_dim3A_7 {add = true} : memref<320xi32, #tpu.memory_space<vmem>>[vector<16xi32>], vector<16xi32>,
      %add3A_227 = arith.constant 2050 : i32
      %add3A_228 = vector.broadcast %add3A_227 : i32 to vector<16xi32>
      %add3A_229 = arith.addi %mul3A_3, %add3A_228 : vector<16xi32>
      %gather3A_230 = tpu.vector_load_idx %arg5[%add3A_229] : memref<4096xi32, #tpu.memory_space<vmem>>[vector<16xi32>], vector<16xi32>,
      %add3A_231 = arith.addi %mul3A_6, %gather3A_230 : vector<16xi32>
      tpu.vector_store_idx %arg6[%add3A_231], %broadcast_in_dim3A_7 {add = true} : memref<320xi32, #tpu.memory_space<vmem>>[vector<16xi32>], vector<16xi32>,
      %add3A_232 = arith.constant 2051 : i32
      %add3A_233 = vector.broadcast %add3A_232 : i32 to vector<16xi32>
      %add3A_234 = arith.addi %mul3A_3, %add3A_233 : vector<16xi32>
      %gather3A_235 = tpu.vector_load_idx %arg5[%add3A_234] : memref<4096xi32, #tpu.memory_space<vmem>>[vector<16xi32>], vector<16xi32>,
      %add3A_236 = arith.addi %mul3A_6, %gather3A_235 : vector<16xi32>
      tpu.vector_store_idx %arg6[%add3A_236], %broadcast_in_dim3A_7 {add = true} : memref<320xi32, #tpu.memory_space<vmem>>[vector<16xi32>], vector<16xi32>,
      %add3A_237 = arith.constant 2052 : i32
      %add3A_238 = vector.broadcast %add3A_237 : i32 to vector<16xi32>
      %add3A_239 = arith.addi %mul3A_3, %add3A_238 : vector<16xi32>
      %gather3A_240 = tpu.vector_load_idx %arg5[%add3A_239] : memref<4096xi32, #tpu.memory_space<vmem>>[vector<16xi32>], vector<16xi32>,
      %add3A_241 = arith.addi %mul3A_6, %gather3A_240 : vector<16xi32>
      tpu.vector_store_idx %arg6[%add3A_241], %broadcast_in_dim3A_7 {add = true} : memref<320xi32, #tpu.memory_space<vmem>>[vector<16xi32>], vector<16xi32>,
      %add3A_242 = arith.constant 2053 : i32
      %add3A_243 = vector.broadcast %add3A_242 : i32 to vector<16xi32>
      %add3A_244 = arith.addi %mul3A_3, %add3A_243 : vector<16xi32>
      %gather3A_245 = tpu.vector_load_idx %arg5[%add3A_244] : memref<4096xi32, #tpu.memory_space<vmem>>[vector<16xi32>], vector<16xi32>,
      %add3A_246 = arith.addi %mul3A_6, %gather3A_245 : vector<16xi32>
      tpu.vector_store_idx %arg6[%add3A_246], %broadcast_in_dim3A_7 {add = true} : memref<320xi32, #tpu.memory_space<vmem>>[vector<16xi32>], vector<16xi32>,
      %add3A_247 = arith.constant 2054 : i32
      %add3A_248 = vector.broadcast %add3A_247 : i32 to vector<16xi32>
      %add3A_249 = arith.addi %mul3A_3, %add3A_248 : vector<16xi32>
      %gather3A_250 = tpu.vector_load_idx %arg5[%add3A_249] : memref<4096xi32, #tpu.memory_space<vmem>>[vector<16xi32>], vector<16xi32>,
      %add3A_251 = arith.addi %mul3A_6, %gather3A_250 : vector<16xi32>
      tpu.vector_store_idx %arg6[%add3A_251], %broadcast_in_dim3A_7 {add = true} : memref<320xi32, #tpu.memory_space<vmem>>[vector<16xi32>], vector<16xi32>,
      %add3A_252 = arith.constant 2055 : i32
      %add3A_253 = vector.broadcast %add3A_252 : i32 to vector<16xi32>
      %add3A_254 = arith.addi %mul3A_3, %add3A_253 : vector<16xi32>
      %gather3A_255 = tpu.vector_load_idx %arg5[%add3A_254] : memref<4096xi32, #tpu.memory_space<vmem>>[vector<16xi32>], vector<16xi32>,
      %add3A_256 = arith.addi %mul3A_6, %gather3A_255 : vector<16xi32>
      tpu.vector_store_idx %arg6[%add3A_256], %broadcast_in_dim3A_7 {add = true} : memref<320xi32, #tpu.memory_space<vmem>>[vector<16xi32>], vector<16xi32>,
      %add3A_257 = arith.constant 2560 : i32
      %add3A_258 = vector.broadcast %add3A_257 : i32 to vector<16xi32>
      %add3A_259 = arith.addi %mul3A_3, %add3A_258 : vector<16xi32>
      %gather3A_260 = tpu.vector_load_idx %arg5[%add3A_259] : memref<4096xi32, #tpu.memory_space<vmem>>[vector<16xi32>], vector<16xi32>,
      %add3A_261 = arith.addi %mul3A_6, %gather3A_260 : vector<16xi32>
      tpu.vector_store_idx %arg6[%add3A_261], %broadcast_in_dim3A_7 {add = true} : memref<320xi32, #tpu.memory_space<vmem>>[vector<16xi32>], vector<16xi32>,
      %add3A_262 = arith.constant 2561 : i32
      %add3A_263 = vector.broadcast %add3A_262 : i32 to vector<16xi32>
      %add3A_264 = arith.addi %mul3A_3, %add3A_263 : vector<16xi32>
      %gather3A_265 = tpu.vector_load_idx %arg5[%add3A_264] : memref<4096xi32, #tpu.memory_space<vmem>>[vector<16xi32>], vector<16xi32>,
      %add3A_266 = arith.addi %mul3A_6, %gather3A_265 : vector<16xi32>
      tpu.vector_store_idx %arg6[%add3A_266], %broadcast_in_dim3A_7 {add = true} : memref<320xi32, #tpu.memory_space<vmem>>[vector<16xi32>], vector<16xi32>,
      %add3A_267 = arith.constant 2562 : i32
      %add3A_268 = vector.broadcast %add3A_267 : i32 to vector<16xi32>
      %add3A_269 = arith.addi %mul3A_3, %add3A_268 : vector<16xi32>
      %gather3A_270 = tpu.vector_load_idx %arg5[%add3A_269] : memref<4096xi32, #tpu.memory_space<vmem>>[vector<16xi32>], vector<16xi32>,
      %add3A_271 = arith.addi %mul3A_6, %gather3A_270 : vector<16xi32>
      tpu.vector_store_idx %arg6[%add3A_271], %broadcast_in_dim3A_7 {add = true} : memref<320xi32, #tpu.memory_space<vmem>>[vector<16xi32>], vector<16xi32>,
      %add3A_272 = arith.constant 2563 : i32
      %add3A_273 = vector.broadcast %add3A_272 : i32 to vector<16xi32>
      %add3A_274 = arith.addi %mul3A_3, %add3A_273 : vector<16xi32>
      %gather3A_275 = tpu.vector_load_idx %arg5[%add3A_274] : memref<4096xi32, #tpu.memory_space<vmem>>[vector<16xi32>], vector<16xi32>,
      %add3A_276 = arith.addi %mul3A_6, %gather3A_275 : vector<16xi32>
      tpu.vector_store_idx %arg6[%add3A_276], %broadcast_in_dim3A_7 {add = true} : memref<320xi32, #tpu.memory_space<vmem>>[vector<16xi32>], vector<16xi32>,
      %add3A_277 = arith.constant 2564 : i32
      %add3A_278 = vector.broadcast %add3A_277 : i32 to vector<16xi32>
      %add3A_279 = arith.addi %mul3A_3, %add3A_278 : vector<16xi32>
      %gather3A_280 = tpu.vector_load_idx %arg5[%add3A_279] : memref<4096xi32, #tpu.memory_space<vmem>>[vector<16xi32>], vector<16xi32>,
      %add3A_281 = arith.addi %mul3A_6, %gather3A_280 : vector<16xi32>
      tpu.vector_store_idx %arg6[%add3A_281], %broadcast_in_dim3A_7 {add = true} : memref<320xi32, #tpu.memory_space<vmem>>[vector<16xi32>], vector<16xi32>,
      %add3A_282 = arith.constant 2565 : i32
      %add3A_283 = vector.broadcast %add3A_282 : i32 to vector<16xi32>
      %add3A_284 = arith.addi %mul3A_3, %add3A_283 : vector<16xi32>
      %gather3A_285 = tpu.vector_load_idx %arg5[%add3A_284] : memref<4096xi32, #tpu.memory_space<vmem>>[vector<16xi32>], vector<16xi32>,
      %add3A_286 = arith.addi %mul3A_6, %gather3A_285 : vector<16xi32>
      tpu.vector_store_idx %arg6[%add3A_286], %broadcast_in_dim3A_7 {add = true} : memref<320xi32, #tpu.memory_space<vmem>>[vector<16xi32>], vector<16xi32>,
      %add3A_287 = arith.constant 2566 : i32
      %add3A_288 = vector.broadcast %add3A_287 : i32 to vector<16xi32>
      %add3A_289 = arith.addi %mul3A_3, %add3A_288 : vector<16xi32>
      %gather3A_290 = tpu.vector_load_idx %arg5[%add3A_289] : memref<4096xi32, #tpu.memory_space<vmem>>[vector<16xi32>], vector<16xi32>,
      %add3A_291 = arith.addi %mul3A_6, %gather3A_290 : vector<16xi32>
      tpu.vector_store_idx %arg6[%add3A_291], %broadcast_in_dim3A_7 {add = true} : memref<320xi32, #tpu.memory_space<vmem>>[vector<16xi32>], vector<16xi32>,
      %add3A_292 = arith.constant 2567 : i32
      %add3A_293 = vector.broadcast %add3A_292 : i32 to vector<16xi32>
      %add3A_294 = arith.addi %mul3A_3, %add3A_293 : vector<16xi32>
      %gather3A_295 = tpu.vector_load_idx %arg5[%add3A_294] : memref<4096xi32, #tpu.memory_space<vmem>>[vector<16xi32>], vector<16xi32>,
      %add3A_296 = arith.addi %mul3A_6, %gather3A_295 : vector<16xi32>
      tpu.vector_store_idx %arg6[%add3A_296], %broadcast_in_dim3A_7 {add = true} : memref<320xi32, #tpu.memory_space<vmem>>[vector<16xi32>], vector<16xi32>,
      %add3A_297 = arith.constant 3072 : i32
      %add3A_298 = vector.broadcast %add3A_297 : i32 to vector<16xi32>
      %add3A_299 = arith.addi %mul3A_3, %add3A_298 : vector<16xi32>
      %gather3A_300 = tpu.vector_load_idx %arg5[%add3A_299] : memref<4096xi32, #tpu.memory_space<vmem>>[vector<16xi32>], vector<16xi32>,
      %add3A_301 = arith.addi %mul3A_6, %gather3A_300 : vector<16xi32>
      tpu.vector_store_idx %arg6[%add3A_301], %broadcast_in_dim3A_7 {add = true} : memref<320xi32, #tpu.memory_space<vmem>>[vector<16xi32>], vector<16xi32>,
      %add3A_302 = arith.constant 3073 : i32
      %add3A_303 = vector.broadcast %add3A_302 : i32 to vector<16xi32>
      %add3A_304 = arith.addi %mul3A_3, %add3A_303 : vector<16xi32>
      %gather3A_305 = tpu.vector_load_idx %arg5[%add3A_304] : memref<4096xi32, #tpu.memory_space<vmem>>[vector<16xi32>], vector<16xi32>,
      %add3A_306 = arith.addi %mul3A_6, %gather3A_305 : vector<16xi32>
      tpu.vector_store_idx %arg6[%add3A_306], %broadcast_in_dim3A_7 {add = true} : memref<320xi32, #tpu.memory_space<vmem>>[vector<16xi32>], vector<16xi32>,
      %add3A_307 = arith.constant 3074 : i32
      %add3A_308 = vector.broadcast %add3A_307 : i32 to vector<16xi32>
      %add3A_309 = arith.addi %mul3A_3, %add3A_308 : vector<16xi32>
      %gather3A_310 = tpu.vector_load_idx %arg5[%add3A_309] : memref<4096xi32, #tpu.memory_space<vmem>>[vector<16xi32>], vector<16xi32>,
      %add3A_311 = arith.addi %mul3A_6, %gather3A_310 : vector<16xi32>
      tpu.vector_store_idx %arg6[%add3A_311], %broadcast_in_dim3A_7 {add = true} : memref<320xi32, #tpu.memory_space<vmem>>[vector<16xi32>], vector<16xi32>,
      %add3A_312 = arith.constant 3075 : i32
      %add3A_313 = vector.broadcast %add3A_312 : i32 to vector<16xi32>
      %add3A_314 = arith.addi %mul3A_3, %add3A_313 : vector<16xi32>
      %gather3A_315 = tpu.vector_load_idx %arg5[%add3A_314] : memref<4096xi32, #tpu.memory_space<vmem>>[vector<16xi32>], vector<16xi32>,
      %add3A_316 = arith.addi %mul3A_6, %gather3A_315 : vector<16xi32>
      tpu.vector_store_idx %arg6[%add3A_316], %broadcast_in_dim3A_7 {add = true} : memref<320xi32, #tpu.memory_space<vmem>>[vector<16xi32>], vector<16xi32>,
      %add3A_317 = arith.constant 3076 : i32
      %add3A_318 = vector.broadcast %add3A_317 : i32 to vector<16xi32>
      %add3A_319 = arith.addi %mul3A_3, %add3A_318 : vector<16xi32>
      %gather3A_320 = tpu.vector_load_idx %arg5[%add3A_319] : memref<4096xi32, #tpu.memory_space<vmem>>[vector<16xi32>], vector<16xi32>,
      %add3A_321 = arith.addi %mul3A_6, %gather3A_320 : vector<16xi32>
      tpu.vector_store_idx %arg6[%add3A_321], %broadcast_in_dim3A_7 {add = true} : memref<320xi32, #tpu.memory_space<vmem>>[vector<16xi32>], vector<16xi32>,
      %add3A_322 = arith.constant 3077 : i32
      %add3A_323 = vector.broadcast %add3A_322 : i32 to vector<16xi32>
      %add3A_324 = arith.addi %mul3A_3, %add3A_323 : vector<16xi32>
      %gather3A_325 = tpu.vector_load_idx %arg5[%add3A_324] : memref<4096xi32, #tpu.memory_space<vmem>>[vector<16xi32>], vector<16xi32>,
      %add3A_326 = arith.addi %mul3A_6, %gather3A_325 : vector<16xi32>
      tpu.vector_store_idx %arg6[%add3A_326], %broadcast_in_dim3A_7 {add = true} : memref<320xi32, #tpu.memory_space<vmem>>[vector<16xi32>], vector<16xi32>,
      %add3A_327 = arith.constant 3078 : i32
      %add3A_328 = vector.broadcast %add3A_327 : i32 to vector<16xi32>
      %add3A_329 = arith.addi %mul3A_3, %add3A_328 : vector<16xi32>
      %gather3A_330 = tpu.vector_load_idx %arg5[%add3A_329] : memref<4096xi32, #tpu.memory_space<vmem>>[vector<16xi32>], vector<16xi32>,
      %add3A_331 = arith.addi %mul3A_6, %gather3A_330 : vector<16xi32>
      tpu.vector_store_idx %arg6[%add3A_331], %broadcast_in_dim3A_7 {add = true} : memref<320xi32, #tpu.memory_space<vmem>>[vector<16xi32>], vector<16xi32>,
      %add3A_332 = arith.constant 3079 : i32
      %add3A_333 = vector.broadcast %add3A_332 : i32 to vector<16xi32>
      %add3A_334 = arith.addi %mul3A_3, %add3A_333 : vector<16xi32>
      %gather3A_335 = tpu.vector_load_idx %arg5[%add3A_334] : memref<4096xi32, #tpu.memory_space<vmem>>[vector<16xi32>], vector<16xi32>,
      %add3A_336 = arith.addi %mul3A_6, %gather3A_335 : vector<16xi32>
      tpu.vector_store_idx %arg6[%add3A_336], %broadcast_in_dim3A_7 {add = true} : memref<320xi32, #tpu.memory_space<vmem>>[vector<16xi32>], vector<16xi32>,
      %add3A_337 = arith.constant 3584 : i32
      %add3A_338 = vector.broadcast %add3A_337 : i32 to vector<16xi32>
      %add3A_339 = arith.addi %mul3A_3, %add3A_338 : vector<16xi32>
      %gather3A_340 = tpu.vector_load_idx %arg5[%add3A_339] : memref<4096xi32, #tpu.memory_space<vmem>>[vector<16xi32>], vector<16xi32>,
      %add3A_341 = arith.addi %mul3A_6, %gather3A_340 : vector<16xi32>
      tpu.vector_store_idx %arg6[%add3A_341], %broadcast_in_dim3A_7 {add = true} : memref<320xi32, #tpu.memory_space<vmem>>[vector<16xi32>], vector<16xi32>,
      %add3A_342 = arith.constant 3585 : i32
      %add3A_343 = vector.broadcast %add3A_342 : i32 to vector<16xi32>
      %add3A_344 = arith.addi %mul3A_3, %add3A_343 : vector<16xi32>
      %gather3A_345 = tpu.vector_load_idx %arg5[%add3A_344] : memref<4096xi32, #tpu.memory_space<vmem>>[vector<16xi32>], vector<16xi32>,
      %add3A_346 = arith.addi %mul3A_6, %gather3A_345 : vector<16xi32>
      tpu.vector_store_idx %arg6[%add3A_346], %broadcast_in_dim3A_7 {add = true} : memref<320xi32, #tpu.memory_space<vmem>>[vector<16xi32>], vector<16xi32>,
      %add3A_347 = arith.constant 3586 : i32
      %add3A_348 = vector.broadcast %add3A_347 : i32 to vector<16xi32>
      %add3A_349 = arith.addi %mul3A_3, %add3A_348 : vector<16xi32>
      %gather3A_350 = tpu.vector_load_idx %arg5[%add3A_349] : memref<4096xi32, #tpu.memory_space<vmem>>[vector<16xi32>], vector<16xi32>,
      %add3A_351 = arith.addi %mul3A_6, %gather3A_350 : vector<16xi32>
      tpu.vector_store_idx %arg6[%add3A_351], %broadcast_in_dim3A_7 {add = true} : memref<320xi32, #tpu.memory_space<vmem>>[vector<16xi32>], vector<16xi32>,
      %add3A_352 = arith.constant 3587 : i32
      %add3A_353 = vector.broadcast %add3A_352 : i32 to vector<16xi32>
      %add3A_354 = arith.addi %mul3A_3, %add3A_353 : vector<16xi32>
      %gather3A_355 = tpu.vector_load_idx %arg5[%add3A_354] : memref<4096xi32, #tpu.memory_space<vmem>>[vector<16xi32>], vector<16xi32>,
      %add3A_356 = arith.addi %mul3A_6, %gather3A_355 : vector<16xi32>
      tpu.vector_store_idx %arg6[%add3A_356], %broadcast_in_dim3A_7 {add = true} : memref<320xi32, #tpu.memory_space<vmem>>[vector<16xi32>], vector<16xi32>,
      %add3A_357 = arith.constant 3588 : i32
      %add3A_358 = vector.broadcast %add3A_357 : i32 to vector<16xi32>
      %add3A_359 = arith.addi %mul3A_3, %add3A_358 : vector<16xi32>
      %gather3A_360 = tpu.vector_load_idx %arg5[%add3A_359] : memref<4096xi32, #tpu.memory_space<vmem>>[vector<16xi32>], vector<16xi32>,
      %add3A_361 = arith.addi %mul3A_6, %gather3A_360 : vector<16xi32>
      tpu.vector_store_idx %arg6[%add3A_361], %broadcast_in_dim3A_7 {add = true} : memref<320xi32, #tpu.memory_space<vmem>>[vector<16xi32>], vector<16xi32>,
      %add3A_362 = arith.constant 3589 : i32
      %add3A_363 = vector.broadcast %add3A_362 : i32 to vector<16xi32>
      %add3A_364 = arith.addi %mul3A_3, %add3A_363 : vector<16xi32>
      %gather3A_365 = tpu.vector_load_idx %arg5[%add3A_364] : memref<4096xi32, #tpu.memory_space<vmem>>[vector<16xi32>], vector<16xi32>,
      %add3A_366 = arith.addi %mul3A_6, %gather3A_365 : vector<16xi32>
      tpu.vector_store_idx %arg6[%add3A_366], %broadcast_in_dim3A_7 {add = true} : memref<320xi32, #tpu.memory_space<vmem>>[vector<16xi32>], vector<16xi32>,
      %add3A_367 = arith.constant 3590 : i32
      %add3A_368 = vector.broadcast %add3A_367 : i32 to vector<16xi32>
      %add3A_369 = arith.addi %mul3A_3, %add3A_368 : vector<16xi32>
      %gather3A_370 = tpu.vector_load_idx %arg5[%add3A_369] : memref<4096xi32, #tpu.memory_space<vmem>>[vector<16xi32>], vector<16xi32>,
      %add3A_371 = arith.addi %mul3A_6, %gather3A_370 : vector<16xi32>
      tpu.vector_store_idx %arg6[%add3A_371], %broadcast_in_dim3A_7 {add = true} : memref<320xi32, #tpu.memory_space<vmem>>[vector<16xi32>], vector<16xi32>,
      %add3A_372 = arith.constant 3591 : i32
      %add3A_373 = vector.broadcast %add3A_372 : i32 to vector<16xi32>
      %add3A_374 = arith.addi %mul3A_3, %add3A_373 : vector<16xi32>
      %gather3A_375 = tpu.vector_load_idx %arg5[%add3A_374] : memref<4096xi32, #tpu.memory_space<vmem>>[vector<16xi32>], vector<16xi32>,
      %add3A_376 = arith.addi %mul3A_6, %gather3A_375 : vector<16xi32>
      tpu.vector_store_idx %arg6[%add3A_376], %broadcast_in_dim3A_7 {add = true} : memref<320xi32, #tpu.memory_space<vmem>>[vector<16xi32>], vector<16xi32>,
      %broadcast_in_dim3A_377 = arith.constant 0xFF800000 : f32
      %broadcast_in_dim3A_378 = vector.broadcast %broadcast_in_dim3A_377 : f32 to vector<16xf32>
      %scan3A_379 = arith.constant 0 : i32
      %scan3A_380 = arith.constant 20 : i32
      %scan3A_381 = arith.addi %scan3A_379, %scan3A_380 : i32
      %scan3A_382 = arith.constant 1 : i32
      %scan3A_383:2 = scf.for %scan3A_1497 = %scan3A_379 to %scan3A_381 step %scan3A_382 iter_args(%scan3A_1498 = %broadcast_in_dim3A_378, %scan3A_1499 = %broadcast_in_dim3A_9) -> (vector<16xf32>, vector<16xi32>)  : i32 {
        %broadcast_in_dim3A_1500 = vector.broadcast %scan3A_1497 : i32 to vector<16xi32>
        %add3A_1501 = arith.addi %mul3A_6, %broadcast_in_dim3A_1500 : vector<16xi32>
        %gather3A_1502 = tpu.vector_load_idx %arg6[%add3A_1501] : memref<320xi32, #tpu.memory_space<vmem>>[vector<16xi32>], vector<16xi32>,
        %gather3A_1503 = tpu.vector_load_idx %arg8[%broadcast_in_dim3A_1500] : memref<20xf32, #tpu.memory_space<vmem>>[vector<16xi32>], vector<16xf32>,
        %convert_element_type3A = arith.sitofp %gather3A_1502 : vector<16xi32> to vector<16xf32>
        %mul3A_1504 = arith.mulf %convert_element_type3A, %gather3A_1503 : vector<16xf32>
        %gt3A = arith.cmpf ogt, %mul3A_1504, %scan3A_1498 : vector<16xf32>
        %select_n3A = arith.select %gt3A, %mul3A_1504, %scan3A_1498 : vector<16xi1>, vector<16xf32>
        %select_n3A_1505 = arith.select %gt3A, %broadcast_in_dim3A_1500, %scan3A_1499 : vector<16xi1>, vector<16xi32>
        scf.yield %select_n3A, %select_n3A_1505 : vector<16xf32>, vector<16xi32>
      }
      %scan3A_384 = arith.constant 20 : i32
      %swap3A_385 = arith.constant 0 : index
      %swap3A_386 = tpu.vector_load %arg7[%swap3A_385] {strides = array<i32>} : memref<64xi32, #tpu.memory_space<vmem>>, vector<16xi32>,
      tpu.vector_store %arg7[%swap3A_385], %scan3A_383#1 {strides = array<i32>} : memref<64xi32, #tpu.memory_space<vmem>>, vector<16xi32>,
      %swap3A_387 = arith.constant 0 : index
      %swap3A_388 = tpu.vector_load %arg6[%swap3A_387] {strides = array<i32>} : memref<320xi32, #tpu.memory_space<vmem>>, vector<16xi32>,
      tpu.vector_store %arg6[%swap3A_387], %broadcast_in_dim3A_9 {strides = array<i32>} : memref<320xi32, #tpu.memory_space<vmem>>, vector<16xi32>,
      %swap3A_389 = arith.constant 16 : index
      %swap3A_390 = tpu.vector_load %arg6[%swap3A_389] {strides = array<i32>} : memref<320xi32, #tpu.memory_space<vmem>>, vector<16xi32>,
      tpu.vector_store %arg6[%swap3A_389], %broadcast_in_dim3A_9 {strides = array<i32>} : memref<320xi32, #tpu.memory_space<vmem>>, vector<16xi32>,
      %swap3A_391 = arith.constant 32 : index
      %swap3A_392 = tpu.vector_load %arg6[%swap3A_391] {strides = array<i32>} : memref<320xi32, #tpu.memory_space<vmem>>, vector<16xi32>,
      tpu.vector_store %arg6[%swap3A_391], %broadcast_in_dim3A_9 {strides = array<i32>} : memref<320xi32, #tpu.memory_space<vmem>>, vector<16xi32>,
      %swap3A_393 = arith.constant 48 : index
      %swap3A_394 = tpu.vector_load %arg6[%swap3A_393] {strides = array<i32>} : memref<320xi32, #tpu.memory_space<vmem>>, vector<16xi32>,
      tpu.vector_store %arg6[%swap3A_393], %broadcast_in_dim3A_9 {strides = array<i32>} : memref<320xi32, #tpu.memory_space<vmem>>, vector<16xi32>,
      %swap3A_395 = arith.constant 64 : index
      %swap3A_396 = tpu.vector_load %arg6[%swap3A_395] {strides = array<i32>} : memref<320xi32, #tpu.memory_space<vmem>>, vector<16xi32>,
      tpu.vector_store %arg6[%swap3A_395], %broadcast_in_dim3A_9 {strides = array<i32>} : memref<320xi32, #tpu.memory_space<vmem>>, vector<16xi32>,
      %swap3A_397 = arith.constant 80 : index
      %swap3A_398 = tpu.vector_load %arg6[%swap3A_397] {strides = array<i32>} : memref<320xi32, #tpu.memory_space<vmem>>, vector<16xi32>,
      tpu.vector_store %arg6[%swap3A_397], %broadcast_in_dim3A_9 {strides = array<i32>} : memref<320xi32, #tpu.memory_space<vmem>>, vector<16xi32>,
      %swap3A_399 = arith.constant 96 : index
      %swap3A_400 = tpu.vector_load %arg6[%swap3A_399] {strides = array<i32>} : memref<320xi32, #tpu.memory_space<vmem>>, vector<16xi32>,
      tpu.vector_store %arg6[%swap3A_399], %broadcast_in_dim3A_9 {strides = array<i32>} : memref<320xi32, #tpu.memory_space<vmem>>, vector<16xi32>,
      %swap3A_401 = arith.constant 112 : index
      %swap3A_402 = tpu.vector_load %arg6[%swap3A_401] {strides = array<i32>} : memref<320xi32, #tpu.memory_space<vmem>>, vector<16xi32>,
      tpu.vector_store %arg6[%swap3A_401], %broadcast_in_dim3A_9 {strides = array<i32>} : memref<320xi32, #tpu.memory_space<vmem>>, vector<16xi32>,
      %swap3A_403 = arith.constant 128 : index
      %swap3A_404 = tpu.vector_load %arg6[%swap3A_403] {strides = array<i32>} : memref<320xi32, #tpu.memory_space<vmem>>, vector<16xi32>,
      tpu.vector_store %arg6[%swap3A_403], %broadcast_in_dim3A_9 {strides = array<i32>} : memref<320xi32, #tpu.memory_space<vmem>>, vector<16xi32>,
      %swap3A_405 = arith.constant 144 : index
      %swap3A_406 = tpu.vector_load %arg6[%swap3A_405] {strides = array<i32>} : memref<320xi32, #tpu.memory_space<vmem>>, vector<16xi32>,
      tpu.vector_store %arg6[%swap3A_405], %broadcast_in_dim3A_9 {strides = array<i32>} : memref<320xi32, #tpu.memory_space<vmem>>, vector<16xi32>,
      %swap3A_407 = arith.constant 160 : index
      %swap3A_408 = tpu.vector_load %arg6[%swap3A_407] {strides = array<i32>} : memref<320xi32, #tpu.memory_space<vmem>>, vector<16xi32>,
      tpu.vector_store %arg6[%swap3A_407], %broadcast_in_dim3A_9 {strides = array<i32>} : memref<320xi32, #tpu.memory_space<vmem>>, vector<16xi32>,
      %swap3A_409 = arith.constant 176 : index
      %swap3A_410 = tpu.vector_load %arg6[%swap3A_409] {strides = array<i32>} : memref<320xi32, #tpu.memory_space<vmem>>, vector<16xi32>,
      tpu.vector_store %arg6[%swap3A_409], %broadcast_in_dim3A_9 {strides = array<i32>} : memref<320xi32, #tpu.memory_space<vmem>>, vector<16xi32>,
      %swap3A_411 = arith.constant 192 : index
      %swap3A_412 = tpu.vector_load %arg6[%swap3A_411] {strides = array<i32>} : memref<320xi32, #tpu.memory_space<vmem>>, vector<16xi32>,
      tpu.vector_store %arg6[%swap3A_411], %broadcast_in_dim3A_9 {strides = array<i32>} : memref<320xi32, #tpu.memory_space<vmem>>, vector<16xi32>,
      %swap3A_413 = arith.constant 208 : index
      %swap3A_414 = tpu.vector_load %arg6[%swap3A_413] {strides = array<i32>} : memref<320xi32, #tpu.memory_space<vmem>>, vector<16xi32>,
      tpu.vector_store %arg6[%swap3A_413], %broadcast_in_dim3A_9 {strides = array<i32>} : memref<320xi32, #tpu.memory_space<vmem>>, vector<16xi32>,
      %swap3A_415 = arith.constant 224 : index
      %swap3A_416 = tpu.vector_load %arg6[%swap3A_415] {strides = array<i32>} : memref<320xi32, #tpu.memory_space<vmem>>, vector<16xi32>,
      tpu.vector_store %arg6[%swap3A_415], %broadcast_in_dim3A_9 {strides = array<i32>} : memref<320xi32, #tpu.memory_space<vmem>>, vector<16xi32>,
      %swap3A_417 = arith.constant 240 : index
      %swap3A_418 = tpu.vector_load %arg6[%swap3A_417] {strides = array<i32>} : memref<320xi32, #tpu.memory_space<vmem>>, vector<16xi32>,
      tpu.vector_store %arg6[%swap3A_417], %broadcast_in_dim3A_9 {strides = array<i32>} : memref<320xi32, #tpu.memory_space<vmem>>, vector<16xi32>,
      %swap3A_419 = arith.constant 256 : index
      %swap3A_420 = tpu.vector_load %arg6[%swap3A_419] {strides = array<i32>} : memref<320xi32, #tpu.memory_space<vmem>>, vector<16xi32>,
      tpu.vector_store %arg6[%swap3A_419], %broadcast_in_dim3A_9 {strides = array<i32>} : memref<320xi32, #tpu.memory_space<vmem>>, vector<16xi32>,
      %swap3A_421 = arith.constant 272 : index
      %swap3A_422 = tpu.vector_load %arg6[%swap3A_421] {strides = array<i32>} : memref<320xi32, #tpu.memory_space<vmem>>, vector<16xi32>,
      tpu.vector_store %arg6[%swap3A_421], %broadcast_in_dim3A_9 {strides = array<i32>} : memref<320xi32, #tpu.memory_space<vmem>>, vector<16xi32>,
      %swap3A_423 = arith.constant 288 : index
      %swap3A_424 = tpu.vector_load %arg6[%swap3A_423] {strides = array<i32>} : memref<320xi32, #tpu.memory_space<vmem>>, vector<16xi32>,
      tpu.vector_store %arg6[%swap3A_423], %broadcast_in_dim3A_9 {strides = array<i32>} : memref<320xi32, #tpu.memory_space<vmem>>, vector<16xi32>,
      %swap3A_425 = arith.constant 304 : index
      %swap3A_426 = tpu.vector_load %arg6[%swap3A_425] {strides = array<i32>} : memref<320xi32, #tpu.memory_space<vmem>>, vector<16xi32>,
      tpu.vector_store %arg6[%swap3A_425], %broadcast_in_dim3A_9 {strides = array<i32>} : memref<320xi32, #tpu.memory_space<vmem>>, vector<16xi32>,
      %add3A_427 = arith.constant 128 : i32
      %add3A_428 = vector.broadcast %add3A_427 : i32 to vector<16xi32>
      %add3A_429 = arith.addi %mul3A_3, %add3A_428 : vector<16xi32>
      %gather3A_430 = tpu.vector_load_idx %arg5[%add3A_429] : memref<4096xi32, #tpu.memory_space<vmem>>[vector<16xi32>], vector<16xi32>,
      %add3A_431 = arith.addi %mul3A_6, %gather3A_430 : vector<16xi32>
      tpu.vector_store_idx %arg6[%add3A_431], %broadcast_in_dim3A_7 {add = true} : memref<320xi32, #tpu.memory_space<vmem>>[vector<16xi32>], vector<16xi32>,
      %add3A_432 = arith.constant 129 : i32
      %add3A_433 = vector.broadcast %add3A_432 : i32 to vector<16xi32>
      %add3A_434 = arith.addi %mul3A_3, %add3A_433 : vector<16xi32>
      %gather3A_435 = tpu.vector_load_idx %arg5[%add3A_434] : memref<4096xi32, #tpu.memory_space<vmem>>[vector<16xi32>], vector<16xi32>,
      %add3A_436 = arith.addi %mul3A_6, %gather3A_435 : vector<16xi32>
      tpu.vector_store_idx %arg6[%add3A_436], %broadcast_in_dim3A_7 {add = true} : memref<320xi32, #tpu.memory_space<vmem>>[vector<16xi32>], vector<16xi32>,
      %add3A_437 = arith.constant 130 : i32
      %add3A_438 = vector.broadcast %add3A_437 : i32 to vector<16xi32>
      %add3A_439 = arith.addi %mul3A_3, %add3A_438 : vector<16xi32>
      %gather3A_440 = tpu.vector_load_idx %arg5[%add3A_439] : memref<4096xi32, #tpu.memory_space<vmem>>[vector<16xi32>], vector<16xi32>,
      %add3A_441 = arith.addi %mul3A_6, %gather3A_440 : vector<16xi32>
      tpu.vector_store_idx %arg6[%add3A_441], %broadcast_in_dim3A_7 {add = true} : memref<320xi32, #tpu.memory_space<vmem>>[vector<16xi32>], vector<16xi32>,
      %add3A_442 = arith.constant 131 : i32
      %add3A_443 = vector.broadcast %add3A_442 : i32 to vector<16xi32>
      %add3A_444 = arith.addi %mul3A_3, %add3A_443 : vector<16xi32>
      %gather3A_445 = tpu.vector_load_idx %arg5[%add3A_444] : memref<4096xi32, #tpu.memory_space<vmem>>[vector<16xi32>], vector<16xi32>,
      %add3A_446 = arith.addi %mul3A_6, %gather3A_445 : vector<16xi32>
      tpu.vector_store_idx %arg6[%add3A_446], %broadcast_in_dim3A_7 {add = true} : memref<320xi32, #tpu.memory_space<vmem>>[vector<16xi32>], vector<16xi32>,
      %add3A_447 = arith.constant 132 : i32
      %add3A_448 = vector.broadcast %add3A_447 : i32 to vector<16xi32>
      %add3A_449 = arith.addi %mul3A_3, %add3A_448 : vector<16xi32>
      %gather3A_450 = tpu.vector_load_idx %arg5[%add3A_449] : memref<4096xi32, #tpu.memory_space<vmem>>[vector<16xi32>], vector<16xi32>,
      %add3A_451 = arith.addi %mul3A_6, %gather3A_450 : vector<16xi32>
      tpu.vector_store_idx %arg6[%add3A_451], %broadcast_in_dim3A_7 {add = true} : memref<320xi32, #tpu.memory_space<vmem>>[vector<16xi32>], vector<16xi32>,
      %add3A_452 = arith.constant 133 : i32
      %add3A_453 = vector.broadcast %add3A_452 : i32 to vector<16xi32>
      %add3A_454 = arith.addi %mul3A_3, %add3A_453 : vector<16xi32>
      %gather3A_455 = tpu.vector_load_idx %arg5[%add3A_454] : memref<4096xi32, #tpu.memory_space<vmem>>[vector<16xi32>], vector<16xi32>,
      %add3A_456 = arith.addi %mul3A_6, %gather3A_455 : vector<16xi32>
      tpu.vector_store_idx %arg6[%add3A_456], %broadcast_in_dim3A_7 {add = true} : memref<320xi32, #tpu.memory_space<vmem>>[vector<16xi32>], vector<16xi32>,
      %add3A_457 = arith.constant 134 : i32
      %add3A_458 = vector.broadcast %add3A_457 : i32 to vector<16xi32>
      %add3A_459 = arith.addi %mul3A_3, %add3A_458 : vector<16xi32>
      %gather3A_460 = tpu.vector_load_idx %arg5[%add3A_459] : memref<4096xi32, #tpu.memory_space<vmem>>[vector<16xi32>], vector<16xi32>,
      %add3A_461 = arith.addi %mul3A_6, %gather3A_460 : vector<16xi32>
      tpu.vector_store_idx %arg6[%add3A_461], %broadcast_in_dim3A_7 {add = true} : memref<320xi32, #tpu.memory_space<vmem>>[vector<16xi32>], vector<16xi32>,
      %add3A_462 = arith.constant 135 : i32
      %add3A_463 = vector.broadcast %add3A_462 : i32 to vector<16xi32>
      %add3A_464 = arith.addi %mul3A_3, %add3A_463 : vector<16xi32>
      %gather3A_465 = tpu.vector_load_idx %arg5[%add3A_464] : memref<4096xi32, #tpu.memory_space<vmem>>[vector<16xi32>], vector<16xi32>,
      %add3A_466 = arith.addi %mul3A_6, %gather3A_465 : vector<16xi32>
      tpu.vector_store_idx %arg6[%add3A_466], %broadcast_in_dim3A_7 {add = true} : memref<320xi32, #tpu.memory_space<vmem>>[vector<16xi32>], vector<16xi32>,
      %add3A_467 = arith.constant 640 : i32
      %add3A_468 = vector.broadcast %add3A_467 : i32 to vector<16xi32>
      %add3A_469 = arith.addi %mul3A_3, %add3A_468 : vector<16xi32>
      %gather3A_470 = tpu.vector_load_idx %arg5[%add3A_469] : memref<4096xi32, #tpu.memory_space<vmem>>[vector<16xi32>], vector<16xi32>,
      %add3A_471 = arith.addi %mul3A_6, %gather3A_470 : vector<16xi32>
      tpu.vector_store_idx %arg6[%add3A_471], %broadcast_in_dim3A_7 {add = true} : memref<320xi32, #tpu.memory_space<vmem>>[vector<16xi32>], vector<16xi32>,
      %add3A_472 = arith.constant 641 : i32
      %add3A_473 = vector.broadcast %add3A_472 : i32 to vector<16xi32>
      %add3A_474 = arith.addi %mul3A_3, %add3A_473 : vector<16xi32>
      %gather3A_475 = tpu.vector_load_idx %arg5[%add3A_474] : memref<4096xi32, #tpu.memory_space<vmem>>[vector<16xi32>], vector<16xi32>,
      %add3A_476 = arith.addi %mul3A_6, %gather3A_475 : vector<16xi32>
      tpu.vector_store_idx %arg6[%add3A_476], %broadcast_in_dim3A_7 {add = true} : memref<320xi32, #tpu.memory_space<vmem>>[vector<16xi32>], vector<16xi32>,
      %add3A_477 = arith.constant 642 : i32
      %add3A_478 = vector.broadcast %add3A_477 : i32 to vector<16xi32>
      %add3A_479 = arith.addi %mul3A_3, %add3A_478 : vector<16xi32>
      %gather3A_480 = tpu.vector_load_idx %arg5[%add3A_479] : memref<4096xi32, #tpu.memory_space<vmem>>[vector<16xi32>], vector<16xi32>,
      %add3A_481 = arith.addi %mul3A_6, %gather3A_480 : vector<16xi32>
      tpu.vector_store_idx %arg6[%add3A_481], %broadcast_in_dim3A_7 {add = true} : memref<320xi32, #tpu.memory_space<vmem>>[vector<16xi32>], vector<16xi32>,
      %add3A_482 = arith.constant 643 : i32
      %add3A_483 = vector.broadcast %add3A_482 : i32 to vector<16xi32>
      %add3A_484 = arith.addi %mul3A_3, %add3A_483 : vector<16xi32>
      %gather3A_485 = tpu.vector_load_idx %arg5[%add3A_484] : memref<4096xi32, #tpu.memory_space<vmem>>[vector<16xi32>], vector<16xi32>,
      %add3A_486 = arith.addi %mul3A_6, %gather3A_485 : vector<16xi32>
      tpu.vector_store_idx %arg6[%add3A_486], %broadcast_in_dim3A_7 {add = true} : memref<320xi32, #tpu.memory_space<vmem>>[vector<16xi32>], vector<16xi32>,
      %add3A_487 = arith.constant 644 : i32
      %add3A_488 = vector.broadcast %add3A_487 : i32 to vector<16xi32>
      %add3A_489 = arith.addi %mul3A_3, %add3A_488 : vector<16xi32>
      %gather3A_490 = tpu.vector_load_idx %arg5[%add3A_489] : memref<4096xi32, #tpu.memory_space<vmem>>[vector<16xi32>], vector<16xi32>,
      %add3A_491 = arith.addi %mul3A_6, %gather3A_490 : vector<16xi32>
      tpu.vector_store_idx %arg6[%add3A_491], %broadcast_in_dim3A_7 {add = true} : memref<320xi32, #tpu.memory_space<vmem>>[vector<16xi32>], vector<16xi32>,
      %add3A_492 = arith.constant 645 : i32
      %add3A_493 = vector.broadcast %add3A_492 : i32 to vector<16xi32>
      %add3A_494 = arith.addi %mul3A_3, %add3A_493 : vector<16xi32>
      %gather3A_495 = tpu.vector_load_idx %arg5[%add3A_494] : memref<4096xi32, #tpu.memory_space<vmem>>[vector<16xi32>], vector<16xi32>,
      %add3A_496 = arith.addi %mul3A_6, %gather3A_495 : vector<16xi32>
      tpu.vector_store_idx %arg6[%add3A_496], %broadcast_in_dim3A_7 {add = true} : memref<320xi32, #tpu.memory_space<vmem>>[vector<16xi32>], vector<16xi32>,
      %add3A_497 = arith.constant 646 : i32
      %add3A_498 = vector.broadcast %add3A_497 : i32 to vector<16xi32>
      %add3A_499 = arith.addi %mul3A_3, %add3A_498 : vector<16xi32>
      %gather3A_500 = tpu.vector_load_idx %arg5[%add3A_499] : memref<4096xi32, #tpu.memory_space<vmem>>[vector<16xi32>], vector<16xi32>,
      %add3A_501 = arith.addi %mul3A_6, %gather3A_500 : vector<16xi32>
      tpu.vector_store_idx %arg6[%add3A_501], %broadcast_in_dim3A_7 {add = true} : memref<320xi32, #tpu.memory_space<vmem>>[vector<16xi32>], vector<16xi32>,
      %add3A_502 = arith.constant 647 : i32
      %add3A_503 = vector.broadcast %add3A_502 : i32 to vector<16xi32>
      %add3A_504 = arith.addi %mul3A_3, %add3A_503 : vector<16xi32>
      %gather3A_505 = tpu.vector_load_idx %arg5[%add3A_504] : memref<4096xi32, #tpu.memory_space<vmem>>[vector<16xi32>], vector<16xi32>,
      %add3A_506 = arith.addi %mul3A_6, %gather3A_505 : vector<16xi32>
      tpu.vector_store_idx %arg6[%add3A_506], %broadcast_in_dim3A_7 {add = true} : memref<320xi32, #tpu.memory_space<vmem>>[vector<16xi32>], vector<16xi32>,
      %add3A_507 = arith.constant 1152 : i32
      %add3A_508 = vector.broadcast %add3A_507 : i32 to vector<16xi32>
      %add3A_509 = arith.addi %mul3A_3, %add3A_508 : vector<16xi32>
      %gather3A_510 = tpu.vector_load_idx %arg5[%add3A_509] : memref<4096xi32, #tpu.memory_space<vmem>>[vector<16xi32>], vector<16xi32>,
      %add3A_511 = arith.addi %mul3A_6, %gather3A_510 : vector<16xi32>
      tpu.vector_store_idx %arg6[%add3A_511], %broadcast_in_dim3A_7 {add = true} : memref<320xi32, #tpu.memory_space<vmem>>[vector<16xi32>], vector<16xi32>,
      %add3A_512 = arith.constant 1153 : i32
      %add3A_513 = vector.broadcast %add3A_512 : i32 to vector<16xi32>
      %add3A_514 = arith.addi %mul3A_3, %add3A_513 : vector<16xi32>
      %gather3A_515 = tpu.vector_load_idx %arg5[%add3A_514] : memref<4096xi32, #tpu.memory_space<vmem>>[vector<16xi32>], vector<16xi32>,
      %add3A_516 = arith.addi %mul3A_6, %gather3A_515 : vector<16xi32>
      tpu.vector_store_idx %arg6[%add3A_516], %broadcast_in_dim3A_7 {add = true} : memref<320xi32, #tpu.memory_space<vmem>>[vector<16xi32>], vector<16xi32>,
      %add3A_517 = arith.constant 1154 : i32
      %add3A_518 = vector.broadcast %add3A_517 : i32 to vector<16xi32>
      %add3A_519 = arith.addi %mul3A_3, %add3A_518 : vector<16xi32>
      %gather3A_520 = tpu.vector_load_idx %arg5[%add3A_519] : memref<4096xi32, #tpu.memory_space<vmem>>[vector<16xi32>], vector<16xi32>,
      %add3A_521 = arith.addi %mul3A_6, %gather3A_520 : vector<16xi32>
      tpu.vector_store_idx %arg6[%add3A_521], %broadcast_in_dim3A_7 {add = true} : memref<320xi32, #tpu.memory_space<vmem>>[vector<16xi32>], vector<16xi32>,
      %add3A_522 = arith.constant 1155 : i32
      %add3A_523 = vector.broadcast %add3A_522 : i32 to vector<16xi32>
      %add3A_524 = arith.addi %mul3A_3, %add3A_523 : vector<16xi32>
      %gather3A_525 = tpu.vector_load_idx %arg5[%add3A_524] : memref<4096xi32, #tpu.memory_space<vmem>>[vector<16xi32>], vector<16xi32>,
      %add3A_526 = arith.addi %mul3A_6, %gather3A_525 : vector<16xi32>
      tpu.vector_store_idx %arg6[%add3A_526], %broadcast_in_dim3A_7 {add = true} : memref<320xi32, #tpu.memory_space<vmem>>[vector<16xi32>], vector<16xi32>,
      %add3A_527 = arith.constant 1156 : i32
      %add3A_528 = vector.broadcast %add3A_527 : i32 to vector<16xi32>
      %add3A_529 = arith.addi %mul3A_3, %add3A_528 : vector<16xi32>
      %gather3A_530 = tpu.vector_load_idx %arg5[%add3A_529] : memref<4096xi32, #tpu.memory_space<vmem>>[vector<16xi32>], vector<16xi32>,
      %add3A_531 = arith.addi %mul3A_6, %gather3A_530 : vector<16xi32>
      tpu.vector_store_idx %arg6[%add3A_531], %broadcast_in_dim3A_7 {add = true} : memref<320xi32, #tpu.memory_space<vmem>>[vector<16xi32>], vector<16xi32>,
      %add3A_532 = arith.constant 1157 : i32
      %add3A_533 = vector.broadcast %add3A_532 : i32 to vector<16xi32>
      %add3A_534 = arith.addi %mul3A_3, %add3A_533 : vector<16xi32>
      %gather3A_535 = tpu.vector_load_idx %arg5[%add3A_534] : memref<4096xi32, #tpu.memory_space<vmem>>[vector<16xi32>], vector<16xi32>,
      %add3A_536 = arith.addi %mul3A_6, %gather3A_535 : vector<16xi32>
      tpu.vector_store_idx %arg6[%add3A_536], %broadcast_in_dim3A_7 {add = true} : memref<320xi32, #tpu.memory_space<vmem>>[vector<16xi32>], vector<16xi32>,
      %add3A_537 = arith.constant 1158 : i32
      %add3A_538 = vector.broadcast %add3A_537 : i32 to vector<16xi32>
      %add3A_539 = arith.addi %mul3A_3, %add3A_538 : vector<16xi32>
      %gather3A_540 = tpu.vector_load_idx %arg5[%add3A_539] : memref<4096xi32, #tpu.memory_space<vmem>>[vector<16xi32>], vector<16xi32>,
      %add3A_541 = arith.addi %mul3A_6, %gather3A_540 : vector<16xi32>
      tpu.vector_store_idx %arg6[%add3A_541], %broadcast_in_dim3A_7 {add = true} : memref<320xi32, #tpu.memory_space<vmem>>[vector<16xi32>], vector<16xi32>,
      %add3A_542 = arith.constant 1159 : i32
      %add3A_543 = vector.broadcast %add3A_542 : i32 to vector<16xi32>
      %add3A_544 = arith.addi %mul3A_3, %add3A_543 : vector<16xi32>
      %gather3A_545 = tpu.vector_load_idx %arg5[%add3A_544] : memref<4096xi32, #tpu.memory_space<vmem>>[vector<16xi32>], vector<16xi32>,
      %add3A_546 = arith.addi %mul3A_6, %gather3A_545 : vector<16xi32>
      tpu.vector_store_idx %arg6[%add3A_546], %broadcast_in_dim3A_7 {add = true} : memref<320xi32, #tpu.memory_space<vmem>>[vector<16xi32>], vector<16xi32>,
      %add3A_547 = arith.constant 1664 : i32
      %add3A_548 = vector.broadcast %add3A_547 : i32 to vector<16xi32>
      %add3A_549 = arith.addi %mul3A_3, %add3A_548 : vector<16xi32>
      %gather3A_550 = tpu.vector_load_idx %arg5[%add3A_549] : memref<4096xi32, #tpu.memory_space<vmem>>[vector<16xi32>], vector<16xi32>,
      %add3A_551 = arith.addi %mul3A_6, %gather3A_550 : vector<16xi32>
      tpu.vector_store_idx %arg6[%add3A_551], %broadcast_in_dim3A_7 {add = true} : memref<320xi32, #tpu.memory_space<vmem>>[vector<16xi32>], vector<16xi32>,
      %add3A_552 = arith.constant 1665 : i32
      %add3A_553 = vector.broadcast %add3A_552 : i32 to vector<16xi32>
      %add3A_554 = arith.addi %mul3A_3, %add3A_553 : vector<16xi32>
      %gather3A_555 = tpu.vector_load_idx %arg5[%add3A_554] : memref<4096xi32, #tpu.memory_space<vmem>>[vector<16xi32>], vector<16xi32>,
      %add3A_556 = arith.addi %mul3A_6, %gather3A_555 : vector<16xi32>
      tpu.vector_store_idx %arg6[%add3A_556], %broadcast_in_dim3A_7 {add = true} : memref<320xi32, #tpu.memory_space<vmem>>[vector<16xi32>], vector<16xi32>,
      %add3A_557 = arith.constant 1666 : i32
      %add3A_558 = vector.broadcast %add3A_557 : i32 to vector<16xi32>
      %add3A_559 = arith.addi %mul3A_3, %add3A_558 : vector<16xi32>
      %gather3A_560 = tpu.vector_load_idx %arg5[%add3A_559] : memref<4096xi32, #tpu.memory_space<vmem>>[vector<16xi32>], vector<16xi32>,
      %add3A_561 = arith.addi %mul3A_6, %gather3A_560 : vector<16xi32>
      tpu.vector_store_idx %arg6[%add3A_561], %broadcast_in_dim3A_7 {add = true} : memref<320xi32, #tpu.memory_space<vmem>>[vector<16xi32>], vector<16xi32>,
      %add3A_562 = arith.constant 1667 : i32
      %add3A_563 = vector.broadcast %add3A_562 : i32 to vector<16xi32>
      %add3A_564 = arith.addi %mul3A_3, %add3A_563 : vector<16xi32>
      %gather3A_565 = tpu.vector_load_idx %arg5[%add3A_564] : memref<4096xi32, #tpu.memory_space<vmem>>[vector<16xi32>], vector<16xi32>,
      %add3A_566 = arith.addi %mul3A_6, %gather3A_565 : vector<16xi32>
      tpu.vector_store_idx %arg6[%add3A_566], %broadcast_in_dim3A_7 {add = true} : memref<320xi32, #tpu.memory_space<vmem>>[vector<16xi32>], vector<16xi32>,
      %add3A_567 = arith.constant 1668 : i32
      %add3A_568 = vector.broadcast %add3A_567 : i32 to vector<16xi32>
      %add3A_569 = arith.addi %mul3A_3, %add3A_568 : vector<16xi32>
      %gather3A_570 = tpu.vector_load_idx %arg5[%add3A_569] : memref<4096xi32, #tpu.memory_space<vmem>>[vector<16xi32>], vector<16xi32>,
      %add3A_571 = arith.addi %mul3A_6, %gather3A_570 : vector<16xi32>
      tpu.vector_store_idx %arg6[%add3A_571], %broadcast_in_dim3A_7 {add = true} : memref<320xi32, #tpu.memory_space<vmem>>[vector<16xi32>], vector<16xi32>,
      %add3A_572 = arith.constant 1669 : i32
      %add3A_573 = vector.broadcast %add3A_572 : i32 to vector<16xi32>
      %add3A_574 = arith.addi %mul3A_3, %add3A_573 : vector<16xi32>
      %gather3A_575 = tpu.vector_load_idx %arg5[%add3A_574] : memref<4096xi32, #tpu.memory_space<vmem>>[vector<16xi32>], vector<16xi32>,
      %add3A_576 = arith.addi %mul3A_6, %gather3A_575 : vector<16xi32>
      tpu.vector_store_idx %arg6[%add3A_576], %broadcast_in_dim3A_7 {add = true} : memref<320xi32, #tpu.memory_space<vmem>>[vector<16xi32>], vector<16xi32>,
      %add3A_577 = arith.constant 1670 : i32
      %add3A_578 = vector.broadcast %add3A_577 : i32 to vector<16xi32>
      %add3A_579 = arith.addi %mul3A_3, %add3A_578 : vector<16xi32>
      %gather3A_580 = tpu.vector_load_idx %arg5[%add3A_579] : memref<4096xi32, #tpu.memory_space<vmem>>[vector<16xi32>], vector<16xi32>,
      %add3A_581 = arith.addi %mul3A_6, %gather3A_580 : vector<16xi32>
      tpu.vector_store_idx %arg6[%add3A_581], %broadcast_in_dim3A_7 {add = true} : memref<320xi32, #tpu.memory_space<vmem>>[vector<16xi32>], vector<16xi32>,
      %add3A_582 = arith.constant 1671 : i32
      %add3A_583 = vector.broadcast %add3A_582 : i32 to vector<16xi32>
      %add3A_584 = arith.addi %mul3A_3, %add3A_583 : vector<16xi32>
      %gather3A_585 = tpu.vector_load_idx %arg5[%add3A_584] : memref<4096xi32, #tpu.memory_space<vmem>>[vector<16xi32>], vector<16xi32>,
      %add3A_586 = arith.addi %mul3A_6, %gather3A_585 : vector<16xi32>
      tpu.vector_store_idx %arg6[%add3A_586], %broadcast_in_dim3A_7 {add = true} : memref<320xi32, #tpu.memory_space<vmem>>[vector<16xi32>], vector<16xi32>,
      %add3A_587 = arith.constant 2176 : i32
      %add3A_588 = vector.broadcast %add3A_587 : i32 to vector<16xi32>
      %add3A_589 = arith.addi %mul3A_3, %add3A_588 : vector<16xi32>
      %gather3A_590 = tpu.vector_load_idx %arg5[%add3A_589] : memref<4096xi32, #tpu.memory_space<vmem>>[vector<16xi32>], vector<16xi32>,
      %add3A_591 = arith.addi %mul3A_6, %gather3A_590 : vector<16xi32>
      tpu.vector_store_idx %arg6[%add3A_591], %broadcast_in_dim3A_7 {add = true} : memref<320xi32, #tpu.memory_space<vmem>>[vector<16xi32>], vector<16xi32>,
      %add3A_592 = arith.constant 2177 : i32
      %add3A_593 = vector.broadcast %add3A_592 : i32 to vector<16xi32>
      %add3A_594 = arith.addi %mul3A_3, %add3A_593 : vector<16xi32>
      %gather3A_595 = tpu.vector_load_idx %arg5[%add3A_594] : memref<4096xi32, #tpu.memory_space<vmem>>[vector<16xi32>], vector<16xi32>,
      %add3A_596 = arith.addi %mul3A_6, %gather3A_595 : vector<16xi32>
      tpu.vector_store_idx %arg6[%add3A_596], %broadcast_in_dim3A_7 {add = true} : memref<320xi32, #tpu.memory_space<vmem>>[vector<16xi32>], vector<16xi32>,
      %add3A_597 = arith.constant 2178 : i32
      %add3A_598 = vector.broadcast %add3A_597 : i32 to vector<16xi32>
      %add3A_599 = arith.addi %mul3A_3, %add3A_598 : vector<16xi32>
      %gather3A_600 = tpu.vector_load_idx %arg5[%add3A_599] : memref<4096xi32, #tpu.memory_space<vmem>>[vector<16xi32>], vector<16xi32>,
      %add3A_601 = arith.addi %mul3A_6, %gather3A_600 : vector<16xi32>
      tpu.vector_store_idx %arg6[%add3A_601], %broadcast_in_dim3A_7 {add = true} : memref<320xi32, #tpu.memory_space<vmem>>[vector<16xi32>], vector<16xi32>,
      %add3A_602 = arith.constant 2179 : i32
      %add3A_603 = vector.broadcast %add3A_602 : i32 to vector<16xi32>
      %add3A_604 = arith.addi %mul3A_3, %add3A_603 : vector<16xi32>
      %gather3A_605 = tpu.vector_load_idx %arg5[%add3A_604] : memref<4096xi32, #tpu.memory_space<vmem>>[vector<16xi32>], vector<16xi32>,
      %add3A_606 = arith.addi %mul3A_6, %gather3A_605 : vector<16xi32>
      tpu.vector_store_idx %arg6[%add3A_606], %broadcast_in_dim3A_7 {add = true} : memref<320xi32, #tpu.memory_space<vmem>>[vector<16xi32>], vector<16xi32>,
      %add3A_607 = arith.constant 2180 : i32
      %add3A_608 = vector.broadcast %add3A_607 : i32 to vector<16xi32>
      %add3A_609 = arith.addi %mul3A_3, %add3A_608 : vector<16xi32>
      %gather3A_610 = tpu.vector_load_idx %arg5[%add3A_609] : memref<4096xi32, #tpu.memory_space<vmem>>[vector<16xi32>], vector<16xi32>,
      %add3A_611 = arith.addi %mul3A_6, %gather3A_610 : vector<16xi32>
      tpu.vector_store_idx %arg6[%add3A_611], %broadcast_in_dim3A_7 {add = true} : memref<320xi32, #tpu.memory_space<vmem>>[vector<16xi32>], vector<16xi32>,
      %add3A_612 = arith.constant 2181 : i32
      %add3A_613 = vector.broadcast %add3A_612 : i32 to vector<16xi32>
      %add3A_614 = arith.addi %mul3A_3, %add3A_613 : vector<16xi32>
      %gather3A_615 = tpu.vector_load_idx %arg5[%add3A_614] : memref<4096xi32, #tpu.memory_space<vmem>>[vector<16xi32>], vector<16xi32>,
      %add3A_616 = arith.addi %mul3A_6, %gather3A_615 : vector<16xi32>
      tpu.vector_store_idx %arg6[%add3A_616], %broadcast_in_dim3A_7 {add = true} : memref<320xi32, #tpu.memory_space<vmem>>[vector<16xi32>], vector<16xi32>,
      %add3A_617 = arith.constant 2182 : i32
      %add3A_618 = vector.broadcast %add3A_617 : i32 to vector<16xi32>
      %add3A_619 = arith.addi %mul3A_3, %add3A_618 : vector<16xi32>
      %gather3A_620 = tpu.vector_load_idx %arg5[%add3A_619] : memref<4096xi32, #tpu.memory_space<vmem>>[vector<16xi32>], vector<16xi32>,
      %add3A_621 = arith.addi %mul3A_6, %gather3A_620 : vector<16xi32>
      tpu.vector_store_idx %arg6[%add3A_621], %broadcast_in_dim3A_7 {add = true} : memref<320xi32, #tpu.memory_space<vmem>>[vector<16xi32>], vector<16xi32>,
      %add3A_622 = arith.constant 2183 : i32
      %add3A_623 = vector.broadcast %add3A_622 : i32 to vector<16xi32>
      %add3A_624 = arith.addi %mul3A_3, %add3A_623 : vector<16xi32>
      %gather3A_625 = tpu.vector_load_idx %arg5[%add3A_624] : memref<4096xi32, #tpu.memory_space<vmem>>[vector<16xi32>], vector<16xi32>,
      %add3A_626 = arith.addi %mul3A_6, %gather3A_625 : vector<16xi32>
      tpu.vector_store_idx %arg6[%add3A_626], %broadcast_in_dim3A_7 {add = true} : memref<320xi32, #tpu.memory_space<vmem>>[vector<16xi32>], vector<16xi32>,
      %add3A_627 = arith.constant 2688 : i32
      %add3A_628 = vector.broadcast %add3A_627 : i32 to vector<16xi32>
      %add3A_629 = arith.addi %mul3A_3, %add3A_628 : vector<16xi32>
      %gather3A_630 = tpu.vector_load_idx %arg5[%add3A_629] : memref<4096xi32, #tpu.memory_space<vmem>>[vector<16xi32>], vector<16xi32>,
      %add3A_631 = arith.addi %mul3A_6, %gather3A_630 : vector<16xi32>
      tpu.vector_store_idx %arg6[%add3A_631], %broadcast_in_dim3A_7 {add = true} : memref<320xi32, #tpu.memory_space<vmem>>[vector<16xi32>], vector<16xi32>,
      %add3A_632 = arith.constant 2689 : i32
      %add3A_633 = vector.broadcast %add3A_632 : i32 to vector<16xi32>
      %add3A_634 = arith.addi %mul3A_3, %add3A_633 : vector<16xi32>
      %gather3A_635 = tpu.vector_load_idx %arg5[%add3A_634] : memref<4096xi32, #tpu.memory_space<vmem>>[vector<16xi32>], vector<16xi32>,
      %add3A_636 = arith.addi %mul3A_6, %gather3A_635 : vector<16xi32>
      tpu.vector_store_idx %arg6[%add3A_636], %broadcast_in_dim3A_7 {add = true} : memref<320xi32, #tpu.memory_space<vmem>>[vector<16xi32>], vector<16xi32>,
      %add3A_637 = arith.constant 2690 : i32
      %add3A_638 = vector.broadcast %add3A_637 : i32 to vector<16xi32>
      %add3A_639 = arith.addi %mul3A_3, %add3A_638 : vector<16xi32>
      %gather3A_640 = tpu.vector_load_idx %arg5[%add3A_639] : memref<4096xi32, #tpu.memory_space<vmem>>[vector<16xi32>], vector<16xi32>,
      %add3A_641 = arith.addi %mul3A_6, %gather3A_640 : vector<16xi32>
      tpu.vector_store_idx %arg6[%add3A_641], %broadcast_in_dim3A_7 {add = true} : memref<320xi32, #tpu.memory_space<vmem>>[vector<16xi32>], vector<16xi32>,
      %add3A_642 = arith.constant 2691 : i32
      %add3A_643 = vector.broadcast %add3A_642 : i32 to vector<16xi32>
      %add3A_644 = arith.addi %mul3A_3, %add3A_643 : vector<16xi32>
      %gather3A_645 = tpu.vector_load_idx %arg5[%add3A_644] : memref<4096xi32, #tpu.memory_space<vmem>>[vector<16xi32>], vector<16xi32>,
      %add3A_646 = arith.addi %mul3A_6, %gather3A_645 : vector<16xi32>
      tpu.vector_store_idx %arg6[%add3A_646], %broadcast_in_dim3A_7 {add = true} : memref<320xi32, #tpu.memory_space<vmem>>[vector<16xi32>], vector<16xi32>,
      %add3A_647 = arith.constant 2692 : i32
      %add3A_648 = vector.broadcast %add3A_647 : i32 to vector<16xi32>
      %add3A_649 = arith.addi %mul3A_3, %add3A_648 : vector<16xi32>
      %gather3A_650 = tpu.vector_load_idx %arg5[%add3A_649] : memref<4096xi32, #tpu.memory_space<vmem>>[vector<16xi32>], vector<16xi32>,
      %add3A_651 = arith.addi %mul3A_6, %gather3A_650 : vector<16xi32>
      tpu.vector_store_idx %arg6[%add3A_651], %broadcast_in_dim3A_7 {add = true} : memref<320xi32, #tpu.memory_space<vmem>>[vector<16xi32>], vector<16xi32>,
      %add3A_652 = arith.constant 2693 : i32
      %add3A_653 = vector.broadcast %add3A_652 : i32 to vector<16xi32>
      %add3A_654 = arith.addi %mul3A_3, %add3A_653 : vector<16xi32>
      %gather3A_655 = tpu.vector_load_idx %arg5[%add3A_654] : memref<4096xi32, #tpu.memory_space<vmem>>[vector<16xi32>], vector<16xi32>,
      %add3A_656 = arith.addi %mul3A_6, %gather3A_655 : vector<16xi32>
      tpu.vector_store_idx %arg6[%add3A_656], %broadcast_in_dim3A_7 {add = true} : memref<320xi32, #tpu.memory_space<vmem>>[vector<16xi32>], vector<16xi32>,
      %add3A_657 = arith.constant 2694 : i32
      %add3A_658 = vector.broadcast %add3A_657 : i32 to vector<16xi32>
      %add3A_659 = arith.addi %mul3A_3, %add3A_658 : vector<16xi32>
      %gather3A_660 = tpu.vector_load_idx %arg5[%add3A_659] : memref<4096xi32, #tpu.memory_space<vmem>>[vector<16xi32>], vector<16xi32>,
      %add3A_661 = arith.addi %mul3A_6, %gather3A_660 : vector<16xi32>
      tpu.vector_store_idx %arg6[%add3A_661], %broadcast_in_dim3A_7 {add = true} : memref<320xi32, #tpu.memory_space<vmem>>[vector<16xi32>], vector<16xi32>,
      %add3A_662 = arith.constant 2695 : i32
      %add3A_663 = vector.broadcast %add3A_662 : i32 to vector<16xi32>
      %add3A_664 = arith.addi %mul3A_3, %add3A_663 : vector<16xi32>
      %gather3A_665 = tpu.vector_load_idx %arg5[%add3A_664] : memref<4096xi32, #tpu.memory_space<vmem>>[vector<16xi32>], vector<16xi32>,
      %add3A_666 = arith.addi %mul3A_6, %gather3A_665 : vector<16xi32>
      tpu.vector_store_idx %arg6[%add3A_666], %broadcast_in_dim3A_7 {add = true} : memref<320xi32, #tpu.memory_space<vmem>>[vector<16xi32>], vector<16xi32>,
      %add3A_667 = arith.constant 3200 : i32
      %add3A_668 = vector.broadcast %add3A_667 : i32 to vector<16xi32>
      %add3A_669 = arith.addi %mul3A_3, %add3A_668 : vector<16xi32>
      %gather3A_670 = tpu.vector_load_idx %arg5[%add3A_669] : memref<4096xi32, #tpu.memory_space<vmem>>[vector<16xi32>], vector<16xi32>,
      %add3A_671 = arith.addi %mul3A_6, %gather3A_670 : vector<16xi32>
      tpu.vector_store_idx %arg6[%add3A_671], %broadcast_in_dim3A_7 {add = true} : memref<320xi32, #tpu.memory_space<vmem>>[vector<16xi32>], vector<16xi32>,
      %add3A_672 = arith.constant 3201 : i32
      %add3A_673 = vector.broadcast %add3A_672 : i32 to vector<16xi32>
      %add3A_674 = arith.addi %mul3A_3, %add3A_673 : vector<16xi32>
      %gather3A_675 = tpu.vector_load_idx %arg5[%add3A_674] : memref<4096xi32, #tpu.memory_space<vmem>>[vector<16xi32>], vector<16xi32>,
      %add3A_676 = arith.addi %mul3A_6, %gather3A_675 : vector<16xi32>
      tpu.vector_store_idx %arg6[%add3A_676], %broadcast_in_dim3A_7 {add = true} : memref<320xi32, #tpu.memory_space<vmem>>[vector<16xi32>], vector<16xi32>,
      %add3A_677 = arith.constant 3202 : i32
      %add3A_678 = vector.broadcast %add3A_677 : i32 to vector<16xi32>
      %add3A_679 = arith.addi %mul3A_3, %add3A_678 : vector<16xi32>
      %gather3A_680 = tpu.vector_load_idx %arg5[%add3A_679] : memref<4096xi32, #tpu.memory_space<vmem>>[vector<16xi32>], vector<16xi32>,
      %add3A_681 = arith.addi %mul3A_6, %gather3A_680 : vector<16xi32>
      tpu.vector_store_idx %arg6[%add3A_681], %broadcast_in_dim3A_7 {add = true} : memref<320xi32, #tpu.memory_space<vmem>>[vector<16xi32>], vector<16xi32>,
      %add3A_682 = arith.constant 3203 : i32
      %add3A_683 = vector.broadcast %add3A_682 : i32 to vector<16xi32>
      %add3A_684 = arith.addi %mul3A_3, %add3A_683 : vector<16xi32>
      %gather3A_685 = tpu.vector_load_idx %arg5[%add3A_684] : memref<4096xi32, #tpu.memory_space<vmem>>[vector<16xi32>], vector<16xi32>,
      %add3A_686 = arith.addi %mul3A_6, %gather3A_685 : vector<16xi32>
      tpu.vector_store_idx %arg6[%add3A_686], %broadcast_in_dim3A_7 {add = true} : memref<320xi32, #tpu.memory_space<vmem>>[vector<16xi32>], vector<16xi32>,
      %add3A_687 = arith.constant 3204 : i32
      %add3A_688 = vector.broadcast %add3A_687 : i32 to vector<16xi32>
      %add3A_689 = arith.addi %mul3A_3, %add3A_688 : vector<16xi32>
      %gather3A_690 = tpu.vector_load_idx %arg5[%add3A_689] : memref<4096xi32, #tpu.memory_space<vmem>>[vector<16xi32>], vector<16xi32>,
      %add3A_691 = arith.addi %mul3A_6, %gather3A_690 : vector<16xi32>
      tpu.vector_store_idx %arg6[%add3A_691], %broadcast_in_dim3A_7 {add = true} : memref<320xi32, #tpu.memory_space<vmem>>[vector<16xi32>], vector<16xi32>,
      %add3A_692 = arith.constant 3205 : i32
      %add3A_693 = vector.broadcast %add3A_692 : i32 to vector<16xi32>
      %add3A_694 = arith.addi %mul3A_3, %add3A_693 : vector<16xi32>
      %gather3A_695 = tpu.vector_load_idx %arg5[%add3A_694] : memref<4096xi32, #tpu.memory_space<vmem>>[vector<16xi32>], vector<16xi32>,
      %add3A_696 = arith.addi %mul3A_6, %gather3A_695 : vector<16xi32>
      tpu.vector_store_idx %arg6[%add3A_696], %broadcast_in_dim3A_7 {add = true} : memref<320xi32, #tpu.memory_space<vmem>>[vector<16xi32>], vector<16xi32>,
      %add3A_697 = arith.constant 3206 : i32
      %add3A_698 = vector.broadcast %add3A_697 : i32 to vector<16xi32>
      %add3A_699 = arith.addi %mul3A_3, %add3A_698 : vector<16xi32>
      %gather3A_700 = tpu.vector_load_idx %arg5[%add3A_699] : memref<4096xi32, #tpu.memory_space<vmem>>[vector<16xi32>], vector<16xi32>,
      %add3A_701 = arith.addi %mul3A_6, %gather3A_700 : vector<16xi32>
      tpu.vector_store_idx %arg6[%add3A_701], %broadcast_in_dim3A_7 {add = true} : memref<320xi32, #tpu.memory_space<vmem>>[vector<16xi32>], vector<16xi32>,
      %add3A_702 = arith.constant 3207 : i32
      %add3A_703 = vector.broadcast %add3A_702 : i32 to vector<16xi32>
      %add3A_704 = arith.addi %mul3A_3, %add3A_703 : vector<16xi32>
      %gather3A_705 = tpu.vector_load_idx %arg5[%add3A_704] : memref<4096xi32, #tpu.memory_space<vmem>>[vector<16xi32>], vector<16xi32>,
      %add3A_706 = arith.addi %mul3A_6, %gather3A_705 : vector<16xi32>
      tpu.vector_store_idx %arg6[%add3A_706], %broadcast_in_dim3A_7 {add = true} : memref<320xi32, #tpu.memory_space<vmem>>[vector<16xi32>], vector<16xi32>,
      %add3A_707 = arith.constant 3712 : i32
      %add3A_708 = vector.broadcast %add3A_707 : i32 to vector<16xi32>
      %add3A_709 = arith.addi %mul3A_3, %add3A_708 : vector<16xi32>
      %gather3A_710 = tpu.vector_load_idx %arg5[%add3A_709] : memref<4096xi32, #tpu.memory_space<vmem>>[vector<16xi32>], vector<16xi32>,
      %add3A_711 = arith.addi %mul3A_6, %gather3A_710 : vector<16xi32>
      tpu.vector_store_idx %arg6[%add3A_711], %broadcast_in_dim3A_7 {add = true} : memref<320xi32, #tpu.memory_space<vmem>>[vector<16xi32>], vector<16xi32>,
      %add3A_712 = arith.constant 3713 : i32
      %add3A_713 = vector.broadcast %add3A_712 : i32 to vector<16xi32>
      %add3A_714 = arith.addi %mul3A_3, %add3A_713 : vector<16xi32>
      %gather3A_715 = tpu.vector_load_idx %arg5[%add3A_714] : memref<4096xi32, #tpu.memory_space<vmem>>[vector<16xi32>], vector<16xi32>,
      %add3A_716 = arith.addi %mul3A_6, %gather3A_715 : vector<16xi32>
      tpu.vector_store_idx %arg6[%add3A_716], %broadcast_in_dim3A_7 {add = true} : memref<320xi32, #tpu.memory_space<vmem>>[vector<16xi32>], vector<16xi32>,
      %add3A_717 = arith.constant 3714 : i32
      %add3A_718 = vector.broadcast %add3A_717 : i32 to vector<16xi32>
      %add3A_719 = arith.addi %mul3A_3, %add3A_718 : vector<16xi32>
      %gather3A_720 = tpu.vector_load_idx %arg5[%add3A_719] : memref<4096xi32, #tpu.memory_space<vmem>>[vector<16xi32>], vector<16xi32>,
      %add3A_721 = arith.addi %mul3A_6, %gather3A_720 : vector<16xi32>
      tpu.vector_store_idx %arg6[%add3A_721], %broadcast_in_dim3A_7 {add = true} : memref<320xi32, #tpu.memory_space<vmem>>[vector<16xi32>], vector<16xi32>,
      %add3A_722 = arith.constant 3715 : i32
      %add3A_723 = vector.broadcast %add3A_722 : i32 to vector<16xi32>
      %add3A_724 = arith.addi %mul3A_3, %add3A_723 : vector<16xi32>
      %gather3A_725 = tpu.vector_load_idx %arg5[%add3A_724] : memref<4096xi32, #tpu.memory_space<vmem>>[vector<16xi32>], vector<16xi32>,
      %add3A_726 = arith.addi %mul3A_6, %gather3A_725 : vector<16xi32>
      tpu.vector_store_idx %arg6[%add3A_726], %broadcast_in_dim3A_7 {add = true} : memref<320xi32, #tpu.memory_space<vmem>>[vector<16xi32>], vector<16xi32>,
      %add3A_727 = arith.constant 3716 : i32
      %add3A_728 = vector.broadcast %add3A_727 : i32 to vector<16xi32>
      %add3A_729 = arith.addi %mul3A_3, %add3A_728 : vector<16xi32>
      %gather3A_730 = tpu.vector_load_idx %arg5[%add3A_729] : memref<4096xi32, #tpu.memory_space<vmem>>[vector<16xi32>], vector<16xi32>,
      %add3A_731 = arith.addi %mul3A_6, %gather3A_730 : vector<16xi32>
      tpu.vector_store_idx %arg6[%add3A_731], %broadcast_in_dim3A_7 {add = true} : memref<320xi32, #tpu.memory_space<vmem>>[vector<16xi32>], vector<16xi32>,
      %add3A_732 = arith.constant 3717 : i32
      %add3A_733 = vector.broadcast %add3A_732 : i32 to vector<16xi32>
      %add3A_734 = arith.addi %mul3A_3, %add3A_733 : vector<16xi32>
      %gather3A_735 = tpu.vector_load_idx %arg5[%add3A_734] : memref<4096xi32, #tpu.memory_space<vmem>>[vector<16xi32>], vector<16xi32>,
      %add3A_736 = arith.addi %mul3A_6, %gather3A_735 : vector<16xi32>
      tpu.vector_store_idx %arg6[%add3A_736], %broadcast_in_dim3A_7 {add = true} : memref<320xi32, #tpu.memory_space<vmem>>[vector<16xi32>], vector<16xi32>,
      %add3A_737 = arith.constant 3718 : i32
      %add3A_738 = vector.broadcast %add3A_737 : i32 to vector<16xi32>
      %add3A_739 = arith.addi %mul3A_3, %add3A_738 : vector<16xi32>
      %gather3A_740 = tpu.vector_load_idx %arg5[%add3A_739] : memref<4096xi32, #tpu.memory_space<vmem>>[vector<16xi32>], vector<16xi32>,
      %add3A_741 = arith.addi %mul3A_6, %gather3A_740 : vector<16xi32>
      tpu.vector_store_idx %arg6[%add3A_741], %broadcast_in_dim3A_7 {add = true} : memref<320xi32, #tpu.memory_space<vmem>>[vector<16xi32>], vector<16xi32>,
      %add3A_742 = arith.constant 3719 : i32
      %add3A_743 = vector.broadcast %add3A_742 : i32 to vector<16xi32>
      %add3A_744 = arith.addi %mul3A_3, %add3A_743 : vector<16xi32>
      %gather3A_745 = tpu.vector_load_idx %arg5[%add3A_744] : memref<4096xi32, #tpu.memory_space<vmem>>[vector<16xi32>], vector<16xi32>,
      %add3A_746 = arith.addi %mul3A_6, %gather3A_745 : vector<16xi32>
      tpu.vector_store_idx %arg6[%add3A_746], %broadcast_in_dim3A_7 {add = true} : memref<320xi32, #tpu.memory_space<vmem>>[vector<16xi32>], vector<16xi32>,
      %broadcast_in_dim3A_747 = arith.constant 0xFF800000 : f32
      %broadcast_in_dim3A_748 = vector.broadcast %broadcast_in_dim3A_747 : f32 to vector<16xf32>
      %scan3A_749 = arith.constant 0 : i32
      %scan3A_750 = arith.constant 20 : i32
      %scan3A_751 = arith.addi %scan3A_749, %scan3A_750 : i32
      %scan3A_752 = arith.constant 1 : i32
      %scan3A_753:2 = scf.for %scan3A_1497 = %scan3A_749 to %scan3A_751 step %scan3A_752 iter_args(%scan3A_1498 = %broadcast_in_dim3A_748, %scan3A_1499 = %broadcast_in_dim3A_9) -> (vector<16xf32>, vector<16xi32>)  : i32 {
        %broadcast_in_dim3A_1500 = vector.broadcast %scan3A_1497 : i32 to vector<16xi32>
        %add3A_1501 = arith.addi %mul3A_6, %broadcast_in_dim3A_1500 : vector<16xi32>
        %gather3A_1502 = tpu.vector_load_idx %arg6[%add3A_1501] : memref<320xi32, #tpu.memory_space<vmem>>[vector<16xi32>], vector<16xi32>,
        %gather3A_1503 = tpu.vector_load_idx %arg8[%broadcast_in_dim3A_1500] : memref<20xf32, #tpu.memory_space<vmem>>[vector<16xi32>], vector<16xf32>,
        %convert_element_type3A = arith.sitofp %gather3A_1502 : vector<16xi32> to vector<16xf32>
        %mul3A_1504 = arith.mulf %convert_element_type3A, %gather3A_1503 : vector<16xf32>
        %gt3A = arith.cmpf ogt, %mul3A_1504, %scan3A_1498 : vector<16xf32>
        %select_n3A = arith.select %gt3A, %mul3A_1504, %scan3A_1498 : vector<16xi1>, vector<16xf32>
        %select_n3A_1505 = arith.select %gt3A, %broadcast_in_dim3A_1500, %scan3A_1499 : vector<16xi1>, vector<16xi32>
        scf.yield %select_n3A, %select_n3A_1505 : vector<16xf32>, vector<16xi32>
      }
      %scan3A_754 = arith.constant 20 : i32
      %swap3A_755 = arith.constant 16 : index
      %swap3A_756 = tpu.vector_load %arg7[%swap3A_755] {strides = array<i32>} : memref<64xi32, #tpu.memory_space<vmem>>, vector<16xi32>,
      tpu.vector_store %arg7[%swap3A_755], %scan3A_753#1 {strides = array<i32>} : memref<64xi32, #tpu.memory_space<vmem>>, vector<16xi32>,
      %swap3A_757 = arith.constant 0 : index
      %swap3A_758 = tpu.vector_load %arg6[%swap3A_757] {strides = array<i32>} : memref<320xi32, #tpu.memory_space<vmem>>, vector<16xi32>,
      tpu.vector_store %arg6[%swap3A_757], %broadcast_in_dim3A_9 {strides = array<i32>} : memref<320xi32, #tpu.memory_space<vmem>>, vector<16xi32>,
      %swap3A_759 = arith.constant 16 : index
      %swap3A_760 = tpu.vector_load %arg6[%swap3A_759] {strides = array<i32>} : memref<320xi32, #tpu.memory_space<vmem>>, vector<16xi32>,
      tpu.vector_store %arg6[%swap3A_759], %broadcast_in_dim3A_9 {strides = array<i32>} : memref<320xi32, #tpu.memory_space<vmem>>, vector<16xi32>,
      %swap3A_761 = arith.constant 32 : index
      %swap3A_762 = tpu.vector_load %arg6[%swap3A_761] {strides = array<i32>} : memref<320xi32, #tpu.memory_space<vmem>>, vector<16xi32>,
      tpu.vector_store %arg6[%swap3A_761], %broadcast_in_dim3A_9 {strides = array<i32>} : memref<320xi32, #tpu.memory_space<vmem>>, vector<16xi32>,
      %swap3A_763 = arith.constant 48 : index
      %swap3A_764 = tpu.vector_load %arg6[%swap3A_763] {strides = array<i32>} : memref<320xi32, #tpu.memory_space<vmem>>, vector<16xi32>,
      tpu.vector_store %arg6[%swap3A_763], %broadcast_in_dim3A_9 {strides = array<i32>} : memref<320xi32, #tpu.memory_space<vmem>>, vector<16xi32>,
      %swap3A_765 = arith.constant 64 : index
      %swap3A_766 = tpu.vector_load %arg6[%swap3A_765] {strides = array<i32>} : memref<320xi32, #tpu.memory_space<vmem>>, vector<16xi32>,
      tpu.vector_store %arg6[%swap3A_765], %broadcast_in_dim3A_9 {strides = array<i32>} : memref<320xi32, #tpu.memory_space<vmem>>, vector<16xi32>,
      %swap3A_767 = arith.constant 80 : index
      %swap3A_768 = tpu.vector_load %arg6[%swap3A_767] {strides = array<i32>} : memref<320xi32, #tpu.memory_space<vmem>>, vector<16xi32>,
      tpu.vector_store %arg6[%swap3A_767], %broadcast_in_dim3A_9 {strides = array<i32>} : memref<320xi32, #tpu.memory_space<vmem>>, vector<16xi32>,
      %swap3A_769 = arith.constant 96 : index
      %swap3A_770 = tpu.vector_load %arg6[%swap3A_769] {strides = array<i32>} : memref<320xi32, #tpu.memory_space<vmem>>, vector<16xi32>,
      tpu.vector_store %arg6[%swap3A_769], %broadcast_in_dim3A_9 {strides = array<i32>} : memref<320xi32, #tpu.memory_space<vmem>>, vector<16xi32>,
      %swap3A_771 = arith.constant 112 : index
      %swap3A_772 = tpu.vector_load %arg6[%swap3A_771] {strides = array<i32>} : memref<320xi32, #tpu.memory_space<vmem>>, vector<16xi32>,
      tpu.vector_store %arg6[%swap3A_771], %broadcast_in_dim3A_9 {strides = array<i32>} : memref<320xi32, #tpu.memory_space<vmem>>, vector<16xi32>,
      %swap3A_773 = arith.constant 128 : index
      %swap3A_774 = tpu.vector_load %arg6[%swap3A_773] {strides = array<i32>} : memref<320xi32, #tpu.memory_space<vmem>>, vector<16xi32>,
      tpu.vector_store %arg6[%swap3A_773], %broadcast_in_dim3A_9 {strides = array<i32>} : memref<320xi32, #tpu.memory_space<vmem>>, vector<16xi32>,
      %swap3A_775 = arith.constant 144 : index
      %swap3A_776 = tpu.vector_load %arg6[%swap3A_775] {strides = array<i32>} : memref<320xi32, #tpu.memory_space<vmem>>, vector<16xi32>,
      tpu.vector_store %arg6[%swap3A_775], %broadcast_in_dim3A_9 {strides = array<i32>} : memref<320xi32, #tpu.memory_space<vmem>>, vector<16xi32>,
      %swap3A_777 = arith.constant 160 : index
      %swap3A_778 = tpu.vector_load %arg6[%swap3A_777] {strides = array<i32>} : memref<320xi32, #tpu.memory_space<vmem>>, vector<16xi32>,
      tpu.vector_store %arg6[%swap3A_777], %broadcast_in_dim3A_9 {strides = array<i32>} : memref<320xi32, #tpu.memory_space<vmem>>, vector<16xi32>,
      %swap3A_779 = arith.constant 176 : index
      %swap3A_780 = tpu.vector_load %arg6[%swap3A_779] {strides = array<i32>} : memref<320xi32, #tpu.memory_space<vmem>>, vector<16xi32>,
      tpu.vector_store %arg6[%swap3A_779], %broadcast_in_dim3A_9 {strides = array<i32>} : memref<320xi32, #tpu.memory_space<vmem>>, vector<16xi32>,
      %swap3A_781 = arith.constant 192 : index
      %swap3A_782 = tpu.vector_load %arg6[%swap3A_781] {strides = array<i32>} : memref<320xi32, #tpu.memory_space<vmem>>, vector<16xi32>,
      tpu.vector_store %arg6[%swap3A_781], %broadcast_in_dim3A_9 {strides = array<i32>} : memref<320xi32, #tpu.memory_space<vmem>>, vector<16xi32>,
      %swap3A_783 = arith.constant 208 : index
      %swap3A_784 = tpu.vector_load %arg6[%swap3A_783] {strides = array<i32>} : memref<320xi32, #tpu.memory_space<vmem>>, vector<16xi32>,
      tpu.vector_store %arg6[%swap3A_783], %broadcast_in_dim3A_9 {strides = array<i32>} : memref<320xi32, #tpu.memory_space<vmem>>, vector<16xi32>,
      %swap3A_785 = arith.constant 224 : index
      %swap3A_786 = tpu.vector_load %arg6[%swap3A_785] {strides = array<i32>} : memref<320xi32, #tpu.memory_space<vmem>>, vector<16xi32>,
      tpu.vector_store %arg6[%swap3A_785], %broadcast_in_dim3A_9 {strides = array<i32>} : memref<320xi32, #tpu.memory_space<vmem>>, vector<16xi32>,
      %swap3A_787 = arith.constant 240 : index
      %swap3A_788 = tpu.vector_load %arg6[%swap3A_787] {strides = array<i32>} : memref<320xi32, #tpu.memory_space<vmem>>, vector<16xi32>,
      tpu.vector_store %arg6[%swap3A_787], %broadcast_in_dim3A_9 {strides = array<i32>} : memref<320xi32, #tpu.memory_space<vmem>>, vector<16xi32>,
      %swap3A_789 = arith.constant 256 : index
      %swap3A_790 = tpu.vector_load %arg6[%swap3A_789] {strides = array<i32>} : memref<320xi32, #tpu.memory_space<vmem>>, vector<16xi32>,
      tpu.vector_store %arg6[%swap3A_789], %broadcast_in_dim3A_9 {strides = array<i32>} : memref<320xi32, #tpu.memory_space<vmem>>, vector<16xi32>,
      %swap3A_791 = arith.constant 272 : index
      %swap3A_792 = tpu.vector_load %arg6[%swap3A_791] {strides = array<i32>} : memref<320xi32, #tpu.memory_space<vmem>>, vector<16xi32>,
      tpu.vector_store %arg6[%swap3A_791], %broadcast_in_dim3A_9 {strides = array<i32>} : memref<320xi32, #tpu.memory_space<vmem>>, vector<16xi32>,
      %swap3A_793 = arith.constant 288 : index
      %swap3A_794 = tpu.vector_load %arg6[%swap3A_793] {strides = array<i32>} : memref<320xi32, #tpu.memory_space<vmem>>, vector<16xi32>,
      tpu.vector_store %arg6[%swap3A_793], %broadcast_in_dim3A_9 {strides = array<i32>} : memref<320xi32, #tpu.memory_space<vmem>>, vector<16xi32>,
      %swap3A_795 = arith.constant 304 : index
      %swap3A_796 = tpu.vector_load %arg6[%swap3A_795] {strides = array<i32>} : memref<320xi32, #tpu.memory_space<vmem>>, vector<16xi32>,
      tpu.vector_store %arg6[%swap3A_795], %broadcast_in_dim3A_9 {strides = array<i32>} : memref<320xi32, #tpu.memory_space<vmem>>, vector<16xi32>,
      %add3A_797 = arith.constant 256 : i32
      %add3A_798 = vector.broadcast %add3A_797 : i32 to vector<16xi32>
      %add3A_799 = arith.addi %mul3A_3, %add3A_798 : vector<16xi32>
      %gather3A_800 = tpu.vector_load_idx %arg5[%add3A_799] : memref<4096xi32, #tpu.memory_space<vmem>>[vector<16xi32>], vector<16xi32>,
      %add3A_801 = arith.addi %mul3A_6, %gather3A_800 : vector<16xi32>
      tpu.vector_store_idx %arg6[%add3A_801], %broadcast_in_dim3A_7 {add = true} : memref<320xi32, #tpu.memory_space<vmem>>[vector<16xi32>], vector<16xi32>,
      %add3A_802 = arith.constant 257 : i32
      %add3A_803 = vector.broadcast %add3A_802 : i32 to vector<16xi32>
      %add3A_804 = arith.addi %mul3A_3, %add3A_803 : vector<16xi32>
      %gather3A_805 = tpu.vector_load_idx %arg5[%add3A_804] : memref<4096xi32, #tpu.memory_space<vmem>>[vector<16xi32>], vector<16xi32>,
      %add3A_806 = arith.addi %mul3A_6, %gather3A_805 : vector<16xi32>
      tpu.vector_store_idx %arg6[%add3A_806], %broadcast_in_dim3A_7 {add = true} : memref<320xi32, #tpu.memory_space<vmem>>[vector<16xi32>], vector<16xi32>,
      %add3A_807 = arith.constant 258 : i32
      %add3A_808 = vector.broadcast %add3A_807 : i32 to vector<16xi32>
      %add3A_809 = arith.addi %mul3A_3, %add3A_808 : vector<16xi32>
      %gather3A_810 = tpu.vector_load_idx %arg5[%add3A_809] : memref<4096xi32, #tpu.memory_space<vmem>>[vector<16xi32>], vector<16xi32>,
      %add3A_811 = arith.addi %mul3A_6, %gather3A_810 : vector<16xi32>
      tpu.vector_store_idx %arg6[%add3A_811], %broadcast_in_dim3A_7 {add = true} : memref<320xi32, #tpu.memory_space<vmem>>[vector<16xi32>], vector<16xi32>,
      %add3A_812 = arith.constant 259 : i32
      %add3A_813 = vector.broadcast %add3A_812 : i32 to vector<16xi32>
      %add3A_814 = arith.addi %mul3A_3, %add3A_813 : vector<16xi32>
      %gather3A_815 = tpu.vector_load_idx %arg5[%add3A_814] : memref<4096xi32, #tpu.memory_space<vmem>>[vector<16xi32>], vector<16xi32>,
      %add3A_816 = arith.addi %mul3A_6, %gather3A_815 : vector<16xi32>
      tpu.vector_store_idx %arg6[%add3A_816], %broadcast_in_dim3A_7 {add = true} : memref<320xi32, #tpu.memory_space<vmem>>[vector<16xi32>], vector<16xi32>,
      %add3A_817 = arith.constant 260 : i32
      %add3A_818 = vector.broadcast %add3A_817 : i32 to vector<16xi32>
      %add3A_819 = arith.addi %mul3A_3, %add3A_818 : vector<16xi32>
      %gather3A_820 = tpu.vector_load_idx %arg5[%add3A_819] : memref<4096xi32, #tpu.memory_space<vmem>>[vector<16xi32>], vector<16xi32>,
      %add3A_821 = arith.addi %mul3A_6, %gather3A_820 : vector<16xi32>
      tpu.vector_store_idx %arg6[%add3A_821], %broadcast_in_dim3A_7 {add = true} : memref<320xi32, #tpu.memory_space<vmem>>[vector<16xi32>], vector<16xi32>,
      %add3A_822 = arith.constant 261 : i32
      %add3A_823 = vector.broadcast %add3A_822 : i32 to vector<16xi32>
      %add3A_824 = arith.addi %mul3A_3, %add3A_823 : vector<16xi32>
      %gather3A_825 = tpu.vector_load_idx %arg5[%add3A_824] : memref<4096xi32, #tpu.memory_space<vmem>>[vector<16xi32>], vector<16xi32>,
      %add3A_826 = arith.addi %mul3A_6, %gather3A_825 : vector<16xi32>
      tpu.vector_store_idx %arg6[%add3A_826], %broadcast_in_dim3A_7 {add = true} : memref<320xi32, #tpu.memory_space<vmem>>[vector<16xi32>], vector<16xi32>,
      %add3A_827 = arith.constant 262 : i32
      %add3A_828 = vector.broadcast %add3A_827 : i32 to vector<16xi32>
      %add3A_829 = arith.addi %mul3A_3, %add3A_828 : vector<16xi32>
      %gather3A_830 = tpu.vector_load_idx %arg5[%add3A_829] : memref<4096xi32, #tpu.memory_space<vmem>>[vector<16xi32>], vector<16xi32>,
      %add3A_831 = arith.addi %mul3A_6, %gather3A_830 : vector<16xi32>
      tpu.vector_store_idx %arg6[%add3A_831], %broadcast_in_dim3A_7 {add = true} : memref<320xi32, #tpu.memory_space<vmem>>[vector<16xi32>], vector<16xi32>,
      %add3A_832 = arith.constant 263 : i32
      %add3A_833 = vector.broadcast %add3A_832 : i32 to vector<16xi32>
      %add3A_834 = arith.addi %mul3A_3, %add3A_833 : vector<16xi32>
      %gather3A_835 = tpu.vector_load_idx %arg5[%add3A_834] : memref<4096xi32, #tpu.memory_space<vmem>>[vector<16xi32>], vector<16xi32>,
      %add3A_836 = arith.addi %mul3A_6, %gather3A_835 : vector<16xi32>
      tpu.vector_store_idx %arg6[%add3A_836], %broadcast_in_dim3A_7 {add = true} : memref<320xi32, #tpu.memory_space<vmem>>[vector<16xi32>], vector<16xi32>,
      %add3A_837 = arith.constant 768 : i32
      %add3A_838 = vector.broadcast %add3A_837 : i32 to vector<16xi32>
      %add3A_839 = arith.addi %mul3A_3, %add3A_838 : vector<16xi32>
      %gather3A_840 = tpu.vector_load_idx %arg5[%add3A_839] : memref<4096xi32, #tpu.memory_space<vmem>>[vector<16xi32>], vector<16xi32>,
      %add3A_841 = arith.addi %mul3A_6, %gather3A_840 : vector<16xi32>
      tpu.vector_store_idx %arg6[%add3A_841], %broadcast_in_dim3A_7 {add = true} : memref<320xi32, #tpu.memory_space<vmem>>[vector<16xi32>], vector<16xi32>,
      %add3A_842 = arith.constant 769 : i32
      %add3A_843 = vector.broadcast %add3A_842 : i32 to vector<16xi32>
      %add3A_844 = arith.addi %mul3A_3, %add3A_843 : vector<16xi32>
      %gather3A_845 = tpu.vector_load_idx %arg5[%add3A_844] : memref<4096xi32, #tpu.memory_space<vmem>>[vector<16xi32>], vector<16xi32>,
      %add3A_846 = arith.addi %mul3A_6, %gather3A_845 : vector<16xi32>
      tpu.vector_store_idx %arg6[%add3A_846], %broadcast_in_dim3A_7 {add = true} : memref<320xi32, #tpu.memory_space<vmem>>[vector<16xi32>], vector<16xi32>,
      %add3A_847 = arith.constant 770 : i32
      %add3A_848 = vector.broadcast %add3A_847 : i32 to vector<16xi32>
      %add3A_849 = arith.addi %mul3A_3, %add3A_848 : vector<16xi32>
      %gather3A_850 = tpu.vector_load_idx %arg5[%add3A_849] : memref<4096xi32, #tpu.memory_space<vmem>>[vector<16xi32>], vector<16xi32>,
      %add3A_851 = arith.addi %mul3A_6, %gather3A_850 : vector<16xi32>
      tpu.vector_store_idx %arg6[%add3A_851], %broadcast_in_dim3A_7 {add = true} : memref<320xi32, #tpu.memory_space<vmem>>[vector<16xi32>], vector<16xi32>,
      %add3A_852 = arith.constant 771 : i32
      %add3A_853 = vector.broadcast %add3A_852 : i32 to vector<16xi32>
      %add3A_854 = arith.addi %mul3A_3, %add3A_853 : vector<16xi32>
      %gather3A_855 = tpu.vector_load_idx %arg5[%add3A_854] : memref<4096xi32, #tpu.memory_space<vmem>>[vector<16xi32>], vector<16xi32>,
      %add3A_856 = arith.addi %mul3A_6, %gather3A_855 : vector<16xi32>
      tpu.vector_store_idx %arg6[%add3A_856], %broadcast_in_dim3A_7 {add = true} : memref<320xi32, #tpu.memory_space<vmem>>[vector<16xi32>], vector<16xi32>,
      %add3A_857 = arith.constant 772 : i32
      %add3A_858 = vector.broadcast %add3A_857 : i32 to vector<16xi32>
      %add3A_859 = arith.addi %mul3A_3, %add3A_858 : vector<16xi32>
      %gather3A_860 = tpu.vector_load_idx %arg5[%add3A_859] : memref<4096xi32, #tpu.memory_space<vmem>>[vector<16xi32>], vector<16xi32>,
      %add3A_861 = arith.addi %mul3A_6, %gather3A_860 : vector<16xi32>
      tpu.vector_store_idx %arg6[%add3A_861], %broadcast_in_dim3A_7 {add = true} : memref<320xi32, #tpu.memory_space<vmem>>[vector<16xi32>], vector<16xi32>,
      %add3A_862 = arith.constant 773 : i32
      %add3A_863 = vector.broadcast %add3A_862 : i32 to vector<16xi32>
      %add3A_864 = arith.addi %mul3A_3, %add3A_863 : vector<16xi32>
      %gather3A_865 = tpu.vector_load_idx %arg5[%add3A_864] : memref<4096xi32, #tpu.memory_space<vmem>>[vector<16xi32>], vector<16xi32>,
      %add3A_866 = arith.addi %mul3A_6, %gather3A_865 : vector<16xi32>
      tpu.vector_store_idx %arg6[%add3A_866], %broadcast_in_dim3A_7 {add = true} : memref<320xi32, #tpu.memory_space<vmem>>[vector<16xi32>], vector<16xi32>,
      %add3A_867 = arith.constant 774 : i32
      %add3A_868 = vector.broadcast %add3A_867 : i32 to vector<16xi32>
      %add3A_869 = arith.addi %mul3A_3, %add3A_868 : vector<16xi32>
      %gather3A_870 = tpu.vector_load_idx %arg5[%add3A_869] : memref<4096xi32, #tpu.memory_space<vmem>>[vector<16xi32>], vector<16xi32>,
      %add3A_871 = arith.addi %mul3A_6, %gather3A_870 : vector<16xi32>
      tpu.vector_store_idx %arg6[%add3A_871], %broadcast_in_dim3A_7 {add = true} : memref<320xi32, #tpu.memory_space<vmem>>[vector<16xi32>], vector<16xi32>,
      %add3A_872 = arith.constant 775 : i32
      %add3A_873 = vector.broadcast %add3A_872 : i32 to vector<16xi32>
      %add3A_874 = arith.addi %mul3A_3, %add3A_873 : vector<16xi32>
      %gather3A_875 = tpu.vector_load_idx %arg5[%add3A_874] : memref<4096xi32, #tpu.memory_space<vmem>>[vector<16xi32>], vector<16xi32>,
      %add3A_876 = arith.addi %mul3A_6, %gather3A_875 : vector<16xi32>
      tpu.vector_store_idx %arg6[%add3A_876], %broadcast_in_dim3A_7 {add = true} : memref<320xi32, #tpu.memory_space<vmem>>[vector<16xi32>], vector<16xi32>,
      %add3A_877 = arith.constant 1280 : i32
      %add3A_878 = vector.broadcast %add3A_877 : i32 to vector<16xi32>
      %add3A_879 = arith.addi %mul3A_3, %add3A_878 : vector<16xi32>
      %gather3A_880 = tpu.vector_load_idx %arg5[%add3A_879] : memref<4096xi32, #tpu.memory_space<vmem>>[vector<16xi32>], vector<16xi32>,
      %add3A_881 = arith.addi %mul3A_6, %gather3A_880 : vector<16xi32>
      tpu.vector_store_idx %arg6[%add3A_881], %broadcast_in_dim3A_7 {add = true} : memref<320xi32, #tpu.memory_space<vmem>>[vector<16xi32>], vector<16xi32>,
      %add3A_882 = arith.constant 1281 : i32
      %add3A_883 = vector.broadcast %add3A_882 : i32 to vector<16xi32>
      %add3A_884 = arith.addi %mul3A_3, %add3A_883 : vector<16xi32>
      %gather3A_885 = tpu.vector_load_idx %arg5[%add3A_884] : memref<4096xi32, #tpu.memory_space<vmem>>[vector<16xi32>], vector<16xi32>,
      %add3A_886 = arith.addi %mul3A_6, %gather3A_885 : vector<16xi32>
      tpu.vector_store_idx %arg6[%add3A_886], %broadcast_in_dim3A_7 {add = true} : memref<320xi32, #tpu.memory_space<vmem>>[vector<16xi32>], vector<16xi32>,
      %add3A_887 = arith.constant 1282 : i32
      %add3A_888 = vector.broadcast %add3A_887 : i32 to vector<16xi32>
      %add3A_889 = arith.addi %mul3A_3, %add3A_888 : vector<16xi32>
      %gather3A_890 = tpu.vector_load_idx %arg5[%add3A_889] : memref<4096xi32, #tpu.memory_space<vmem>>[vector<16xi32>], vector<16xi32>,
      %add3A_891 = arith.addi %mul3A_6, %gather3A_890 : vector<16xi32>
      tpu.vector_store_idx %arg6[%add3A_891], %broadcast_in_dim3A_7 {add = true} : memref<320xi32, #tpu.memory_space<vmem>>[vector<16xi32>], vector<16xi32>,
      %add3A_892 = arith.constant 1283 : i32
      %add3A_893 = vector.broadcast %add3A_892 : i32 to vector<16xi32>
      %add3A_894 = arith.addi %mul3A_3, %add3A_893 : vector<16xi32>
      %gather3A_895 = tpu.vector_load_idx %arg5[%add3A_894] : memref<4096xi32, #tpu.memory_space<vmem>>[vector<16xi32>], vector<16xi32>,
      %add3A_896 = arith.addi %mul3A_6, %gather3A_895 : vector<16xi32>
      tpu.vector_store_idx %arg6[%add3A_896], %broadcast_in_dim3A_7 {add = true} : memref<320xi32, #tpu.memory_space<vmem>>[vector<16xi32>], vector<16xi32>,
      %add3A_897 = arith.constant 1284 : i32
      %add3A_898 = vector.broadcast %add3A_897 : i32 to vector<16xi32>
      %add3A_899 = arith.addi %mul3A_3, %add3A_898 : vector<16xi32>
      %gather3A_900 = tpu.vector_load_idx %arg5[%add3A_899] : memref<4096xi32, #tpu.memory_space<vmem>>[vector<16xi32>], vector<16xi32>,
      %add3A_901 = arith.addi %mul3A_6, %gather3A_900 : vector<16xi32>
      tpu.vector_store_idx %arg6[%add3A_901], %broadcast_in_dim3A_7 {add = true} : memref<320xi32, #tpu.memory_space<vmem>>[vector<16xi32>], vector<16xi32>,
      %add3A_902 = arith.constant 1285 : i32
      %add3A_903 = vector.broadcast %add3A_902 : i32 to vector<16xi32>
      %add3A_904 = arith.addi %mul3A_3, %add3A_903 : vector<16xi32>
      %gather3A_905 = tpu.vector_load_idx %arg5[%add3A_904] : memref<4096xi32, #tpu.memory_space<vmem>>[vector<16xi32>], vector<16xi32>,
      %add3A_906 = arith.addi %mul3A_6, %gather3A_905 : vector<16xi32>
      tpu.vector_store_idx %arg6[%add3A_906], %broadcast_in_dim3A_7 {add = true} : memref<320xi32, #tpu.memory_space<vmem>>[vector<16xi32>], vector<16xi32>,
      %add3A_907 = arith.constant 1286 : i32
      %add3A_908 = vector.broadcast %add3A_907 : i32 to vector<16xi32>
      %add3A_909 = arith.addi %mul3A_3, %add3A_908 : vector<16xi32>
      %gather3A_910 = tpu.vector_load_idx %arg5[%add3A_909] : memref<4096xi32, #tpu.memory_space<vmem>>[vector<16xi32>], vector<16xi32>,
      %add3A_911 = arith.addi %mul3A_6, %gather3A_910 : vector<16xi32>
      tpu.vector_store_idx %arg6[%add3A_911], %broadcast_in_dim3A_7 {add = true} : memref<320xi32, #tpu.memory_space<vmem>>[vector<16xi32>], vector<16xi32>,
      %add3A_912 = arith.constant 1287 : i32
      %add3A_913 = vector.broadcast %add3A_912 : i32 to vector<16xi32>
      %add3A_914 = arith.addi %mul3A_3, %add3A_913 : vector<16xi32>
      %gather3A_915 = tpu.vector_load_idx %arg5[%add3A_914] : memref<4096xi32, #tpu.memory_space<vmem>>[vector<16xi32>], vector<16xi32>,
      %add3A_916 = arith.addi %mul3A_6, %gather3A_915 : vector<16xi32>
      tpu.vector_store_idx %arg6[%add3A_916], %broadcast_in_dim3A_7 {add = true} : memref<320xi32, #tpu.memory_space<vmem>>[vector<16xi32>], vector<16xi32>,
      %add3A_917 = arith.constant 1792 : i32
      %add3A_918 = vector.broadcast %add3A_917 : i32 to vector<16xi32>
      %add3A_919 = arith.addi %mul3A_3, %add3A_918 : vector<16xi32>
      %gather3A_920 = tpu.vector_load_idx %arg5[%add3A_919] : memref<4096xi32, #tpu.memory_space<vmem>>[vector<16xi32>], vector<16xi32>,
      %add3A_921 = arith.addi %mul3A_6, %gather3A_920 : vector<16xi32>
      tpu.vector_store_idx %arg6[%add3A_921], %broadcast_in_dim3A_7 {add = true} : memref<320xi32, #tpu.memory_space<vmem>>[vector<16xi32>], vector<16xi32>,
      %add3A_922 = arith.constant 1793 : i32
      %add3A_923 = vector.broadcast %add3A_922 : i32 to vector<16xi32>
      %add3A_924 = arith.addi %mul3A_3, %add3A_923 : vector<16xi32>
      %gather3A_925 = tpu.vector_load_idx %arg5[%add3A_924] : memref<4096xi32, #tpu.memory_space<vmem>>[vector<16xi32>], vector<16xi32>,
      %add3A_926 = arith.addi %mul3A_6, %gather3A_925 : vector<16xi32>
      tpu.vector_store_idx %arg6[%add3A_926], %broadcast_in_dim3A_7 {add = true} : memref<320xi32, #tpu.memory_space<vmem>>[vector<16xi32>], vector<16xi32>,
      %add3A_927 = arith.constant 1794 : i32
      %add3A_928 = vector.broadcast %add3A_927 : i32 to vector<16xi32>
      %add3A_929 = arith.addi %mul3A_3, %add3A_928 : vector<16xi32>
      %gather3A_930 = tpu.vector_load_idx %arg5[%add3A_929] : memref<4096xi32, #tpu.memory_space<vmem>>[vector<16xi32>], vector<16xi32>,
      %add3A_931 = arith.addi %mul3A_6, %gather3A_930 : vector<16xi32>
      tpu.vector_store_idx %arg6[%add3A_931], %broadcast_in_dim3A_7 {add = true} : memref<320xi32, #tpu.memory_space<vmem>>[vector<16xi32>], vector<16xi32>,
      %add3A_932 = arith.constant 1795 : i32
      %add3A_933 = vector.broadcast %add3A_932 : i32 to vector<16xi32>
      %add3A_934 = arith.addi %mul3A_3, %add3A_933 : vector<16xi32>
      %gather3A_935 = tpu.vector_load_idx %arg5[%add3A_934] : memref<4096xi32, #tpu.memory_space<vmem>>[vector<16xi32>], vector<16xi32>,
      %add3A_936 = arith.addi %mul3A_6, %gather3A_935 : vector<16xi32>
      tpu.vector_store_idx %arg6[%add3A_936], %broadcast_in_dim3A_7 {add = true} : memref<320xi32, #tpu.memory_space<vmem>>[vector<16xi32>], vector<16xi32>,
      %add3A_937 = arith.constant 1796 : i32
      %add3A_938 = vector.broadcast %add3A_937 : i32 to vector<16xi32>
      %add3A_939 = arith.addi %mul3A_3, %add3A_938 : vector<16xi32>
      %gather3A_940 = tpu.vector_load_idx %arg5[%add3A_939] : memref<4096xi32, #tpu.memory_space<vmem>>[vector<16xi32>], vector<16xi32>,
      %add3A_941 = arith.addi %mul3A_6, %gather3A_940 : vector<16xi32>
      tpu.vector_store_idx %arg6[%add3A_941], %broadcast_in_dim3A_7 {add = true} : memref<320xi32, #tpu.memory_space<vmem>>[vector<16xi32>], vector<16xi32>,
      %add3A_942 = arith.constant 1797 : i32
      %add3A_943 = vector.broadcast %add3A_942 : i32 to vector<16xi32>
      %add3A_944 = arith.addi %mul3A_3, %add3A_943 : vector<16xi32>
      %gather3A_945 = tpu.vector_load_idx %arg5[%add3A_944] : memref<4096xi32, #tpu.memory_space<vmem>>[vector<16xi32>], vector<16xi32>,
      %add3A_946 = arith.addi %mul3A_6, %gather3A_945 : vector<16xi32>
      tpu.vector_store_idx %arg6[%add3A_946], %broadcast_in_dim3A_7 {add = true} : memref<320xi32, #tpu.memory_space<vmem>>[vector<16xi32>], vector<16xi32>,
      %add3A_947 = arith.constant 1798 : i32
      %add3A_948 = vector.broadcast %add3A_947 : i32 to vector<16xi32>
      %add3A_949 = arith.addi %mul3A_3, %add3A_948 : vector<16xi32>
      %gather3A_950 = tpu.vector_load_idx %arg5[%add3A_949] : memref<4096xi32, #tpu.memory_space<vmem>>[vector<16xi32>], vector<16xi32>,
      %add3A_951 = arith.addi %mul3A_6, %gather3A_950 : vector<16xi32>
      tpu.vector_store_idx %arg6[%add3A_951], %broadcast_in_dim3A_7 {add = true} : memref<320xi32, #tpu.memory_space<vmem>>[vector<16xi32>], vector<16xi32>,
      %add3A_952 = arith.constant 1799 : i32
      %add3A_953 = vector.broadcast %add3A_952 : i32 to vector<16xi32>
      %add3A_954 = arith.addi %mul3A_3, %add3A_953 : vector<16xi32>
      %gather3A_955 = tpu.vector_load_idx %arg5[%add3A_954] : memref<4096xi32, #tpu.memory_space<vmem>>[vector<16xi32>], vector<16xi32>,
      %add3A_956 = arith.addi %mul3A_6, %gather3A_955 : vector<16xi32>
      tpu.vector_store_idx %arg6[%add3A_956], %broadcast_in_dim3A_7 {add = true} : memref<320xi32, #tpu.memory_space<vmem>>[vector<16xi32>], vector<16xi32>,
      %add3A_957 = arith.constant 2304 : i32
      %add3A_958 = vector.broadcast %add3A_957 : i32 to vector<16xi32>
      %add3A_959 = arith.addi %mul3A_3, %add3A_958 : vector<16xi32>
      %gather3A_960 = tpu.vector_load_idx %arg5[%add3A_959] : memref<4096xi32, #tpu.memory_space<vmem>>[vector<16xi32>], vector<16xi32>,
      %add3A_961 = arith.addi %mul3A_6, %gather3A_960 : vector<16xi32>
      tpu.vector_store_idx %arg6[%add3A_961], %broadcast_in_dim3A_7 {add = true} : memref<320xi32, #tpu.memory_space<vmem>>[vector<16xi32>], vector<16xi32>,
      %add3A_962 = arith.constant 2305 : i32
      %add3A_963 = vector.broadcast %add3A_962 : i32 to vector<16xi32>
      %add3A_964 = arith.addi %mul3A_3, %add3A_963 : vector<16xi32>
      %gather3A_965 = tpu.vector_load_idx %arg5[%add3A_964] : memref<4096xi32, #tpu.memory_space<vmem>>[vector<16xi32>], vector<16xi32>,
      %add3A_966 = arith.addi %mul3A_6, %gather3A_965 : vector<16xi32>
      tpu.vector_store_idx %arg6[%add3A_966], %broadcast_in_dim3A_7 {add = true} : memref<320xi32, #tpu.memory_space<vmem>>[vector<16xi32>], vector<16xi32>,
      %add3A_967 = arith.constant 2306 : i32
      %add3A_968 = vector.broadcast %add3A_967 : i32 to vector<16xi32>
      %add3A_969 = arith.addi %mul3A_3, %add3A_968 : vector<16xi32>
      %gather3A_970 = tpu.vector_load_idx %arg5[%add3A_969] : memref<4096xi32, #tpu.memory_space<vmem>>[vector<16xi32>], vector<16xi32>,
      %add3A_971 = arith.addi %mul3A_6, %gather3A_970 : vector<16xi32>
      tpu.vector_store_idx %arg6[%add3A_971], %broadcast_in_dim3A_7 {add = true} : memref<320xi32, #tpu.memory_space<vmem>>[vector<16xi32>], vector<16xi32>,
      %add3A_972 = arith.constant 2307 : i32
      %add3A_973 = vector.broadcast %add3A_972 : i32 to vector<16xi32>
      %add3A_974 = arith.addi %mul3A_3, %add3A_973 : vector<16xi32>
      %gather3A_975 = tpu.vector_load_idx %arg5[%add3A_974] : memref<4096xi32, #tpu.memory_space<vmem>>[vector<16xi32>], vector<16xi32>,
      %add3A_976 = arith.addi %mul3A_6, %gather3A_975 : vector<16xi32>
      tpu.vector_store_idx %arg6[%add3A_976], %broadcast_in_dim3A_7 {add = true} : memref<320xi32, #tpu.memory_space<vmem>>[vector<16xi32>], vector<16xi32>,
      %add3A_977 = arith.constant 2308 : i32
      %add3A_978 = vector.broadcast %add3A_977 : i32 to vector<16xi32>
      %add3A_979 = arith.addi %mul3A_3, %add3A_978 : vector<16xi32>
      %gather3A_980 = tpu.vector_load_idx %arg5[%add3A_979] : memref<4096xi32, #tpu.memory_space<vmem>>[vector<16xi32>], vector<16xi32>,
      %add3A_981 = arith.addi %mul3A_6, %gather3A_980 : vector<16xi32>
      tpu.vector_store_idx %arg6[%add3A_981], %broadcast_in_dim3A_7 {add = true} : memref<320xi32, #tpu.memory_space<vmem>>[vector<16xi32>], vector<16xi32>,
      %add3A_982 = arith.constant 2309 : i32
      %add3A_983 = vector.broadcast %add3A_982 : i32 to vector<16xi32>
      %add3A_984 = arith.addi %mul3A_3, %add3A_983 : vector<16xi32>
      %gather3A_985 = tpu.vector_load_idx %arg5[%add3A_984] : memref<4096xi32, #tpu.memory_space<vmem>>[vector<16xi32>], vector<16xi32>,
      %add3A_986 = arith.addi %mul3A_6, %gather3A_985 : vector<16xi32>
      tpu.vector_store_idx %arg6[%add3A_986], %broadcast_in_dim3A_7 {add = true} : memref<320xi32, #tpu.memory_space<vmem>>[vector<16xi32>], vector<16xi32>,
      %add3A_987 = arith.constant 2310 : i32
      %add3A_988 = vector.broadcast %add3A_987 : i32 to vector<16xi32>
      %add3A_989 = arith.addi %mul3A_3, %add3A_988 : vector<16xi32>
      %gather3A_990 = tpu.vector_load_idx %arg5[%add3A_989] : memref<4096xi32, #tpu.memory_space<vmem>>[vector<16xi32>], vector<16xi32>,
      %add3A_991 = arith.addi %mul3A_6, %gather3A_990 : vector<16xi32>
      tpu.vector_store_idx %arg6[%add3A_991], %broadcast_in_dim3A_7 {add = true} : memref<320xi32, #tpu.memory_space<vmem>>[vector<16xi32>], vector<16xi32>,
      %add3A_992 = arith.constant 2311 : i32
      %add3A_993 = vector.broadcast %add3A_992 : i32 to vector<16xi32>
      %add3A_994 = arith.addi %mul3A_3, %add3A_993 : vector<16xi32>
      %gather3A_995 = tpu.vector_load_idx %arg5[%add3A_994] : memref<4096xi32, #tpu.memory_space<vmem>>[vector<16xi32>], vector<16xi32>,
      %add3A_996 = arith.addi %mul3A_6, %gather3A_995 : vector<16xi32>
      tpu.vector_store_idx %arg6[%add3A_996], %broadcast_in_dim3A_7 {add = true} : memref<320xi32, #tpu.memory_space<vmem>>[vector<16xi32>], vector<16xi32>,
      %add3A_997 = arith.constant 2816 : i32
      %add3A_998 = vector.broadcast %add3A_997 : i32 to vector<16xi32>
      %add3A_999 = arith.addi %mul3A_3, %add3A_998 : vector<16xi32>
      %gather3A_1000 = tpu.vector_load_idx %arg5[%add3A_999] : memref<4096xi32, #tpu.memory_space<vmem>>[vector<16xi32>], vector<16xi32>,
      %add3A_1001 = arith.addi %mul3A_6, %gather3A_1000 : vector<16xi32>
      tpu.vector_store_idx %arg6[%add3A_1001], %broadcast_in_dim3A_7 {add = true} : memref<320xi32, #tpu.memory_space<vmem>>[vector<16xi32>], vector<16xi32>,
      %add3A_1002 = arith.constant 2817 : i32
      %add3A_1003 = vector.broadcast %add3A_1002 : i32 to vector<16xi32>
      %add3A_1004 = arith.addi %mul3A_3, %add3A_1003 : vector<16xi32>
      %gather3A_1005 = tpu.vector_load_idx %arg5[%add3A_1004] : memref<4096xi32, #tpu.memory_space<vmem>>[vector<16xi32>], vector<16xi32>,
      %add3A_1006 = arith.addi %mul3A_6, %gather3A_1005 : vector<16xi32>
      tpu.vector_store_idx %arg6[%add3A_1006], %broadcast_in_dim3A_7 {add = true} : memref<320xi32, #tpu.memory_space<vmem>>[vector<16xi32>], vector<16xi32>,
      %add3A_1007 = arith.constant 2818 : i32
      %add3A_1008 = vector.broadcast %add3A_1007 : i32 to vector<16xi32>
      %add3A_1009 = arith.addi %mul3A_3, %add3A_1008 : vector<16xi32>
      %gather3A_1010 = tpu.vector_load_idx %arg5[%add3A_1009] : memref<4096xi32, #tpu.memory_space<vmem>>[vector<16xi32>], vector<16xi32>,
      %add3A_1011 = arith.addi %mul3A_6, %gather3A_1010 : vector<16xi32>
      tpu.vector_store_idx %arg6[%add3A_1011], %broadcast_in_dim3A_7 {add = true} : memref<320xi32, #tpu.memory_space<vmem>>[vector<16xi32>], vector<16xi32>,
      %add3A_1012 = arith.constant 2819 : i32
      %add3A_1013 = vector.broadcast %add3A_1012 : i32 to vector<16xi32>
      %add3A_1014 = arith.addi %mul3A_3, %add3A_1013 : vector<16xi32>
      %gather3A_1015 = tpu.vector_load_idx %arg5[%add3A_1014] : memref<4096xi32, #tpu.memory_space<vmem>>[vector<16xi32>], vector<16xi32>,
      %add3A_1016 = arith.addi %mul3A_6, %gather3A_1015 : vector<16xi32>
      tpu.vector_store_idx %arg6[%add3A_1016], %broadcast_in_dim3A_7 {add = true} : memref<320xi32, #tpu.memory_space<vmem>>[vector<16xi32>], vector<16xi32>,
      %add3A_1017 = arith.constant 2820 : i32
      %add3A_1018 = vector.broadcast %add3A_1017 : i32 to vector<16xi32>
      %add3A_1019 = arith.addi %mul3A_3, %add3A_1018 : vector<16xi32>
      %gather3A_1020 = tpu.vector_load_idx %arg5[%add3A_1019] : memref<4096xi32, #tpu.memory_space<vmem>>[vector<16xi32>], vector<16xi32>,
      %add3A_1021 = arith.addi %mul3A_6, %gather3A_1020 : vector<16xi32>
      tpu.vector_store_idx %arg6[%add3A_1021], %broadcast_in_dim3A_7 {add = true} : memref<320xi32, #tpu.memory_space<vmem>>[vector<16xi32>], vector<16xi32>,
      %add3A_1022 = arith.constant 2821 : i32
      %add3A_1023 = vector.broadcast %add3A_1022 : i32 to vector<16xi32>
      %add3A_1024 = arith.addi %mul3A_3, %add3A_1023 : vector<16xi32>
      %gather3A_1025 = tpu.vector_load_idx %arg5[%add3A_1024] : memref<4096xi32, #tpu.memory_space<vmem>>[vector<16xi32>], vector<16xi32>,
      %add3A_1026 = arith.addi %mul3A_6, %gather3A_1025 : vector<16xi32>
      tpu.vector_store_idx %arg6[%add3A_1026], %broadcast_in_dim3A_7 {add = true} : memref<320xi32, #tpu.memory_space<vmem>>[vector<16xi32>], vector<16xi32>,
      %add3A_1027 = arith.constant 2822 : i32
      %add3A_1028 = vector.broadcast %add3A_1027 : i32 to vector<16xi32>
      %add3A_1029 = arith.addi %mul3A_3, %add3A_1028 : vector<16xi32>
      %gather3A_1030 = tpu.vector_load_idx %arg5[%add3A_1029] : memref<4096xi32, #tpu.memory_space<vmem>>[vector<16xi32>], vector<16xi32>,
      %add3A_1031 = arith.addi %mul3A_6, %gather3A_1030 : vector<16xi32>
      tpu.vector_store_idx %arg6[%add3A_1031], %broadcast_in_dim3A_7 {add = true} : memref<320xi32, #tpu.memory_space<vmem>>[vector<16xi32>], vector<16xi32>,
      %add3A_1032 = arith.constant 2823 : i32
      %add3A_1033 = vector.broadcast %add3A_1032 : i32 to vector<16xi32>
      %add3A_1034 = arith.addi %mul3A_3, %add3A_1033 : vector<16xi32>
      %gather3A_1035 = tpu.vector_load_idx %arg5[%add3A_1034] : memref<4096xi32, #tpu.memory_space<vmem>>[vector<16xi32>], vector<16xi32>,
      %add3A_1036 = arith.addi %mul3A_6, %gather3A_1035 : vector<16xi32>
      tpu.vector_store_idx %arg6[%add3A_1036], %broadcast_in_dim3A_7 {add = true} : memref<320xi32, #tpu.memory_space<vmem>>[vector<16xi32>], vector<16xi32>,
      %add3A_1037 = arith.constant 3328 : i32
      %add3A_1038 = vector.broadcast %add3A_1037 : i32 to vector<16xi32>
      %add3A_1039 = arith.addi %mul3A_3, %add3A_1038 : vector<16xi32>
      %gather3A_1040 = tpu.vector_load_idx %arg5[%add3A_1039] : memref<4096xi32, #tpu.memory_space<vmem>>[vector<16xi32>], vector<16xi32>,
      %add3A_1041 = arith.addi %mul3A_6, %gather3A_1040 : vector<16xi32>
      tpu.vector_store_idx %arg6[%add3A_1041], %broadcast_in_dim3A_7 {add = true} : memref<320xi32, #tpu.memory_space<vmem>>[vector<16xi32>], vector<16xi32>,
      %add3A_1042 = arith.constant 3329 : i32
      %add3A_1043 = vector.broadcast %add3A_1042 : i32 to vector<16xi32>
      %add3A_1044 = arith.addi %mul3A_3, %add3A_1043 : vector<16xi32>
      %gather3A_1045 = tpu.vector_load_idx %arg5[%add3A_1044] : memref<4096xi32, #tpu.memory_space<vmem>>[vector<16xi32>], vector<16xi32>,
      %add3A_1046 = arith.addi %mul3A_6, %gather3A_1045 : vector<16xi32>
      tpu.vector_store_idx %arg6[%add3A_1046], %broadcast_in_dim3A_7 {add = true} : memref<320xi32, #tpu.memory_space<vmem>>[vector<16xi32>], vector<16xi32>,
      %add3A_1047 = arith.constant 3330 : i32
      %add3A_1048 = vector.broadcast %add3A_1047 : i32 to vector<16xi32>
      %add3A_1049 = arith.addi %mul3A_3, %add3A_1048 : vector<16xi32>
      %gather3A_1050 = tpu.vector_load_idx %arg5[%add3A_1049] : memref<4096xi32, #tpu.memory_space<vmem>>[vector<16xi32>], vector<16xi32>,
      %add3A_1051 = arith.addi %mul3A_6, %gather3A_1050 : vector<16xi32>
      tpu.vector_store_idx %arg6[%add3A_1051], %broadcast_in_dim3A_7 {add = true} : memref<320xi32, #tpu.memory_space<vmem>>[vector<16xi32>], vector<16xi32>,
      %add3A_1052 = arith.constant 3331 : i32
      %add3A_1053 = vector.broadcast %add3A_1052 : i32 to vector<16xi32>
      %add3A_1054 = arith.addi %mul3A_3, %add3A_1053 : vector<16xi32>
      %gather3A_1055 = tpu.vector_load_idx %arg5[%add3A_1054] : memref<4096xi32, #tpu.memory_space<vmem>>[vector<16xi32>], vector<16xi32>,
      %add3A_1056 = arith.addi %mul3A_6, %gather3A_1055 : vector<16xi32>
      tpu.vector_store_idx %arg6[%add3A_1056], %broadcast_in_dim3A_7 {add = true} : memref<320xi32, #tpu.memory_space<vmem>>[vector<16xi32>], vector<16xi32>,
      %add3A_1057 = arith.constant 3332 : i32
      %add3A_1058 = vector.broadcast %add3A_1057 : i32 to vector<16xi32>
      %add3A_1059 = arith.addi %mul3A_3, %add3A_1058 : vector<16xi32>
      %gather3A_1060 = tpu.vector_load_idx %arg5[%add3A_1059] : memref<4096xi32, #tpu.memory_space<vmem>>[vector<16xi32>], vector<16xi32>,
      %add3A_1061 = arith.addi %mul3A_6, %gather3A_1060 : vector<16xi32>
      tpu.vector_store_idx %arg6[%add3A_1061], %broadcast_in_dim3A_7 {add = true} : memref<320xi32, #tpu.memory_space<vmem>>[vector<16xi32>], vector<16xi32>,
      %add3A_1062 = arith.constant 3333 : i32
      %add3A_1063 = vector.broadcast %add3A_1062 : i32 to vector<16xi32>
      %add3A_1064 = arith.addi %mul3A_3, %add3A_1063 : vector<16xi32>
      %gather3A_1065 = tpu.vector_load_idx %arg5[%add3A_1064] : memref<4096xi32, #tpu.memory_space<vmem>>[vector<16xi32>], vector<16xi32>,
      %add3A_1066 = arith.addi %mul3A_6, %gather3A_1065 : vector<16xi32>
      tpu.vector_store_idx %arg6[%add3A_1066], %broadcast_in_dim3A_7 {add = true} : memref<320xi32, #tpu.memory_space<vmem>>[vector<16xi32>], vector<16xi32>,
      %add3A_1067 = arith.constant 3334 : i32
      %add3A_1068 = vector.broadcast %add3A_1067 : i32 to vector<16xi32>
      %add3A_1069 = arith.addi %mul3A_3, %add3A_1068 : vector<16xi32>
      %gather3A_1070 = tpu.vector_load_idx %arg5[%add3A_1069] : memref<4096xi32, #tpu.memory_space<vmem>>[vector<16xi32>], vector<16xi32>,
      %add3A_1071 = arith.addi %mul3A_6, %gather3A_1070 : vector<16xi32>
      tpu.vector_store_idx %arg6[%add3A_1071], %broadcast_in_dim3A_7 {add = true} : memref<320xi32, #tpu.memory_space<vmem>>[vector<16xi32>], vector<16xi32>,
      %add3A_1072 = arith.constant 3335 : i32
      %add3A_1073 = vector.broadcast %add3A_1072 : i32 to vector<16xi32>
      %add3A_1074 = arith.addi %mul3A_3, %add3A_1073 : vector<16xi32>
      %gather3A_1075 = tpu.vector_load_idx %arg5[%add3A_1074] : memref<4096xi32, #tpu.memory_space<vmem>>[vector<16xi32>], vector<16xi32>,
      %add3A_1076 = arith.addi %mul3A_6, %gather3A_1075 : vector<16xi32>
      tpu.vector_store_idx %arg6[%add3A_1076], %broadcast_in_dim3A_7 {add = true} : memref<320xi32, #tpu.memory_space<vmem>>[vector<16xi32>], vector<16xi32>,
      %add3A_1077 = arith.constant 3840 : i32
      %add3A_1078 = vector.broadcast %add3A_1077 : i32 to vector<16xi32>
      %add3A_1079 = arith.addi %mul3A_3, %add3A_1078 : vector<16xi32>
      %gather3A_1080 = tpu.vector_load_idx %arg5[%add3A_1079] : memref<4096xi32, #tpu.memory_space<vmem>>[vector<16xi32>], vector<16xi32>,
      %add3A_1081 = arith.addi %mul3A_6, %gather3A_1080 : vector<16xi32>
      tpu.vector_store_idx %arg6[%add3A_1081], %broadcast_in_dim3A_7 {add = true} : memref<320xi32, #tpu.memory_space<vmem>>[vector<16xi32>], vector<16xi32>,
      %add3A_1082 = arith.constant 3841 : i32
      %add3A_1083 = vector.broadcast %add3A_1082 : i32 to vector<16xi32>
      %add3A_1084 = arith.addi %mul3A_3, %add3A_1083 : vector<16xi32>
      %gather3A_1085 = tpu.vector_load_idx %arg5[%add3A_1084] : memref<4096xi32, #tpu.memory_space<vmem>>[vector<16xi32>], vector<16xi32>,
      %add3A_1086 = arith.addi %mul3A_6, %gather3A_1085 : vector<16xi32>
      tpu.vector_store_idx %arg6[%add3A_1086], %broadcast_in_dim3A_7 {add = true} : memref<320xi32, #tpu.memory_space<vmem>>[vector<16xi32>], vector<16xi32>,
      %add3A_1087 = arith.constant 3842 : i32
      %add3A_1088 = vector.broadcast %add3A_1087 : i32 to vector<16xi32>
      %add3A_1089 = arith.addi %mul3A_3, %add3A_1088 : vector<16xi32>
      %gather3A_1090 = tpu.vector_load_idx %arg5[%add3A_1089] : memref<4096xi32, #tpu.memory_space<vmem>>[vector<16xi32>], vector<16xi32>,
      %add3A_1091 = arith.addi %mul3A_6, %gather3A_1090 : vector<16xi32>
      tpu.vector_store_idx %arg6[%add3A_1091], %broadcast_in_dim3A_7 {add = true} : memref<320xi32, #tpu.memory_space<vmem>>[vector<16xi32>], vector<16xi32>,
      %add3A_1092 = arith.constant 3843 : i32
      %add3A_1093 = vector.broadcast %add3A_1092 : i32 to vector<16xi32>
      %add3A_1094 = arith.addi %mul3A_3, %add3A_1093 : vector<16xi32>
      %gather3A_1095 = tpu.vector_load_idx %arg5[%add3A_1094] : memref<4096xi32, #tpu.memory_space<vmem>>[vector<16xi32>], vector<16xi32>,
      %add3A_1096 = arith.addi %mul3A_6, %gather3A_1095 : vector<16xi32>
      tpu.vector_store_idx %arg6[%add3A_1096], %broadcast_in_dim3A_7 {add = true} : memref<320xi32, #tpu.memory_space<vmem>>[vector<16xi32>], vector<16xi32>,
      %add3A_1097 = arith.constant 3844 : i32
      %add3A_1098 = vector.broadcast %add3A_1097 : i32 to vector<16xi32>
      %add3A_1099 = arith.addi %mul3A_3, %add3A_1098 : vector<16xi32>
      %gather3A_1100 = tpu.vector_load_idx %arg5[%add3A_1099] : memref<4096xi32, #tpu.memory_space<vmem>>[vector<16xi32>], vector<16xi32>,
      %add3A_1101 = arith.addi %mul3A_6, %gather3A_1100 : vector<16xi32>
      tpu.vector_store_idx %arg6[%add3A_1101], %broadcast_in_dim3A_7 {add = true} : memref<320xi32, #tpu.memory_space<vmem>>[vector<16xi32>], vector<16xi32>,
      %add3A_1102 = arith.constant 3845 : i32
      %add3A_1103 = vector.broadcast %add3A_1102 : i32 to vector<16xi32>
      %add3A_1104 = arith.addi %mul3A_3, %add3A_1103 : vector<16xi32>
      %gather3A_1105 = tpu.vector_load_idx %arg5[%add3A_1104] : memref<4096xi32, #tpu.memory_space<vmem>>[vector<16xi32>], vector<16xi32>,
      %add3A_1106 = arith.addi %mul3A_6, %gather3A_1105 : vector<16xi32>
      tpu.vector_store_idx %arg6[%add3A_1106], %broadcast_in_dim3A_7 {add = true} : memref<320xi32, #tpu.memory_space<vmem>>[vector<16xi32>], vector<16xi32>,
      %add3A_1107 = arith.constant 3846 : i32
      %add3A_1108 = vector.broadcast %add3A_1107 : i32 to vector<16xi32>
      %add3A_1109 = arith.addi %mul3A_3, %add3A_1108 : vector<16xi32>
      %gather3A_1110 = tpu.vector_load_idx %arg5[%add3A_1109] : memref<4096xi32, #tpu.memory_space<vmem>>[vector<16xi32>], vector<16xi32>,
      %add3A_1111 = arith.addi %mul3A_6, %gather3A_1110 : vector<16xi32>
      tpu.vector_store_idx %arg6[%add3A_1111], %broadcast_in_dim3A_7 {add = true} : memref<320xi32, #tpu.memory_space<vmem>>[vector<16xi32>], vector<16xi32>,
      %add3A_1112 = arith.constant 3847 : i32
      %add3A_1113 = vector.broadcast %add3A_1112 : i32 to vector<16xi32>
      %add3A_1114 = arith.addi %mul3A_3, %add3A_1113 : vector<16xi32>
      %gather3A_1115 = tpu.vector_load_idx %arg5[%add3A_1114] : memref<4096xi32, #tpu.memory_space<vmem>>[vector<16xi32>], vector<16xi32>,
      %add3A_1116 = arith.addi %mul3A_6, %gather3A_1115 : vector<16xi32>
      tpu.vector_store_idx %arg6[%add3A_1116], %broadcast_in_dim3A_7 {add = true} : memref<320xi32, #tpu.memory_space<vmem>>[vector<16xi32>], vector<16xi32>,
      %broadcast_in_dim3A_1117 = arith.constant 0xFF800000 : f32
      %broadcast_in_dim3A_1118 = vector.broadcast %broadcast_in_dim3A_1117 : f32 to vector<16xf32>
      %scan3A_1119 = arith.constant 0 : i32
      %scan3A_1120 = arith.constant 20 : i32
      %scan3A_1121 = arith.addi %scan3A_1119, %scan3A_1120 : i32
      %scan3A_1122 = arith.constant 1 : i32
      %scan3A_1123:2 = scf.for %scan3A_1497 = %scan3A_1119 to %scan3A_1121 step %scan3A_1122 iter_args(%scan3A_1498 = %broadcast_in_dim3A_1118, %scan3A_1499 = %broadcast_in_dim3A_9) -> (vector<16xf32>, vector<16xi32>)  : i32 {
        %broadcast_in_dim3A_1500 = vector.broadcast %scan3A_1497 : i32 to vector<16xi32>
        %add3A_1501 = arith.addi %mul3A_6, %broadcast_in_dim3A_1500 : vector<16xi32>
        %gather3A_1502 = tpu.vector_load_idx %arg6[%add3A_1501] : memref<320xi32, #tpu.memory_space<vmem>>[vector<16xi32>], vector<16xi32>,
        %gather3A_1503 = tpu.vector_load_idx %arg8[%broadcast_in_dim3A_1500] : memref<20xf32, #tpu.memory_space<vmem>>[vector<16xi32>], vector<16xf32>,
        %convert_element_type3A = arith.sitofp %gather3A_1502 : vector<16xi32> to vector<16xf32>
        %mul3A_1504 = arith.mulf %convert_element_type3A, %gather3A_1503 : vector<16xf32>
        %gt3A = arith.cmpf ogt, %mul3A_1504, %scan3A_1498 : vector<16xf32>
        %select_n3A = arith.select %gt3A, %mul3A_1504, %scan3A_1498 : vector<16xi1>, vector<16xf32>
        %select_n3A_1505 = arith.select %gt3A, %broadcast_in_dim3A_1500, %scan3A_1499 : vector<16xi1>, vector<16xi32>
        scf.yield %select_n3A, %select_n3A_1505 : vector<16xf32>, vector<16xi32>
      }
      %scan3A_1124 = arith.constant 20 : i32
      %swap3A_1125 = arith.constant 32 : index
      %swap3A_1126 = tpu.vector_load %arg7[%swap3A_1125] {strides = array<i32>} : memref<64xi32, #tpu.memory_space<vmem>>, vector<16xi32>,
      tpu.vector_store %arg7[%swap3A_1125], %scan3A_1123#1 {strides = array<i32>} : memref<64xi32, #tpu.memory_space<vmem>>, vector<16xi32>,
      %swap3A_1127 = arith.constant 0 : index
      %swap3A_1128 = tpu.vector_load %arg6[%swap3A_1127] {strides = array<i32>} : memref<320xi32, #tpu.memory_space<vmem>>, vector<16xi32>,
      tpu.vector_store %arg6[%swap3A_1127], %broadcast_in_dim3A_9 {strides = array<i32>} : memref<320xi32, #tpu.memory_space<vmem>>, vector<16xi32>,
      %swap3A_1129 = arith.constant 16 : index
      %swap3A_1130 = tpu.vector_load %arg6[%swap3A_1129] {strides = array<i32>} : memref<320xi32, #tpu.memory_space<vmem>>, vector<16xi32>,
      tpu.vector_store %arg6[%swap3A_1129], %broadcast_in_dim3A_9 {strides = array<i32>} : memref<320xi32, #tpu.memory_space<vmem>>, vector<16xi32>,
      %swap3A_1131 = arith.constant 32 : index
      %swap3A_1132 = tpu.vector_load %arg6[%swap3A_1131] {strides = array<i32>} : memref<320xi32, #tpu.memory_space<vmem>>, vector<16xi32>,
      tpu.vector_store %arg6[%swap3A_1131], %broadcast_in_dim3A_9 {strides = array<i32>} : memref<320xi32, #tpu.memory_space<vmem>>, vector<16xi32>,
      %swap3A_1133 = arith.constant 48 : index
      %swap3A_1134 = tpu.vector_load %arg6[%swap3A_1133] {strides = array<i32>} : memref<320xi32, #tpu.memory_space<vmem>>, vector<16xi32>,
      tpu.vector_store %arg6[%swap3A_1133], %broadcast_in_dim3A_9 {strides = array<i32>} : memref<320xi32, #tpu.memory_space<vmem>>, vector<16xi32>,
      %swap3A_1135 = arith.constant 64 : index
      %swap3A_1136 = tpu.vector_load %arg6[%swap3A_1135] {strides = array<i32>} : memref<320xi32, #tpu.memory_space<vmem>>, vector<16xi32>,
      tpu.vector_store %arg6[%swap3A_1135], %broadcast_in_dim3A_9 {strides = array<i32>} : memref<320xi32, #tpu.memory_space<vmem>>, vector<16xi32>,
      %swap3A_1137 = arith.constant 80 : index
      %swap3A_1138 = tpu.vector_load %arg6[%swap3A_1137] {strides = array<i32>} : memref<320xi32, #tpu.memory_space<vmem>>, vector<16xi32>,
      tpu.vector_store %arg6[%swap3A_1137], %broadcast_in_dim3A_9 {strides = array<i32>} : memref<320xi32, #tpu.memory_space<vmem>>, vector<16xi32>,
      %swap3A_1139 = arith.constant 96 : index
      %swap3A_1140 = tpu.vector_load %arg6[%swap3A_1139] {strides = array<i32>} : memref<320xi32, #tpu.memory_space<vmem>>, vector<16xi32>,
      tpu.vector_store %arg6[%swap3A_1139], %broadcast_in_dim3A_9 {strides = array<i32>} : memref<320xi32, #tpu.memory_space<vmem>>, vector<16xi32>,
      %swap3A_1141 = arith.constant 112 : index
      %swap3A_1142 = tpu.vector_load %arg6[%swap3A_1141] {strides = array<i32>} : memref<320xi32, #tpu.memory_space<vmem>>, vector<16xi32>,
      tpu.vector_store %arg6[%swap3A_1141], %broadcast_in_dim3A_9 {strides = array<i32>} : memref<320xi32, #tpu.memory_space<vmem>>, vector<16xi32>,
      %swap3A_1143 = arith.constant 128 : index
      %swap3A_1144 = tpu.vector_load %arg6[%swap3A_1143] {strides = array<i32>} : memref<320xi32, #tpu.memory_space<vmem>>, vector<16xi32>,
      tpu.vector_store %arg6[%swap3A_1143], %broadcast_in_dim3A_9 {strides = array<i32>} : memref<320xi32, #tpu.memory_space<vmem>>, vector<16xi32>,
      %swap3A_1145 = arith.constant 144 : index
      %swap3A_1146 = tpu.vector_load %arg6[%swap3A_1145] {strides = array<i32>} : memref<320xi32, #tpu.memory_space<vmem>>, vector<16xi32>,
      tpu.vector_store %arg6[%swap3A_1145], %broadcast_in_dim3A_9 {strides = array<i32>} : memref<320xi32, #tpu.memory_space<vmem>>, vector<16xi32>,
      %swap3A_1147 = arith.constant 160 : index
      %swap3A_1148 = tpu.vector_load %arg6[%swap3A_1147] {strides = array<i32>} : memref<320xi32, #tpu.memory_space<vmem>>, vector<16xi32>,
      tpu.vector_store %arg6[%swap3A_1147], %broadcast_in_dim3A_9 {strides = array<i32>} : memref<320xi32, #tpu.memory_space<vmem>>, vector<16xi32>,
      %swap3A_1149 = arith.constant 176 : index
      %swap3A_1150 = tpu.vector_load %arg6[%swap3A_1149] {strides = array<i32>} : memref<320xi32, #tpu.memory_space<vmem>>, vector<16xi32>,
      tpu.vector_store %arg6[%swap3A_1149], %broadcast_in_dim3A_9 {strides = array<i32>} : memref<320xi32, #tpu.memory_space<vmem>>, vector<16xi32>,
      %swap3A_1151 = arith.constant 192 : index
      %swap3A_1152 = tpu.vector_load %arg6[%swap3A_1151] {strides = array<i32>} : memref<320xi32, #tpu.memory_space<vmem>>, vector<16xi32>,
      tpu.vector_store %arg6[%swap3A_1151], %broadcast_in_dim3A_9 {strides = array<i32>} : memref<320xi32, #tpu.memory_space<vmem>>, vector<16xi32>,
      %swap3A_1153 = arith.constant 208 : index
      %swap3A_1154 = tpu.vector_load %arg6[%swap3A_1153] {strides = array<i32>} : memref<320xi32, #tpu.memory_space<vmem>>, vector<16xi32>,
      tpu.vector_store %arg6[%swap3A_1153], %broadcast_in_dim3A_9 {strides = array<i32>} : memref<320xi32, #tpu.memory_space<vmem>>, vector<16xi32>,
      %swap3A_1155 = arith.constant 224 : index
      %swap3A_1156 = tpu.vector_load %arg6[%swap3A_1155] {strides = array<i32>} : memref<320xi32, #tpu.memory_space<vmem>>, vector<16xi32>,
      tpu.vector_store %arg6[%swap3A_1155], %broadcast_in_dim3A_9 {strides = array<i32>} : memref<320xi32, #tpu.memory_space<vmem>>, vector<16xi32>,
      %swap3A_1157 = arith.constant 240 : index
      %swap3A_1158 = tpu.vector_load %arg6[%swap3A_1157] {strides = array<i32>} : memref<320xi32, #tpu.memory_space<vmem>>, vector<16xi32>,
      tpu.vector_store %arg6[%swap3A_1157], %broadcast_in_dim3A_9 {strides = array<i32>} : memref<320xi32, #tpu.memory_space<vmem>>, vector<16xi32>,
      %swap3A_1159 = arith.constant 256 : index
      %swap3A_1160 = tpu.vector_load %arg6[%swap3A_1159] {strides = array<i32>} : memref<320xi32, #tpu.memory_space<vmem>>, vector<16xi32>,
      tpu.vector_store %arg6[%swap3A_1159], %broadcast_in_dim3A_9 {strides = array<i32>} : memref<320xi32, #tpu.memory_space<vmem>>, vector<16xi32>,
      %swap3A_1161 = arith.constant 272 : index
      %swap3A_1162 = tpu.vector_load %arg6[%swap3A_1161] {strides = array<i32>} : memref<320xi32, #tpu.memory_space<vmem>>, vector<16xi32>,
      tpu.vector_store %arg6[%swap3A_1161], %broadcast_in_dim3A_9 {strides = array<i32>} : memref<320xi32, #tpu.memory_space<vmem>>, vector<16xi32>,
      %swap3A_1163 = arith.constant 288 : index
      %swap3A_1164 = tpu.vector_load %arg6[%swap3A_1163] {strides = array<i32>} : memref<320xi32, #tpu.memory_space<vmem>>, vector<16xi32>,
      tpu.vector_store %arg6[%swap3A_1163], %broadcast_in_dim3A_9 {strides = array<i32>} : memref<320xi32, #tpu.memory_space<vmem>>, vector<16xi32>,
      %swap3A_1165 = arith.constant 304 : index
      %swap3A_1166 = tpu.vector_load %arg6[%swap3A_1165] {strides = array<i32>} : memref<320xi32, #tpu.memory_space<vmem>>, vector<16xi32>,
      tpu.vector_store %arg6[%swap3A_1165], %broadcast_in_dim3A_9 {strides = array<i32>} : memref<320xi32, #tpu.memory_space<vmem>>, vector<16xi32>,
      %add3A_1167 = arith.constant 384 : i32
      %add3A_1168 = vector.broadcast %add3A_1167 : i32 to vector<16xi32>
      %add3A_1169 = arith.addi %mul3A_3, %add3A_1168 : vector<16xi32>
      %gather3A_1170 = tpu.vector_load_idx %arg5[%add3A_1169] : memref<4096xi32, #tpu.memory_space<vmem>>[vector<16xi32>], vector<16xi32>,
      %add3A_1171 = arith.addi %mul3A_6, %gather3A_1170 : vector<16xi32>
      tpu.vector_store_idx %arg6[%add3A_1171], %broadcast_in_dim3A_7 {add = true} : memref<320xi32, #tpu.memory_space<vmem>>[vector<16xi32>], vector<16xi32>,
      %add3A_1172 = arith.constant 385 : i32
      %add3A_1173 = vector.broadcast %add3A_1172 : i32 to vector<16xi32>
      %add3A_1174 = arith.addi %mul3A_3, %add3A_1173 : vector<16xi32>
      %gather3A_1175 = tpu.vector_load_idx %arg5[%add3A_1174] : memref<4096xi32, #tpu.memory_space<vmem>>[vector<16xi32>], vector<16xi32>,
      %add3A_1176 = arith.addi %mul3A_6, %gather3A_1175 : vector<16xi32>
      tpu.vector_store_idx %arg6[%add3A_1176], %broadcast_in_dim3A_7 {add = true} : memref<320xi32, #tpu.memory_space<vmem>>[vector<16xi32>], vector<16xi32>,
      %add3A_1177 = arith.constant 386 : i32
      %add3A_1178 = vector.broadcast %add3A_1177 : i32 to vector<16xi32>
      %add3A_1179 = arith.addi %mul3A_3, %add3A_1178 : vector<16xi32>
      %gather3A_1180 = tpu.vector_load_idx %arg5[%add3A_1179] : memref<4096xi32, #tpu.memory_space<vmem>>[vector<16xi32>], vector<16xi32>,
      %add3A_1181 = arith.addi %mul3A_6, %gather3A_1180 : vector<16xi32>
      tpu.vector_store_idx %arg6[%add3A_1181], %broadcast_in_dim3A_7 {add = true} : memref<320xi32, #tpu.memory_space<vmem>>[vector<16xi32>], vector<16xi32>,
      %add3A_1182 = arith.constant 387 : i32
      %add3A_1183 = vector.broadcast %add3A_1182 : i32 to vector<16xi32>
      %add3A_1184 = arith.addi %mul3A_3, %add3A_1183 : vector<16xi32>
      %gather3A_1185 = tpu.vector_load_idx %arg5[%add3A_1184] : memref<4096xi32, #tpu.memory_space<vmem>>[vector<16xi32>], vector<16xi32>,
      %add3A_1186 = arith.addi %mul3A_6, %gather3A_1185 : vector<16xi32>
      tpu.vector_store_idx %arg6[%add3A_1186], %broadcast_in_dim3A_7 {add = true} : memref<320xi32, #tpu.memory_space<vmem>>[vector<16xi32>], vector<16xi32>,
      %add3A_1187 = arith.constant 388 : i32
      %add3A_1188 = vector.broadcast %add3A_1187 : i32 to vector<16xi32>
      %add3A_1189 = arith.addi %mul3A_3, %add3A_1188 : vector<16xi32>
      %gather3A_1190 = tpu.vector_load_idx %arg5[%add3A_1189] : memref<4096xi32, #tpu.memory_space<vmem>>[vector<16xi32>], vector<16xi32>,
      %add3A_1191 = arith.addi %mul3A_6, %gather3A_1190 : vector<16xi32>
      tpu.vector_store_idx %arg6[%add3A_1191], %broadcast_in_dim3A_7 {add = true} : memref<320xi32, #tpu.memory_space<vmem>>[vector<16xi32>], vector<16xi32>,
      %add3A_1192 = arith.constant 389 : i32
      %add3A_1193 = vector.broadcast %add3A_1192 : i32 to vector<16xi32>
      %add3A_1194 = arith.addi %mul3A_3, %add3A_1193 : vector<16xi32>
      %gather3A_1195 = tpu.vector_load_idx %arg5[%add3A_1194] : memref<4096xi32, #tpu.memory_space<vmem>>[vector<16xi32>], vector<16xi32>,
      %add3A_1196 = arith.addi %mul3A_6, %gather3A_1195 : vector<16xi32>
      tpu.vector_store_idx %arg6[%add3A_1196], %broadcast_in_dim3A_7 {add = true} : memref<320xi32, #tpu.memory_space<vmem>>[vector<16xi32>], vector<16xi32>,
      %add3A_1197 = arith.constant 390 : i32
      %add3A_1198 = vector.broadcast %add3A_1197 : i32 to vector<16xi32>
      %add3A_1199 = arith.addi %mul3A_3, %add3A_1198 : vector<16xi32>
      %gather3A_1200 = tpu.vector_load_idx %arg5[%add3A_1199] : memref<4096xi32, #tpu.memory_space<vmem>>[vector<16xi32>], vector<16xi32>,
      %add3A_1201 = arith.addi %mul3A_6, %gather3A_1200 : vector<16xi32>
      tpu.vector_store_idx %arg6[%add3A_1201], %broadcast_in_dim3A_7 {add = true} : memref<320xi32, #tpu.memory_space<vmem>>[vector<16xi32>], vector<16xi32>,
      %add3A_1202 = arith.constant 391 : i32
      %add3A_1203 = vector.broadcast %add3A_1202 : i32 to vector<16xi32>
      %add3A_1204 = arith.addi %mul3A_3, %add3A_1203 : vector<16xi32>
      %gather3A_1205 = tpu.vector_load_idx %arg5[%add3A_1204] : memref<4096xi32, #tpu.memory_space<vmem>>[vector<16xi32>], vector<16xi32>,
      %add3A_1206 = arith.addi %mul3A_6, %gather3A_1205 : vector<16xi32>
      tpu.vector_store_idx %arg6[%add3A_1206], %broadcast_in_dim3A_7 {add = true} : memref<320xi32, #tpu.memory_space<vmem>>[vector<16xi32>], vector<16xi32>,
      %add3A_1207 = arith.constant 896 : i32
      %add3A_1208 = vector.broadcast %add3A_1207 : i32 to vector<16xi32>
      %add3A_1209 = arith.addi %mul3A_3, %add3A_1208 : vector<16xi32>
      %gather3A_1210 = tpu.vector_load_idx %arg5[%add3A_1209] : memref<4096xi32, #tpu.memory_space<vmem>>[vector<16xi32>], vector<16xi32>,
      %add3A_1211 = arith.addi %mul3A_6, %gather3A_1210 : vector<16xi32>
      tpu.vector_store_idx %arg6[%add3A_1211], %broadcast_in_dim3A_7 {add = true} : memref<320xi32, #tpu.memory_space<vmem>>[vector<16xi32>], vector<16xi32>,
      %add3A_1212 = arith.constant 897 : i32
      %add3A_1213 = vector.broadcast %add3A_1212 : i32 to vector<16xi32>
      %add3A_1214 = arith.addi %mul3A_3, %add3A_1213 : vector<16xi32>
      %gather3A_1215 = tpu.vector_load_idx %arg5[%add3A_1214] : memref<4096xi32, #tpu.memory_space<vmem>>[vector<16xi32>], vector<16xi32>,
      %add3A_1216 = arith.addi %mul3A_6, %gather3A_1215 : vector<16xi32>
      tpu.vector_store_idx %arg6[%add3A_1216], %broadcast_in_dim3A_7 {add = true} : memref<320xi32, #tpu.memory_space<vmem>>[vector<16xi32>], vector<16xi32>,
      %add3A_1217 = arith.constant 898 : i32
      %add3A_1218 = vector.broadcast %add3A_1217 : i32 to vector<16xi32>
      %add3A_1219 = arith.addi %mul3A_3, %add3A_1218 : vector<16xi32>
      %gather3A_1220 = tpu.vector_load_idx %arg5[%add3A_1219] : memref<4096xi32, #tpu.memory_space<vmem>>[vector<16xi32>], vector<16xi32>,
      %add3A_1221 = arith.addi %mul3A_6, %gather3A_1220 : vector<16xi32>
      tpu.vector_store_idx %arg6[%add3A_1221], %broadcast_in_dim3A_7 {add = true} : memref<320xi32, #tpu.memory_space<vmem>>[vector<16xi32>], vector<16xi32>,
      %add3A_1222 = arith.constant 899 : i32
      %add3A_1223 = vector.broadcast %add3A_1222 : i32 to vector<16xi32>
      %add3A_1224 = arith.addi %mul3A_3, %add3A_1223 : vector<16xi32>
      %gather3A_1225 = tpu.vector_load_idx %arg5[%add3A_1224] : memref<4096xi32, #tpu.memory_space<vmem>>[vector<16xi32>], vector<16xi32>,
      %add3A_1226 = arith.addi %mul3A_6, %gather3A_1225 : vector<16xi32>
      tpu.vector_store_idx %arg6[%add3A_1226], %broadcast_in_dim3A_7 {add = true} : memref<320xi32, #tpu.memory_space<vmem>>[vector<16xi32>], vector<16xi32>,
      %add3A_1227 = arith.constant 900 : i32
      %add3A_1228 = vector.broadcast %add3A_1227 : i32 to vector<16xi32>
      %add3A_1229 = arith.addi %mul3A_3, %add3A_1228 : vector<16xi32>
      %gather3A_1230 = tpu.vector_load_idx %arg5[%add3A_1229] : memref<4096xi32, #tpu.memory_space<vmem>>[vector<16xi32>], vector<16xi32>,
      %add3A_1231 = arith.addi %mul3A_6, %gather3A_1230 : vector<16xi32>
      tpu.vector_store_idx %arg6[%add3A_1231], %broadcast_in_dim3A_7 {add = true} : memref<320xi32, #tpu.memory_space<vmem>>[vector<16xi32>], vector<16xi32>,
      %add3A_1232 = arith.constant 901 : i32
      %add3A_1233 = vector.broadcast %add3A_1232 : i32 to vector<16xi32>
      %add3A_1234 = arith.addi %mul3A_3, %add3A_1233 : vector<16xi32>
      %gather3A_1235 = tpu.vector_load_idx %arg5[%add3A_1234] : memref<4096xi32, #tpu.memory_space<vmem>>[vector<16xi32>], vector<16xi32>,
      %add3A_1236 = arith.addi %mul3A_6, %gather3A_1235 : vector<16xi32>
      tpu.vector_store_idx %arg6[%add3A_1236], %broadcast_in_dim3A_7 {add = true} : memref<320xi32, #tpu.memory_space<vmem>>[vector<16xi32>], vector<16xi32>,
      %add3A_1237 = arith.constant 902 : i32
      %add3A_1238 = vector.broadcast %add3A_1237 : i32 to vector<16xi32>
      %add3A_1239 = arith.addi %mul3A_3, %add3A_1238 : vector<16xi32>
      %gather3A_1240 = tpu.vector_load_idx %arg5[%add3A_1239] : memref<4096xi32, #tpu.memory_space<vmem>>[vector<16xi32>], vector<16xi32>,
      %add3A_1241 = arith.addi %mul3A_6, %gather3A_1240 : vector<16xi32>
      tpu.vector_store_idx %arg6[%add3A_1241], %broadcast_in_dim3A_7 {add = true} : memref<320xi32, #tpu.memory_space<vmem>>[vector<16xi32>], vector<16xi32>,
      %add3A_1242 = arith.constant 903 : i32
      %add3A_1243 = vector.broadcast %add3A_1242 : i32 to vector<16xi32>
      %add3A_1244 = arith.addi %mul3A_3, %add3A_1243 : vector<16xi32>
      %gather3A_1245 = tpu.vector_load_idx %arg5[%add3A_1244] : memref<4096xi32, #tpu.memory_space<vmem>>[vector<16xi32>], vector<16xi32>,
      %add3A_1246 = arith.addi %mul3A_6, %gather3A_1245 : vector<16xi32>
      tpu.vector_store_idx %arg6[%add3A_1246], %broadcast_in_dim3A_7 {add = true} : memref<320xi32, #tpu.memory_space<vmem>>[vector<16xi32>], vector<16xi32>,
      %add3A_1247 = arith.constant 1408 : i32
      %add3A_1248 = vector.broadcast %add3A_1247 : i32 to vector<16xi32>
      %add3A_1249 = arith.addi %mul3A_3, %add3A_1248 : vector<16xi32>
      %gather3A_1250 = tpu.vector_load_idx %arg5[%add3A_1249] : memref<4096xi32, #tpu.memory_space<vmem>>[vector<16xi32>], vector<16xi32>,
      %add3A_1251 = arith.addi %mul3A_6, %gather3A_1250 : vector<16xi32>
      tpu.vector_store_idx %arg6[%add3A_1251], %broadcast_in_dim3A_7 {add = true} : memref<320xi32, #tpu.memory_space<vmem>>[vector<16xi32>], vector<16xi32>,
      %add3A_1252 = arith.constant 1409 : i32
      %add3A_1253 = vector.broadcast %add3A_1252 : i32 to vector<16xi32>
      %add3A_1254 = arith.addi %mul3A_3, %add3A_1253 : vector<16xi32>
      %gather3A_1255 = tpu.vector_load_idx %arg5[%add3A_1254] : memref<4096xi32, #tpu.memory_space<vmem>>[vector<16xi32>], vector<16xi32>,
      %add3A_1256 = arith.addi %mul3A_6, %gather3A_1255 : vector<16xi32>
      tpu.vector_store_idx %arg6[%add3A_1256], %broadcast_in_dim3A_7 {add = true} : memref<320xi32, #tpu.memory_space<vmem>>[vector<16xi32>], vector<16xi32>,
      %add3A_1257 = arith.constant 1410 : i32
      %add3A_1258 = vector.broadcast %add3A_1257 : i32 to vector<16xi32>
      %add3A_1259 = arith.addi %mul3A_3, %add3A_1258 : vector<16xi32>
      %gather3A_1260 = tpu.vector_load_idx %arg5[%add3A_1259] : memref<4096xi32, #tpu.memory_space<vmem>>[vector<16xi32>], vector<16xi32>,
      %add3A_1261 = arith.addi %mul3A_6, %gather3A_1260 : vector<16xi32>
      tpu.vector_store_idx %arg6[%add3A_1261], %broadcast_in_dim3A_7 {add = true} : memref<320xi32, #tpu.memory_space<vmem>>[vector<16xi32>], vector<16xi32>,
      %add3A_1262 = arith.constant 1411 : i32
      %add3A_1263 = vector.broadcast %add3A_1262 : i32 to vector<16xi32>
      %add3A_1264 = arith.addi %mul3A_3, %add3A_1263 : vector<16xi32>
      %gather3A_1265 = tpu.vector_load_idx %arg5[%add3A_1264] : memref<4096xi32, #tpu.memory_space<vmem>>[vector<16xi32>], vector<16xi32>,
      %add3A_1266 = arith.addi %mul3A_6, %gather3A_1265 : vector<16xi32>
      tpu.vector_store_idx %arg6[%add3A_1266], %broadcast_in_dim3A_7 {add = true} : memref<320xi32, #tpu.memory_space<vmem>>[vector<16xi32>], vector<16xi32>,
      %add3A_1267 = arith.constant 1412 : i32
      %add3A_1268 = vector.broadcast %add3A_1267 : i32 to vector<16xi32>
      %add3A_1269 = arith.addi %mul3A_3, %add3A_1268 : vector<16xi32>
      %gather3A_1270 = tpu.vector_load_idx %arg5[%add3A_1269] : memref<4096xi32, #tpu.memory_space<vmem>>[vector<16xi32>], vector<16xi32>,
      %add3A_1271 = arith.addi %mul3A_6, %gather3A_1270 : vector<16xi32>
      tpu.vector_store_idx %arg6[%add3A_1271], %broadcast_in_dim3A_7 {add = true} : memref<320xi32, #tpu.memory_space<vmem>>[vector<16xi32>], vector<16xi32>,
      %add3A_1272 = arith.constant 1413 : i32
      %add3A_1273 = vector.broadcast %add3A_1272 : i32 to vector<16xi32>
      %add3A_1274 = arith.addi %mul3A_3, %add3A_1273 : vector<16xi32>
      %gather3A_1275 = tpu.vector_load_idx %arg5[%add3A_1274] : memref<4096xi32, #tpu.memory_space<vmem>>[vector<16xi32>], vector<16xi32>,
      %add3A_1276 = arith.addi %mul3A_6, %gather3A_1275 : vector<16xi32>
      tpu.vector_store_idx %arg6[%add3A_1276], %broadcast_in_dim3A_7 {add = true} : memref<320xi32, #tpu.memory_space<vmem>>[vector<16xi32>], vector<16xi32>,
      %add3A_1277 = arith.constant 1414 : i32
      %add3A_1278 = vector.broadcast %add3A_1277 : i32 to vector<16xi32>
      %add3A_1279 = arith.addi %mul3A_3, %add3A_1278 : vector<16xi32>
      %gather3A_1280 = tpu.vector_load_idx %arg5[%add3A_1279] : memref<4096xi32, #tpu.memory_space<vmem>>[vector<16xi32>], vector<16xi32>,
      %add3A_1281 = arith.addi %mul3A_6, %gather3A_1280 : vector<16xi32>
      tpu.vector_store_idx %arg6[%add3A_1281], %broadcast_in_dim3A_7 {add = true} : memref<320xi32, #tpu.memory_space<vmem>>[vector<16xi32>], vector<16xi32>,
      %add3A_1282 = arith.constant 1415 : i32
      %add3A_1283 = vector.broadcast %add3A_1282 : i32 to vector<16xi32>
      %add3A_1284 = arith.addi %mul3A_3, %add3A_1283 : vector<16xi32>
      %gather3A_1285 = tpu.vector_load_idx %arg5[%add3A_1284] : memref<4096xi32, #tpu.memory_space<vmem>>[vector<16xi32>], vector<16xi32>,
      %add3A_1286 = arith.addi %mul3A_6, %gather3A_1285 : vector<16xi32>
      tpu.vector_store_idx %arg6[%add3A_1286], %broadcast_in_dim3A_7 {add = true} : memref<320xi32, #tpu.memory_space<vmem>>[vector<16xi32>], vector<16xi32>,
      %add3A_1287 = arith.constant 1920 : i32
      %add3A_1288 = vector.broadcast %add3A_1287 : i32 to vector<16xi32>
      %add3A_1289 = arith.addi %mul3A_3, %add3A_1288 : vector<16xi32>
      %gather3A_1290 = tpu.vector_load_idx %arg5[%add3A_1289] : memref<4096xi32, #tpu.memory_space<vmem>>[vector<16xi32>], vector<16xi32>,
      %add3A_1291 = arith.addi %mul3A_6, %gather3A_1290 : vector<16xi32>
      tpu.vector_store_idx %arg6[%add3A_1291], %broadcast_in_dim3A_7 {add = true} : memref<320xi32, #tpu.memory_space<vmem>>[vector<16xi32>], vector<16xi32>,
      %add3A_1292 = arith.constant 1921 : i32
      %add3A_1293 = vector.broadcast %add3A_1292 : i32 to vector<16xi32>
      %add3A_1294 = arith.addi %mul3A_3, %add3A_1293 : vector<16xi32>
      %gather3A_1295 = tpu.vector_load_idx %arg5[%add3A_1294] : memref<4096xi32, #tpu.memory_space<vmem>>[vector<16xi32>], vector<16xi32>,
      %add3A_1296 = arith.addi %mul3A_6, %gather3A_1295 : vector<16xi32>
      tpu.vector_store_idx %arg6[%add3A_1296], %broadcast_in_dim3A_7 {add = true} : memref<320xi32, #tpu.memory_space<vmem>>[vector<16xi32>], vector<16xi32>,
      %add3A_1297 = arith.constant 1922 : i32
      %add3A_1298 = vector.broadcast %add3A_1297 : i32 to vector<16xi32>
      %add3A_1299 = arith.addi %mul3A_3, %add3A_1298 : vector<16xi32>
      %gather3A_1300 = tpu.vector_load_idx %arg5[%add3A_1299] : memref<4096xi32, #tpu.memory_space<vmem>>[vector<16xi32>], vector<16xi32>,
      %add3A_1301 = arith.addi %mul3A_6, %gather3A_1300 : vector<16xi32>
      tpu.vector_store_idx %arg6[%add3A_1301], %broadcast_in_dim3A_7 {add = true} : memref<320xi32, #tpu.memory_space<vmem>>[vector<16xi32>], vector<16xi32>,
      %add3A_1302 = arith.constant 1923 : i32
      %add3A_1303 = vector.broadcast %add3A_1302 : i32 to vector<16xi32>
      %add3A_1304 = arith.addi %mul3A_3, %add3A_1303 : vector<16xi32>
      %gather3A_1305 = tpu.vector_load_idx %arg5[%add3A_1304] : memref<4096xi32, #tpu.memory_space<vmem>>[vector<16xi32>], vector<16xi32>,
      %add3A_1306 = arith.addi %mul3A_6, %gather3A_1305 : vector<16xi32>
      tpu.vector_store_idx %arg6[%add3A_1306], %broadcast_in_dim3A_7 {add = true} : memref<320xi32, #tpu.memory_space<vmem>>[vector<16xi32>], vector<16xi32>,
      %add3A_1307 = arith.constant 1924 : i32
      %add3A_1308 = vector.broadcast %add3A_1307 : i32 to vector<16xi32>
      %add3A_1309 = arith.addi %mul3A_3, %add3A_1308 : vector<16xi32>
      %gather3A_1310 = tpu.vector_load_idx %arg5[%add3A_1309] : memref<4096xi32, #tpu.memory_space<vmem>>[vector<16xi32>], vector<16xi32>,
      %add3A_1311 = arith.addi %mul3A_6, %gather3A_1310 : vector<16xi32>
      tpu.vector_store_idx %arg6[%add3A_1311], %broadcast_in_dim3A_7 {add = true} : memref<320xi32, #tpu.memory_space<vmem>>[vector<16xi32>], vector<16xi32>,
      %add3A_1312 = arith.constant 1925 : i32
      %add3A_1313 = vector.broadcast %add3A_1312 : i32 to vector<16xi32>
      %add3A_1314 = arith.addi %mul3A_3, %add3A_1313 : vector<16xi32>
      %gather3A_1315 = tpu.vector_load_idx %arg5[%add3A_1314] : memref<4096xi32, #tpu.memory_space<vmem>>[vector<16xi32>], vector<16xi32>,
      %add3A_1316 = arith.addi %mul3A_6, %gather3A_1315 : vector<16xi32>
      tpu.vector_store_idx %arg6[%add3A_1316], %broadcast_in_dim3A_7 {add = true} : memref<320xi32, #tpu.memory_space<vmem>>[vector<16xi32>], vector<16xi32>,
      %add3A_1317 = arith.constant 1926 : i32
      %add3A_1318 = vector.broadcast %add3A_1317 : i32 to vector<16xi32>
      %add3A_1319 = arith.addi %mul3A_3, %add3A_1318 : vector<16xi32>
      %gather3A_1320 = tpu.vector_load_idx %arg5[%add3A_1319] : memref<4096xi32, #tpu.memory_space<vmem>>[vector<16xi32>], vector<16xi32>,
      %add3A_1321 = arith.addi %mul3A_6, %gather3A_1320 : vector<16xi32>
      tpu.vector_store_idx %arg6[%add3A_1321], %broadcast_in_dim3A_7 {add = true} : memref<320xi32, #tpu.memory_space<vmem>>[vector<16xi32>], vector<16xi32>,
      %add3A_1322 = arith.constant 1927 : i32
      %add3A_1323 = vector.broadcast %add3A_1322 : i32 to vector<16xi32>
      %add3A_1324 = arith.addi %mul3A_3, %add3A_1323 : vector<16xi32>
      %gather3A_1325 = tpu.vector_load_idx %arg5[%add3A_1324] : memref<4096xi32, #tpu.memory_space<vmem>>[vector<16xi32>], vector<16xi32>,
      %add3A_1326 = arith.addi %mul3A_6, %gather3A_1325 : vector<16xi32>
      tpu.vector_store_idx %arg6[%add3A_1326], %broadcast_in_dim3A_7 {add = true} : memref<320xi32, #tpu.memory_space<vmem>>[vector<16xi32>], vector<16xi32>,
      %add3A_1327 = arith.constant 2432 : i32
      %add3A_1328 = vector.broadcast %add3A_1327 : i32 to vector<16xi32>
      %add3A_1329 = arith.addi %mul3A_3, %add3A_1328 : vector<16xi32>
      %gather3A_1330 = tpu.vector_load_idx %arg5[%add3A_1329] : memref<4096xi32, #tpu.memory_space<vmem>>[vector<16xi32>], vector<16xi32>,
      %add3A_1331 = arith.addi %mul3A_6, %gather3A_1330 : vector<16xi32>
      tpu.vector_store_idx %arg6[%add3A_1331], %broadcast_in_dim3A_7 {add = true} : memref<320xi32, #tpu.memory_space<vmem>>[vector<16xi32>], vector<16xi32>,
      %add3A_1332 = arith.constant 2433 : i32
      %add3A_1333 = vector.broadcast %add3A_1332 : i32 to vector<16xi32>
      %add3A_1334 = arith.addi %mul3A_3, %add3A_1333 : vector<16xi32>
      %gather3A_1335 = tpu.vector_load_idx %arg5[%add3A_1334] : memref<4096xi32, #tpu.memory_space<vmem>>[vector<16xi32>], vector<16xi32>,
      %add3A_1336 = arith.addi %mul3A_6, %gather3A_1335 : vector<16xi32>
      tpu.vector_store_idx %arg6[%add3A_1336], %broadcast_in_dim3A_7 {add = true} : memref<320xi32, #tpu.memory_space<vmem>>[vector<16xi32>], vector<16xi32>,
      %add3A_1337 = arith.constant 2434 : i32
      %add3A_1338 = vector.broadcast %add3A_1337 : i32 to vector<16xi32>
      %add3A_1339 = arith.addi %mul3A_3, %add3A_1338 : vector<16xi32>
      %gather3A_1340 = tpu.vector_load_idx %arg5[%add3A_1339] : memref<4096xi32, #tpu.memory_space<vmem>>[vector<16xi32>], vector<16xi32>,
      %add3A_1341 = arith.addi %mul3A_6, %gather3A_1340 : vector<16xi32>
      tpu.vector_store_idx %arg6[%add3A_1341], %broadcast_in_dim3A_7 {add = true} : memref<320xi32, #tpu.memory_space<vmem>>[vector<16xi32>], vector<16xi32>,
      %add3A_1342 = arith.constant 2435 : i32
      %add3A_1343 = vector.broadcast %add3A_1342 : i32 to vector<16xi32>
      %add3A_1344 = arith.addi %mul3A_3, %add3A_1343 : vector<16xi32>
      %gather3A_1345 = tpu.vector_load_idx %arg5[%add3A_1344] : memref<4096xi32, #tpu.memory_space<vmem>>[vector<16xi32>], vector<16xi32>,
      %add3A_1346 = arith.addi %mul3A_6, %gather3A_1345 : vector<16xi32>
      tpu.vector_store_idx %arg6[%add3A_1346], %broadcast_in_dim3A_7 {add = true} : memref<320xi32, #tpu.memory_space<vmem>>[vector<16xi32>], vector<16xi32>,
      %add3A_1347 = arith.constant 2436 : i32
      %add3A_1348 = vector.broadcast %add3A_1347 : i32 to vector<16xi32>
      %add3A_1349 = arith.addi %mul3A_3, %add3A_1348 : vector<16xi32>
      %gather3A_1350 = tpu.vector_load_idx %arg5[%add3A_1349] : memref<4096xi32, #tpu.memory_space<vmem>>[vector<16xi32>], vector<16xi32>,
      %add3A_1351 = arith.addi %mul3A_6, %gather3A_1350 : vector<16xi32>
      tpu.vector_store_idx %arg6[%add3A_1351], %broadcast_in_dim3A_7 {add = true} : memref<320xi32, #tpu.memory_space<vmem>>[vector<16xi32>], vector<16xi32>,
      %add3A_1352 = arith.constant 2437 : i32
      %add3A_1353 = vector.broadcast %add3A_1352 : i32 to vector<16xi32>
      %add3A_1354 = arith.addi %mul3A_3, %add3A_1353 : vector<16xi32>
      %gather3A_1355 = tpu.vector_load_idx %arg5[%add3A_1354] : memref<4096xi32, #tpu.memory_space<vmem>>[vector<16xi32>], vector<16xi32>,
      %add3A_1356 = arith.addi %mul3A_6, %gather3A_1355 : vector<16xi32>
      tpu.vector_store_idx %arg6[%add3A_1356], %broadcast_in_dim3A_7 {add = true} : memref<320xi32, #tpu.memory_space<vmem>>[vector<16xi32>], vector<16xi32>,
      %add3A_1357 = arith.constant 2438 : i32
      %add3A_1358 = vector.broadcast %add3A_1357 : i32 to vector<16xi32>
      %add3A_1359 = arith.addi %mul3A_3, %add3A_1358 : vector<16xi32>
      %gather3A_1360 = tpu.vector_load_idx %arg5[%add3A_1359] : memref<4096xi32, #tpu.memory_space<vmem>>[vector<16xi32>], vector<16xi32>,
      %add3A_1361 = arith.addi %mul3A_6, %gather3A_1360 : vector<16xi32>
      tpu.vector_store_idx %arg6[%add3A_1361], %broadcast_in_dim3A_7 {add = true} : memref<320xi32, #tpu.memory_space<vmem>>[vector<16xi32>], vector<16xi32>,
      %add3A_1362 = arith.constant 2439 : i32
      %add3A_1363 = vector.broadcast %add3A_1362 : i32 to vector<16xi32>
      %add3A_1364 = arith.addi %mul3A_3, %add3A_1363 : vector<16xi32>
      %gather3A_1365 = tpu.vector_load_idx %arg5[%add3A_1364] : memref<4096xi32, #tpu.memory_space<vmem>>[vector<16xi32>], vector<16xi32>,
      %add3A_1366 = arith.addi %mul3A_6, %gather3A_1365 : vector<16xi32>
      tpu.vector_store_idx %arg6[%add3A_1366], %broadcast_in_dim3A_7 {add = true} : memref<320xi32, #tpu.memory_space<vmem>>[vector<16xi32>], vector<16xi32>,
      %add3A_1367 = arith.constant 2944 : i32
      %add3A_1368 = vector.broadcast %add3A_1367 : i32 to vector<16xi32>
      %add3A_1369 = arith.addi %mul3A_3, %add3A_1368 : vector<16xi32>
      %gather3A_1370 = tpu.vector_load_idx %arg5[%add3A_1369] : memref<4096xi32, #tpu.memory_space<vmem>>[vector<16xi32>], vector<16xi32>,
      %add3A_1371 = arith.addi %mul3A_6, %gather3A_1370 : vector<16xi32>
      tpu.vector_store_idx %arg6[%add3A_1371], %broadcast_in_dim3A_7 {add = true} : memref<320xi32, #tpu.memory_space<vmem>>[vector<16xi32>], vector<16xi32>,
      %add3A_1372 = arith.constant 2945 : i32
      %add3A_1373 = vector.broadcast %add3A_1372 : i32 to vector<16xi32>
      %add3A_1374 = arith.addi %mul3A_3, %add3A_1373 : vector<16xi32>
      %gather3A_1375 = tpu.vector_load_idx %arg5[%add3A_1374] : memref<4096xi32, #tpu.memory_space<vmem>>[vector<16xi32>], vector<16xi32>,
      %add3A_1376 = arith.addi %mul3A_6, %gather3A_1375 : vector<16xi32>
      tpu.vector_store_idx %arg6[%add3A_1376], %broadcast_in_dim3A_7 {add = true} : memref<320xi32, #tpu.memory_space<vmem>>[vector<16xi32>], vector<16xi32>,
      %add3A_1377 = arith.constant 2946 : i32
      %add3A_1378 = vector.broadcast %add3A_1377 : i32 to vector<16xi32>
      %add3A_1379 = arith.addi %mul3A_3, %add3A_1378 : vector<16xi32>
      %gather3A_1380 = tpu.vector_load_idx %arg5[%add3A_1379] : memref<4096xi32, #tpu.memory_space<vmem>>[vector<16xi32>], vector<16xi32>,
      %add3A_1381 = arith.addi %mul3A_6, %gather3A_1380 : vector<16xi32>
      tpu.vector_store_idx %arg6[%add3A_1381], %broadcast_in_dim3A_7 {add = true} : memref<320xi32, #tpu.memory_space<vmem>>[vector<16xi32>], vector<16xi32>,
      %add3A_1382 = arith.constant 2947 : i32
      %add3A_1383 = vector.broadcast %add3A_1382 : i32 to vector<16xi32>
      %add3A_1384 = arith.addi %mul3A_3, %add3A_1383 : vector<16xi32>
      %gather3A_1385 = tpu.vector_load_idx %arg5[%add3A_1384] : memref<4096xi32, #tpu.memory_space<vmem>>[vector<16xi32>], vector<16xi32>,
      %add3A_1386 = arith.addi %mul3A_6, %gather3A_1385 : vector<16xi32>
      tpu.vector_store_idx %arg6[%add3A_1386], %broadcast_in_dim3A_7 {add = true} : memref<320xi32, #tpu.memory_space<vmem>>[vector<16xi32>], vector<16xi32>,
      %add3A_1387 = arith.constant 2948 : i32
      %add3A_1388 = vector.broadcast %add3A_1387 : i32 to vector<16xi32>
      %add3A_1389 = arith.addi %mul3A_3, %add3A_1388 : vector<16xi32>
      %gather3A_1390 = tpu.vector_load_idx %arg5[%add3A_1389] : memref<4096xi32, #tpu.memory_space<vmem>>[vector<16xi32>], vector<16xi32>,
      %add3A_1391 = arith.addi %mul3A_6, %gather3A_1390 : vector<16xi32>
      tpu.vector_store_idx %arg6[%add3A_1391], %broadcast_in_dim3A_7 {add = true} : memref<320xi32, #tpu.memory_space<vmem>>[vector<16xi32>], vector<16xi32>,
      %add3A_1392 = arith.constant 2949 : i32
      %add3A_1393 = vector.broadcast %add3A_1392 : i32 to vector<16xi32>
      %add3A_1394 = arith.addi %mul3A_3, %add3A_1393 : vector<16xi32>
      %gather3A_1395 = tpu.vector_load_idx %arg5[%add3A_1394] : memref<4096xi32, #tpu.memory_space<vmem>>[vector<16xi32>], vector<16xi32>,
      %add3A_1396 = arith.addi %mul3A_6, %gather3A_1395 : vector<16xi32>
      tpu.vector_store_idx %arg6[%add3A_1396], %broadcast_in_dim3A_7 {add = true} : memref<320xi32, #tpu.memory_space<vmem>>[vector<16xi32>], vector<16xi32>,
      %add3A_1397 = arith.constant 2950 : i32
      %add3A_1398 = vector.broadcast %add3A_1397 : i32 to vector<16xi32>
      %add3A_1399 = arith.addi %mul3A_3, %add3A_1398 : vector<16xi32>
      %gather3A_1400 = tpu.vector_load_idx %arg5[%add3A_1399] : memref<4096xi32, #tpu.memory_space<vmem>>[vector<16xi32>], vector<16xi32>,
      %add3A_1401 = arith.addi %mul3A_6, %gather3A_1400 : vector<16xi32>
      tpu.vector_store_idx %arg6[%add3A_1401], %broadcast_in_dim3A_7 {add = true} : memref<320xi32, #tpu.memory_space<vmem>>[vector<16xi32>], vector<16xi32>,
      %add3A_1402 = arith.constant 2951 : i32
      %add3A_1403 = vector.broadcast %add3A_1402 : i32 to vector<16xi32>
      %add3A_1404 = arith.addi %mul3A_3, %add3A_1403 : vector<16xi32>
      %gather3A_1405 = tpu.vector_load_idx %arg5[%add3A_1404] : memref<4096xi32, #tpu.memory_space<vmem>>[vector<16xi32>], vector<16xi32>,
      %add3A_1406 = arith.addi %mul3A_6, %gather3A_1405 : vector<16xi32>
      tpu.vector_store_idx %arg6[%add3A_1406], %broadcast_in_dim3A_7 {add = true} : memref<320xi32, #tpu.memory_space<vmem>>[vector<16xi32>], vector<16xi32>,
      %add3A_1407 = arith.constant 3456 : i32
      %add3A_1408 = vector.broadcast %add3A_1407 : i32 to vector<16xi32>
      %add3A_1409 = arith.addi %mul3A_3, %add3A_1408 : vector<16xi32>
      %gather3A_1410 = tpu.vector_load_idx %arg5[%add3A_1409] : memref<4096xi32, #tpu.memory_space<vmem>>[vector<16xi32>], vector<16xi32>,
      %add3A_1411 = arith.addi %mul3A_6, %gather3A_1410 : vector<16xi32>
      tpu.vector_store_idx %arg6[%add3A_1411], %broadcast_in_dim3A_7 {add = true} : memref<320xi32, #tpu.memory_space<vmem>>[vector<16xi32>], vector<16xi32>,
      %add3A_1412 = arith.constant 3457 : i32
      %add3A_1413 = vector.broadcast %add3A_1412 : i32 to vector<16xi32>
      %add3A_1414 = arith.addi %mul3A_3, %add3A_1413 : vector<16xi32>
      %gather3A_1415 = tpu.vector_load_idx %arg5[%add3A_1414] : memref<4096xi32, #tpu.memory_space<vmem>>[vector<16xi32>], vector<16xi32>,
      %add3A_1416 = arith.addi %mul3A_6, %gather3A_1415 : vector<16xi32>
      tpu.vector_store_idx %arg6[%add3A_1416], %broadcast_in_dim3A_7 {add = true} : memref<320xi32, #tpu.memory_space<vmem>>[vector<16xi32>], vector<16xi32>,
      %add3A_1417 = arith.constant 3458 : i32
      %add3A_1418 = vector.broadcast %add3A_1417 : i32 to vector<16xi32>
      %add3A_1419 = arith.addi %mul3A_3, %add3A_1418 : vector<16xi32>
      %gather3A_1420 = tpu.vector_load_idx %arg5[%add3A_1419] : memref<4096xi32, #tpu.memory_space<vmem>>[vector<16xi32>], vector<16xi32>,
      %add3A_1421 = arith.addi %mul3A_6, %gather3A_1420 : vector<16xi32>
      tpu.vector_store_idx %arg6[%add3A_1421], %broadcast_in_dim3A_7 {add = true} : memref<320xi32, #tpu.memory_space<vmem>>[vector<16xi32>], vector<16xi32>,
      %add3A_1422 = arith.constant 3459 : i32
      %add3A_1423 = vector.broadcast %add3A_1422 : i32 to vector<16xi32>
      %add3A_1424 = arith.addi %mul3A_3, %add3A_1423 : vector<16xi32>
      %gather3A_1425 = tpu.vector_load_idx %arg5[%add3A_1424] : memref<4096xi32, #tpu.memory_space<vmem>>[vector<16xi32>], vector<16xi32>,
      %add3A_1426 = arith.addi %mul3A_6, %gather3A_1425 : vector<16xi32>
      tpu.vector_store_idx %arg6[%add3A_1426], %broadcast_in_dim3A_7 {add = true} : memref<320xi32, #tpu.memory_space<vmem>>[vector<16xi32>], vector<16xi32>,
      %add3A_1427 = arith.constant 3460 : i32
      %add3A_1428 = vector.broadcast %add3A_1427 : i32 to vector<16xi32>
      %add3A_1429 = arith.addi %mul3A_3, %add3A_1428 : vector<16xi32>
      %gather3A_1430 = tpu.vector_load_idx %arg5[%add3A_1429] : memref<4096xi32, #tpu.memory_space<vmem>>[vector<16xi32>], vector<16xi32>,
      %add3A_1431 = arith.addi %mul3A_6, %gather3A_1430 : vector<16xi32>
      tpu.vector_store_idx %arg6[%add3A_1431], %broadcast_in_dim3A_7 {add = true} : memref<320xi32, #tpu.memory_space<vmem>>[vector<16xi32>], vector<16xi32>,
      %add3A_1432 = arith.constant 3461 : i32
      %add3A_1433 = vector.broadcast %add3A_1432 : i32 to vector<16xi32>
      %add3A_1434 = arith.addi %mul3A_3, %add3A_1433 : vector<16xi32>
      %gather3A_1435 = tpu.vector_load_idx %arg5[%add3A_1434] : memref<4096xi32, #tpu.memory_space<vmem>>[vector<16xi32>], vector<16xi32>,
      %add3A_1436 = arith.addi %mul3A_6, %gather3A_1435 : vector<16xi32>
      tpu.vector_store_idx %arg6[%add3A_1436], %broadcast_in_dim3A_7 {add = true} : memref<320xi32, #tpu.memory_space<vmem>>[vector<16xi32>], vector<16xi32>,
      %add3A_1437 = arith.constant 3462 : i32
      %add3A_1438 = vector.broadcast %add3A_1437 : i32 to vector<16xi32>
      %add3A_1439 = arith.addi %mul3A_3, %add3A_1438 : vector<16xi32>
      %gather3A_1440 = tpu.vector_load_idx %arg5[%add3A_1439] : memref<4096xi32, #tpu.memory_space<vmem>>[vector<16xi32>], vector<16xi32>,
      %add3A_1441 = arith.addi %mul3A_6, %gather3A_1440 : vector<16xi32>
      tpu.vector_store_idx %arg6[%add3A_1441], %broadcast_in_dim3A_7 {add = true} : memref<320xi32, #tpu.memory_space<vmem>>[vector<16xi32>], vector<16xi32>,
      %add3A_1442 = arith.constant 3463 : i32
      %add3A_1443 = vector.broadcast %add3A_1442 : i32 to vector<16xi32>
      %add3A_1444 = arith.addi %mul3A_3, %add3A_1443 : vector<16xi32>
      %gather3A_1445 = tpu.vector_load_idx %arg5[%add3A_1444] : memref<4096xi32, #tpu.memory_space<vmem>>[vector<16xi32>], vector<16xi32>,
      %add3A_1446 = arith.addi %mul3A_6, %gather3A_1445 : vector<16xi32>
      tpu.vector_store_idx %arg6[%add3A_1446], %broadcast_in_dim3A_7 {add = true} : memref<320xi32, #tpu.memory_space<vmem>>[vector<16xi32>], vector<16xi32>,
      %add3A_1447 = arith.constant 3968 : i32
      %add3A_1448 = vector.broadcast %add3A_1447 : i32 to vector<16xi32>
      %add3A_1449 = arith.addi %mul3A_3, %add3A_1448 : vector<16xi32>
      %gather3A_1450 = tpu.vector_load_idx %arg5[%add3A_1449] : memref<4096xi32, #tpu.memory_space<vmem>>[vector<16xi32>], vector<16xi32>,
      %add3A_1451 = arith.addi %mul3A_6, %gather3A_1450 : vector<16xi32>
      tpu.vector_store_idx %arg6[%add3A_1451], %broadcast_in_dim3A_7 {add = true} : memref<320xi32, #tpu.memory_space<vmem>>[vector<16xi32>], vector<16xi32>,
      %add3A_1452 = arith.constant 3969 : i32
      %add3A_1453 = vector.broadcast %add3A_1452 : i32 to vector<16xi32>
      %add3A_1454 = arith.addi %mul3A_3, %add3A_1453 : vector<16xi32>
      %gather3A_1455 = tpu.vector_load_idx %arg5[%add3A_1454] : memref<4096xi32, #tpu.memory_space<vmem>>[vector<16xi32>], vector<16xi32>,
      %add3A_1456 = arith.addi %mul3A_6, %gather3A_1455 : vector<16xi32>
      tpu.vector_store_idx %arg6[%add3A_1456], %broadcast_in_dim3A_7 {add = true} : memref<320xi32, #tpu.memory_space<vmem>>[vector<16xi32>], vector<16xi32>,
      %add3A_1457 = arith.constant 3970 : i32
      %add3A_1458 = vector.broadcast %add3A_1457 : i32 to vector<16xi32>
      %add3A_1459 = arith.addi %mul3A_3, %add3A_1458 : vector<16xi32>
      %gather3A_1460 = tpu.vector_load_idx %arg5[%add3A_1459] : memref<4096xi32, #tpu.memory_space<vmem>>[vector<16xi32>], vector<16xi32>,
      %add3A_1461 = arith.addi %mul3A_6, %gather3A_1460 : vector<16xi32>
      tpu.vector_store_idx %arg6[%add3A_1461], %broadcast_in_dim3A_7 {add = true} : memref<320xi32, #tpu.memory_space<vmem>>[vector<16xi32>], vector<16xi32>,
      %add3A_1462 = arith.constant 3971 : i32
      %add3A_1463 = vector.broadcast %add3A_1462 : i32 to vector<16xi32>
      %add3A_1464 = arith.addi %mul3A_3, %add3A_1463 : vector<16xi32>
      %gather3A_1465 = tpu.vector_load_idx %arg5[%add3A_1464] : memref<4096xi32, #tpu.memory_space<vmem>>[vector<16xi32>], vector<16xi32>,
      %add3A_1466 = arith.addi %mul3A_6, %gather3A_1465 : vector<16xi32>
      tpu.vector_store_idx %arg6[%add3A_1466], %broadcast_in_dim3A_7 {add = true} : memref<320xi32, #tpu.memory_space<vmem>>[vector<16xi32>], vector<16xi32>,
      %add3A_1467 = arith.constant 3972 : i32
      %add3A_1468 = vector.broadcast %add3A_1467 : i32 to vector<16xi32>
      %add3A_1469 = arith.addi %mul3A_3, %add3A_1468 : vector<16xi32>
      %gather3A_1470 = tpu.vector_load_idx %arg5[%add3A_1469] : memref<4096xi32, #tpu.memory_space<vmem>>[vector<16xi32>], vector<16xi32>,
      %add3A_1471 = arith.addi %mul3A_6, %gather3A_1470 : vector<16xi32>
      tpu.vector_store_idx %arg6[%add3A_1471], %broadcast_in_dim3A_7 {add = true} : memref<320xi32, #tpu.memory_space<vmem>>[vector<16xi32>], vector<16xi32>,
      %add3A_1472 = arith.constant 3973 : i32
      %add3A_1473 = vector.broadcast %add3A_1472 : i32 to vector<16xi32>
      %add3A_1474 = arith.addi %mul3A_3, %add3A_1473 : vector<16xi32>
      %gather3A_1475 = tpu.vector_load_idx %arg5[%add3A_1474] : memref<4096xi32, #tpu.memory_space<vmem>>[vector<16xi32>], vector<16xi32>,
      %add3A_1476 = arith.addi %mul3A_6, %gather3A_1475 : vector<16xi32>
      tpu.vector_store_idx %arg6[%add3A_1476], %broadcast_in_dim3A_7 {add = true} : memref<320xi32, #tpu.memory_space<vmem>>[vector<16xi32>], vector<16xi32>,
      %add3A_1477 = arith.constant 3974 : i32
      %add3A_1478 = vector.broadcast %add3A_1477 : i32 to vector<16xi32>
      %add3A_1479 = arith.addi %mul3A_3, %add3A_1478 : vector<16xi32>
      %gather3A_1480 = tpu.vector_load_idx %arg5[%add3A_1479] : memref<4096xi32, #tpu.memory_space<vmem>>[vector<16xi32>], vector<16xi32>,
      %add3A_1481 = arith.addi %mul3A_6, %gather3A_1480 : vector<16xi32>
      tpu.vector_store_idx %arg6[%add3A_1481], %broadcast_in_dim3A_7 {add = true} : memref<320xi32, #tpu.memory_space<vmem>>[vector<16xi32>], vector<16xi32>,
      %add3A_1482 = arith.constant 3975 : i32
      %add3A_1483 = vector.broadcast %add3A_1482 : i32 to vector<16xi32>
      %add3A_1484 = arith.addi %mul3A_3, %add3A_1483 : vector<16xi32>
      %gather3A_1485 = tpu.vector_load_idx %arg5[%add3A_1484] : memref<4096xi32, #tpu.memory_space<vmem>>[vector<16xi32>], vector<16xi32>,
      %add3A_1486 = arith.addi %mul3A_6, %gather3A_1485 : vector<16xi32>
      tpu.vector_store_idx %arg6[%add3A_1486], %broadcast_in_dim3A_7 {add = true} : memref<320xi32, #tpu.memory_space<vmem>>[vector<16xi32>], vector<16xi32>,
      %broadcast_in_dim3A_1487 = arith.constant 0xFF800000 : f32
      %broadcast_in_dim3A_1488 = vector.broadcast %broadcast_in_dim3A_1487 : f32 to vector<16xf32>
      %scan3A_1489 = arith.constant 0 : i32
      %scan3A_1490 = arith.constant 20 : i32
      %scan3A_1491 = arith.addi %scan3A_1489, %scan3A_1490 : i32
      %scan3A_1492 = arith.constant 1 : i32
      %scan3A_1493:2 = scf.for %scan3A_1497 = %scan3A_1489 to %scan3A_1491 step %scan3A_1492 iter_args(%scan3A_1498 = %broadcast_in_dim3A_1488, %scan3A_1499 = %broadcast_in_dim3A_9) -> (vector<16xf32>, vector<16xi32>)  : i32 {
        %broadcast_in_dim3A_1500 = vector.broadcast %scan3A_1497 : i32 to vector<16xi32>
        %add3A_1501 = arith.addi %mul3A_6, %broadcast_in_dim3A_1500 : vector<16xi32>
        %gather3A_1502 = tpu.vector_load_idx %arg6[%add3A_1501] : memref<320xi32, #tpu.memory_space<vmem>>[vector<16xi32>], vector<16xi32>,
        %gather3A_1503 = tpu.vector_load_idx %arg8[%broadcast_in_dim3A_1500] : memref<20xf32, #tpu.memory_space<vmem>>[vector<16xi32>], vector<16xf32>,
        %convert_element_type3A = arith.sitofp %gather3A_1502 : vector<16xi32> to vector<16xf32>
        %mul3A_1504 = arith.mulf %convert_element_type3A, %gather3A_1503 : vector<16xf32>
        %gt3A = arith.cmpf ogt, %mul3A_1504, %scan3A_1498 : vector<16xf32>
        %select_n3A = arith.select %gt3A, %mul3A_1504, %scan3A_1498 : vector<16xi1>, vector<16xf32>
        %select_n3A_1505 = arith.select %gt3A, %broadcast_in_dim3A_1500, %scan3A_1499 : vector<16xi1>, vector<16xi32>
        scf.yield %select_n3A, %select_n3A_1505 : vector<16xf32>, vector<16xi32>
      }
      %scan3A_1494 = arith.constant 20 : i32
      %swap3A_1495 = arith.constant 48 : index
      %swap3A_1496 = tpu.vector_load %arg7[%swap3A_1495] {strides = array<i32>} : memref<64xi32, #tpu.memory_space<vmem>>, vector<16xi32>,
      tpu.vector_store %arg7[%swap3A_1495], %scan3A_1493#1 {strides = array<i32>} : memref<64xi32, #tpu.memory_space<vmem>>, vector<16xi32>,
      "tpu.region"() ({
        %run_scoped3A = tpu.sem_alloc : memref<!tpu.dma_semaphore, #tpu.memory_space<semaphore_mem>>
        %dma_start3A = arith.constant 0 : i32
        %dma_start3A_1497 = tpu.memref_slice %arg4[%add3A_18, %dma_start3A] : memref<1024x64xi32, #tpu.memory_space<hbm>> -> memref<1x64xi32, #tpu.memory_space<hbm>>
        %dma_start3A_1498 = tpu.memref_squeeze %dma_start3A_1497 : memref<1x64xi32, #tpu.memory_space<hbm>> -> memref<64xi32, #tpu.memory_space<hbm>>
        %dma_start3A_1499 = arith.constant 0 : i32
        %dma_start3A_1500 = tpu.memref_slice %arg4[%add3A_18, %dma_start3A_1499] : memref<1024x64xi32, #tpu.memory_space<hbm>> -> memref<1x64xi32, #tpu.memory_space<hbm>>
        %dma_start3A_1501 = tpu.memref_squeeze %dma_start3A_1500 : memref<1x64xi32, #tpu.memory_space<hbm>> -> memref<64xi32, #tpu.memory_space<hbm>>
        tpu.enqueue_dma source(%arg7 : memref<64xi32, #tpu.memory_space<vmem>>) target(%dma_start3A_1501 : memref<64xi32, #tpu.memory_space<hbm>>) target_semaphore(%run_scoped3A : memref<!tpu.dma_semaphore, #tpu.memory_space<semaphore_mem>>)
        %dma_wait3A = arith.constant 0 : i32
        %dma_wait3A_1502 = tpu.memref_slice %arg4[%add3A_18, %dma_wait3A] : memref<1024x64xi32, #tpu.memory_space<hbm>> -> memref<1x64xi32, #tpu.memory_space<hbm>>
        %dma_wait3A_1503 = tpu.memref_squeeze %dma_wait3A_1502 : memref<1x64xi32, #tpu.memory_space<hbm>> -> memref<64xi32, #tpu.memory_space<hbm>>
        %dma_wait3A_1504 = arith.constant 0 : i32
        %dma_wait3A_1505 = tpu.memref_slice %arg4[%add3A_18, %dma_wait3A_1504] : memref<1024x64xi32, #tpu.memory_space<hbm>> -> memref<1x64xi32, #tpu.memory_space<hbm>>
        %dma_wait3A_1506 = tpu.memref_squeeze %dma_wait3A_1505 : memref<1x64xi32, #tpu.memory_space<hbm>> -> memref<64xi32, #tpu.memory_space<hbm>>
        tpu.wait_dma2 semaphore(%run_scoped3A : memref<!tpu.dma_semaphore, #tpu.memory_space<semaphore_mem>>) src(%arg7 : memref<64xi32, #tpu.memory_space<vmem>>) dst(%dma_wait3A_1506 : memref<64xi32, #tpu.memory_space<hbm>>)
        tpu.yield
      }) : () -> ()
    }
    %scan3A_14 = arith.constant 32 : i32
    return
  }
}

</mosaic_0001>

<sc_bundles>
// kernel: kernel.3.cloned.1.call-start
scs
__scs_entry_jumppad:
0x0: {  	(pc) =	sbr.rel $0x88, $3  }
0x1: {  	(tag) =	ssettag $0x0;
	lr =	simm.s32 $0x1  }
0x2: {  	[smem:$0x3F9F] =	sst lr;
	_ =	strace $0xD0000000  }
0x3: {  	_ = 	snop  }
0x4: {  	_ = 	snop  }
0x5: {  	_ = 	snop  }
0x6: {  	_ = 	snop  }
0x7: {  	_ = 	snop  }
__scs_overlays_trampoline_lowered:
0x8: {  	[smem:$0x3FAE] =	sst s0  }
0x9: {  	[smem:$0x3FAF] =	sst s1  }
0xa: {  	[smem:$0x3FB0] =	sst s2  }
0xb: {  	[smem:$0x3FB1] =	sst s3  }
0xc: {  	[smem:$0x3FB2] =	sst s4  }
0xd: {  	[smem:$0x3FB3] =	sst s5  }
0xe: {  	[smem:$0x3FB4] =	sst s6  }
0xf: {  	[smem:$0x3FB5] =	sst s7  }
0x10: {  	[smem:$0x3FB6] =	sst s8  }
0x11: {  	[smem:$0x3FB7] =	sst s9;
	s0 =	simm.s32 @!p0 $0x0  }
0x12: {  	s1 =	sld [smem:$0x3F9D];
	s0 =	simm.s32 @p0 $0x1  }
0x13: {  	[smem:$0x3FB8] =	sst s0;
	s0 =	simm.s32 @!p1 $0x0  }
0x14: {  	s2 =	sld [smem:$0x3F9C];
	s0 =	simm.s32 @p1 $0x1  }
0x15: {  	[smem:$0x3FB9] =	sst s0;
	s0 =	simm.s32 @!p2 $0x0  }
0x16: {  	s3 =	sld [smem:$0x3FDB];
	s0 =	simm.s32 @p2 $0x1  }
0x17: {  	s4 =	simm.s32 $0x1BF5;
	[smem:$0x3FBB] =	sst s0  }
0x18: {  	s0 =	sld [smem:$0x3F9E];
	_ =	swait.ge [sflag:s4], $0x0  }
0x19: {  	s7 =	sld [smem:$0x3F9F]  }
0x1a: {  	s8 =	sadd.s32 $0xFFFFE003, lr  }
0x1b: {  	s9 =	sadd.s32 $0xFFFFFEF7, lr;
	s5 =	simm.s32 $0xFFFFFFFF;
	p2 =	slt.u32 s8, $0xFFFFF086  }
0x1c: {  	p1 =	slt.u32 s9, $0xF7A;
	s5 =	simm.s32 @!p2 $0x0  }
0x1d: {  	s5 =	simm.s32 @p1 $0x1;
	p0 =	seq.s32 s7, s2  }
0x1e: {  	s7 =	smul.u32 @!p0 $0xF7A, s2;
	p2 =	seq.s32 @!p0 s5, $0x0  }
0x1f: {  	s9 =	smul.u32 $0xF7A, s1;
	s8 =	simm.s32 @!p0 $0x1BF5;
	p2 =	por !p2, p0  }
0x20: {  	[sflag:s8] =	ssyncset.s32 @!p0 $0xFFFFF086;
	s6 =	sadd.s32 @!p0 s3, s7;
	s7 =	simm.s32 @!p0 $0x108  }
0x21: {  	s3 =	sadd.s32 s3, s9;
	s6 =	sadd.s32 @!p0 $0x88, s6;
	s7 =	simm.s32 @p2 $0x1082  }
0x22: {  	[simem:s7], [sflag:s8] =	dma.local @!p0 [hbm:s6], $0xF7A  }
0x23: {  	s9 =	sor.u32 $0xD0000000, s2;
	s6 =	simm.s32 $0x108;
	_ =	swait.ge @!p0 [sflag:s8], $0x0  }
0x24: {  	s3 =	sadd.s32 $0x88, s3;
	s6 =	simm.s32 @!p1 $0x1082;
	[sflag:s4] =	ssyncset.s32 $0xFFFFF086  }
0x25: {  	[simem:s6], [sflag:s4] =	dma.local [hbm:s3], $0xF7A  }
0x26: {  	[smem:$0x3F9F] =	sst s1;
	(tag) =	ssettag s2;
	_ =	strace s9  }
0x27: {  	s1 =	sld [smem:$0x3FAF]  }
0x28: {  	s2 =	sld [smem:$0x3FB0]  }
0x29: {  	s4 =	sld [smem:$0x3FB2]  }
0x2a: {  	p0 =	seq.s32 s5, $0x0;
	s5 =	sld [smem:$0x3FB3]  }
0x2b: {  	s6 =	sld [smem:$0x3FB4]  }
0x2c: {  	s7 =	sld [smem:$0x3FB5]  }
0x2d: {  	s3 =	simm.s32 $0x108;
	s8 =	sld [smem:$0x3FB6]  }
0x2e: {  	s3 =	simm.s32 @!p0 $0x1082;
	s9 =	sld [smem:$0x3FB7]  }
0x2f: {  	lr =	sadd.s32 s0, s3;
	s0 =	sld [smem:$0x3FAE]  }
0x30: {  	s3 =	sld [smem:$0x3FB1]  }
0x31: {  	[smem:$0x3FBA] =	sst s10  }
0x32: {  	s10 =	sld [smem:$0x3FB8];
	_ =	sdelay $0x3  }
0x33: {  	p0 =	seq.s32 s10, $0x1;
	s10 =	sld [smem:$0x3FBA];
	_ =	sdelay $0x3  }
0x34: {  	[smem:$0x3FBA] =	sst s10  }
0x35: {  	s10 =	sld [smem:$0x3FB9];
	_ =	sdelay $0x3  }
0x36: {  	p1 =	seq.s32 s10, $0x1;
	s10 =	sld [smem:$0x3FBA];
	_ =	sdelay $0x3  }
0x37: {  	[smem:$0x3FBA] =	sst s10  }
0x38: {  	s10 =	sld [smem:$0x3FBB]  }
0x39: {  	_ = 	snop;
	(pc) =	sbr.ind lr, $3  }
0x3a: {  	_ = 	snop  }
0x3b: {  	_ = 	snop  }
0x3c: {  	p2 =	seq.s32 s10, $0x1;
	s10 =	sld [smem:$0x3FBA]  }
0x3d: {  	_ =	shalt  }
0x3e: {  	_ =	shalt  }
0x3f: {  	_ =	shalt  }
0x40: {  	_ =	shalt  }
0x41: {  	_ =	shalt  }
0x42: {  	_ =	shalt  }
0x43: {  	_ =	shalt  }
0x44: {  	_ =	shalt  }
0x45: {  	_ =	shalt  }
0x46: {  	_ =	shalt  }
0x47: {  	_ =	shalt  }
0x48: {  	_ =	shalt  }
0x49: {  	_ =	shalt  }
0x4a: {  	_ =	shalt  }
0x4b: {  	_ =	shalt  }
0x4c: {  	_ =	shalt  }
0x4d: {  	_ =	shalt  }
0x4e: {  	_ =	shalt  }
0x4f: {  	_ =	shalt  }
0x50: {  	_ =	shalt  }
0x51: {  	_ =	shalt  }
0x52: {  	_ =	shalt  }
0x53: {  	_ =	shalt  }
0x54: {  	_ =	shalt  }
0x55: {  	_ =	shalt  }
0x56: {  	_ =	shalt  }
0x57: {  	_ =	shalt  }
0x58: {  	_ =	shalt  }
0x59: {  	_ =	shalt  }
0x5a: {  	_ =	shalt  }
0x5b: {  	_ =	shalt  }
0x5c: {  	_ =	shalt  }
0x5d: {  	_ =	shalt  }
0x5e: {  	_ =	shalt  }
0x5f: {  	_ =	shalt  }
0x60: {  	_ =	shalt  }
0x61: {  	_ =	shalt  }
0x62: {  	_ =	shalt  }
0x63: {  	_ =	shalt  }
0x64: {  	_ =	shalt  }
0x65: {  	_ =	shalt  }
0x66: {  	_ =	shalt  }
0x67: {  	_ =	shalt  }
0x68: {  	_ =	shalt  }
0x69: {  	_ =	shalt  }
0x6a: {  	_ =	shalt  }
0x6b: {  	_ =	shalt  }
0x6c: {  	_ =	shalt  }
0x6d: {  	_ =	shalt  }
0x6e: {  	_ =	shalt  }
0x6f: {  	_ =	shalt  }
0x70: {  	_ =	shalt  }
0x71: {  	_ =	shalt  }
0x72: {  	_ =	shalt  }
0x73: {  	_ =	shalt  }
0x74: {  	_ =	shalt  }
0x75: {  	_ =	shalt  }
0x76: {  	_ =	shalt  }
0x77: {  	_ =	shalt  }
0x78: {  	_ =	shalt  }
0x79: {  	_ =	shalt  }
0x7a: {  	_ =	shalt  }
0x7b: {  	_ =	shalt  }
0x7c: {  	_ =	shalt  }
0x7d: {  	_ =	shalt  }
0x7e: {  	_ =	shalt  }
0x7f: {  	_ =	shalt  }
0x80: {  	_ =	shalt  }
0x81: {  	_ =	shalt  }
0x82: {  	_ =	shalt  }
0x83: {  	_ =	shalt  }
0x84: {  	_ =	shalt  }
0x85: {  	_ =	shalt  }
0x86: {  	_ =	shalt  }
0x87: {  	_ =	shalt  }
.Lfunc_end0:
.L_simem_size_0:
called_computation_lowered:
.L_overlay_start_0:
0x88: {  	s2 =	sld [smem:$0x3FD9]  }
0x89: {  	s3 =	sld [smem:$0x3FFE];
	_ =	sdelay $0x1  }
0x8a: {  	s1 =	srdreg.scid  }
0x8b: {  	s0 =	sand.u32 $0x1, s1  }
0x8c: {  	s17 =	sshll.u32 s0, $0xA;
	s2 =	sadd.s32 s3, s2  }
0x8d: {  	s2 =	sadd.s32 s2, s17  }
0x8e: {  	[smem:$0x3FC6] =	sst s2  }
0x8f: {  	_ = 	snop  }
0x90: {  	s2 =	sld [smem:$0x3FC8]  }
0x91: {  	s18 =	sld [smem:$0x3FD0];
	(tm) =	ssettm $0x1  }
0x92: {  	s4 =	sld [smem:$0x3FFB];
	_ =	sdelay $0x3  }
0x93: {  	_ =	strace s4  }
0x94: {  	s4 =	sld [smem:$0x3FFC];
	_ =	sdelay $0x3  }
0x95: {  	_ =	strace s4  }
0x96: {  	s4 =	sld [smem:$0x3FFD];
	_ =	sdelay $0x3  }
0x97: {  	_ =	strace s4  }
0x98: {  	_ =	strace $0x8FFFFFFF  }
0x99: {  	s19 =	sld [smem:$0x3FDB];
	_ =	sdelay $0x1  }
0x9a: {  	s5 =	simm.s32 $_scs_section_size  }
0x9b: {  	s6 =	simm.s32 $_size__tile_overlayer_lowered;
	s7 =	simm.s32 $_tile_overlayer_lowered  }
0x9c: {  	s22 =	simm.s32 $0x1BFF;
	s21 =	sshll.u32 s7, $0x1;
	s4 =	sadd.s32 s5, s19  }
0x9d: {  	s8 =	simm.s32 $0x0;
	s20 =	sshll.u32 s6, $0x1;
	s6 =	sadd.s32 s21, s4  }
0x9e: {  	[timem:s8], [sflag:s22] =	dma.local [hbm:s6], s20  }
0x9f: {  	_ =	swait.ge [sflag:s22], s20  }
0xa0: {  	s5 =	ssub.s32 $0x0, s20;
	[sflag:s22] =	ssyncset.done $0x0  }
0xa1: {  	[sflag:s22] =	ssyncadd.s32 s5;
	_ =	sdelay $0x1  }
0xa2: {  	s23 =	simm.s32 $0x1B8B  }
0xa3: {  	_ =	swait.ge [sflag:s23], $0x1  }
0xa4: {  	[sflag:s23] =	ssyncset.done $0x0  }
0xa5: {  	s25 =	simm.s32 $0x1B8E;
	s24 =	sld [smem:$0x3FFE];
	[sflag:s23] =	ssyncadd.s32 $0xFFFFFFFF  }
0xa6: {  	s26 =	simm.s32 $execute0_lowered;
	[smem:$0x3FD2] =	sst s25  }
0xa7: {  	s6 =	sshll.u32 s26, $0x1;
	_ =	strace $0x80000046;
	[dreg:$0x1] =	wrdreg $0xFFFFFFFF  }
0xa8: {  	s28 =	simm.s32 $_size_execute0_lowered;
	s4 =	sadd.s32 s4, s6;
	[dreg:$0x0] =	wrdreg $0x0  }
0xa9: {  	s6 =	sshll.u32 s28, $0x1;
	[dreg:$0x2] =	wrdreg s4  }
0xaa: {  	[dreg:$0x3] =	wrdreg s6  }
0xab: {  	[dreg:$0x4] =	wrdreg $0xC0  }
0xac: {  	_ =	task [dreg:s8], $0x5FFFF  }
0xad: {  	[dreg:$0x1] =	wrdreg $0xFFFFFFFF  }
0xae: {  	[dreg:$0x0] =	wrdreg $0x60  }
0xaf: {  	[dreg:$0x2] =	wrdreg s24  }
0xb0: {  	[dreg:$0x3] =	wrdreg s2  }
0xb1: {  	[dreg:$0x4] =	wrdreg s18  }
0xb2: {  	[dreg:$0x5] =	wrdreg $0x9  }
0xb3: {  	_ =	task.clear_ibuf [dreg:s8], $0x6FFFF;
	_ =	strace $0x90000046  }
0xb4: {  	s29 =	simm.s32 $0x9;
	_ =	strace $0x80000048  }
0xb5: {  	_ =	swait.ge [sflag:s29], $0x1  }
0xb6: {  	[sflag:s29] =	ssyncadd.s32 $0xFFFFFFFF  }
0xb7: {  	_ =	strace $0x90000048  }
0xb8: {  	_ =	sfence  }
0xb9: {  	s30 =	sld [smem:$0x0];
	_ =	sdelay $0x2  }
0xba: {  	s31 =	sshll.u32 s1, $0xD;
	s1 =	sshrl.u32 s1, $0x2  }
0xbb: {  	s3 =	sand.u32 $0x4000, s31;
	s1 =	sadd.s32 s1, s30  }
0xbc: {  	s0 =	sor.u32 s3, s0;
	s1 =	sshll.u32 s1, $0x11  }
0xbd: {  	s0 =	sor.u32 s1, s0  }
0xbe: {  	s0 =	sadd.s32 $0x8F2B, s0  }
0xbf: {  	[sflag:s0] =	ssyncadd.remote.s32 $0x1  }
0xc0: {  	_ =	sfence.sel $0xFFFF  }
0xc1: {  	[dreg:$0x0] =	wrdreg $0xFFFFFFFF;
	(pc) =	sbr.abs _section_cstart, $3  }
0xc2: {  	[dreg:$0x1] =	wrdreg $0xFFFFFFFF  }
0xc3: {  	_ =	task.clear_ibuf [dreg:s8], $0x2FFFF;
	_ =	strace $0x9FFFFFFF  }
0xc4: {  	(tm) =	ssettm $0x7FFFFFFF  }
0xc5: {  	_ =	shalt  }
tec
execute0_lowered:
.L_overlay_start_1:
0x0: {  	(tag) =	ssettag $0x1  }
0x1: {  	v1 =	vlaneseq.u32  }
0x2: {  	v0 =	vmul.u32 $0x8, v1  }
0x3: {  	v2 =	vimm.s32 $0x1;
	v1 =	vmul.u32 $0x14, v1  }
0x4: {  	v3 =	vor.u32 $0x1, v0;
	v9 =	vor.u32 $0x7, v0;
	v10 =	vor.u32 $0x200, v0  }
0x5: {  	v11 =	vor.u32 $0x201, v0;
	v12 =	vor.u32 $0x202, v0;
	v13 =	vor.u32 $0x203, v0  }
0x6: {  	v14 =	vor.u32 $0x204, v0;
	v15 =	vor.u32 $0x205, v0;
	v16 =	vor.u32 $0x206, v0  }
0x7: {  	v17 =	vor.u32 $0x207, v0;
	v18 =	vor.u32 $0x400, v0;
	v19 =	vor.u32 $0x401, v0  }
0x8: {  	v20 =	vor.u32 $0x402, v0;
	v21 =	vor.u32 $0x403, v0;
	v22 =	vor.u32 $0x404, v0  }
0x9: {  	v23 =	vor.u32 $0x405, v0;
	v24 =	vor.u32 $0x406, v0;
	v25 =	vor.u32 $0x407, v0  }
0xa: {  	v26 =	vor.u32 $0x600, v0;
	v27 =	vor.u32 $0x601, v0;
	v28 =	vor.u32 $0x602, v0  }
0xb: {  	v29 =	vor.u32 $0x603, v0;
	v30 =	vor.u32 $0x604, v0;
	v31 =	vor.u32 $0x605, v0  }
0xc: {  	v32 =	vor.u32 $0x606, v0;
	v33 =	vor.u32 $0x607, v0;
	v34 =	vor.u32 $0x800, v0  }
0xd: {  	s4 =	rddreg [dreg:$0x0];
	v35 =	vor.u32 $0x801, v0;
	v36 =	vor.u32 $0x802, v0;
	v37 =	vor.u32 $0x803, v0  }
0xe: {  	s0 =	rddreg [dreg:$0x1];
	v38 =	vor.u32 $0x804, v0;
	v39 =	vor.u32 $0x805, v0;
	v40 =	vor.u32 $0x806, v0  }
0xf: {  	s2 =	rddreg [dreg:$0x2];
	v41 =	vor.u32 $0x807, v0;
	v42 =	vor.u32 $0xA00, v0;
	v43 =	vor.u32 $0xA01, v0  }
0x10: {  	s1 =	rddreg [dreg:$0x3];
	v44 =	vor.u32 $0xA02, v0;
	v45 =	vor.u32 $0xA03, v0;
	v46 =	vor.u32 $0xA04, v0  }
0x11: {  	s3 =	simm.s32 $0x0;
	s5 =	srdreg.scid;
	s9 =	simm.s32 $0x1;
	v47 =	vor.u32 $0xA05, v0;
	v48 =	vor.u32 $0xA06, v0;
	[tilespmem:$0x1FFA0] =	vst v3;
	v3 =	vor.u32 $0x2, v0  }
0x12: {  	s10 =	simm.s32 $0x80;
	s11 =	simm.s32 $0x400;
	s12 =	simm.s32 $0x1000;
	v49 =	vor.u32 $0xA07, v0;
	v50 =	vor.u32 $0xC00, v0;
	[tilespmem:$0x1FFB0] =	vst v3;
	v3 =	vor.u32 $0x3, v0  }
0x13: {  	s13 =	simm.s32 $0x1180;
	s14 =	simm.s32 $0x0;
	s6 =	sand.u32 $0x1, s5;
	v51 =	vor.u32 $0xC01, v0;
	v52 =	vor.u32 $0xC02, v0;
	[tilespmem:$0x1FFC0] =	vst v3;
	v3 =	vor.u32 $0x4, v0  }
0x14: {  	s5 =	sadd.s32 $0x400, s4;
	s4 =	stileid.u32;
	s7 =	ssub.s32 $0x2, s6;
	v53 =	vor.u32 $0xC03, v0;
	v54 =	vor.u32 $0xC04, v0;
	[tilespmem:$0x1FFD0] =	vst v3;
	v3 =	vor.u32 $0x5, v0  }
0x15: {  	s31 =	sshll.u32 s4, $0x6;
	s6 =	sshll.u32 s6, $0x5;
	s8 =	sshrl.u32 s7, $0x1;
	v55 =	vor.u32 $0xC05, v0;
	v56 =	vor.u32 $0xC06, v0;
	[tilespmem:$0x1FFE0] =	vst v3;
	v3 =	vor.u32 $0x6, v0  }
0x16: {  	[smem:$0x7FF] =	sst s3;
	s6 =	sor.u32 s6, s31;
	v57 =	vor.u32 $0xC07, v0;
	v58 =	vor.u32 $0xE00, v0;
	v59 =	vor.u32 $0xE01, v0;
	s7 =	ssub.s32 s7, s8;
	[tilespmem:$0x1FFF0] =	vst v3  }
0x17: {  	v60 =	vor.u32 $0xE02, v0;
	v61 =	vor.u32 $0xE03, v0;
	v62 =	vor.u32 $0xE04, v0;
	s8 =	simm.s32 $0x1200;
	s7 =	smax.u32 s7, $0x1;
	_ =	strace $0x80000047  }
.LBB2_1:
0x18: {  	[tilespmem:s8], [sflag:$0x1] =	stream.linear.gather [hbm4b:s0+s3], $0x80, $0x38;
	[tilespmem:$0x1280] =	vst v63  }
0x19: {  	_ =	swait.ge [sflag:s9], $0x80  }
0x1a: {  	[sflag:s9] =	ssyncset.done $0x0  }
0x1b: {  	s15 =	simm.s32 $0x0;
	[sflag:s9] =	ssyncadd.s32 $0xFFFFFF80  }
.LBB2_2:
0x1c: {  	s16 =	sadd.s32 s6, s15  }
0x1d: {  	s31 =	sshll.u32 s15, $0x7;
	s17 =	sshrl.u32 s16, $0x3  }
0x1e: {  	s16 =	sand.u32 $0x380, s31;
	s18 =	sshll.u32 s17, $0xF  }
0x1f: {  	s18 =	sor.u32 s16, s18  }
0x20: {  	s18 =	sshrl.u32 s18, $0x3  }
0x21: {  	s19 =	sadd.s32 s5, s18;
	s18 =	simm.s32 $0x0  }
0x22: {  	[tilespmem:s18], [sflag:$0x1] =	stream.strided.gather [hbm4b:s19+s10], $0x1000, s11, s10, $0x38;
	[tilespmem:$0x1280] =	vst v63  }
0x23: {  	_ =	swait.ge [sflag:s9], $0x1000  }
0x24: {  	[sflag:s9] =	ssyncset.done $0x0  }
0x25: {  	v63 =	vimm.s32 $0x0;
	[sflag:s9] =	ssyncadd.s32 $0xFFFFF000  }
0x26: {  	[tilespmem:$0x1000] =	vst v63  }
0x27: {  	[tilespmem:$0x1010] =	vst v63  }
0x28: {  	[tilespmem:$0x1020] =	vst v63  }
0x29: {  	[tilespmem:$0x1030] =	vst v63  }
0x2a: {  	[tilespmem:$0x1040] =	vst v63  }
0x2b: {  	[tilespmem:$0x1050] =	vst v63  }
0x2c: {  	[tilespmem:$0x1060] =	vst v63  }
0x2d: {  	[tilespmem:$0x1070] =	vst v63  }
0x2e: {  	[tilespmem:$0x1080] =	vst v63  }
0x2f: {  	[tilespmem:$0x1090] =	vst v63  }
0x30: {  	[tilespmem:$0x10A0] =	vst v63  }
0x31: {  	[tilespmem:$0x10B0] =	vst v63  }
0x32: {  	[tilespmem:$0x10C0] =	vst v63  }
0x33: {  	[tilespmem:$0x10D0] =	vst v63  }
0x34: {  	[tilespmem:$0x10E0] =	vst v63  }
0x35: {  	[tilespmem:$0x10F0] =	vst v63  }
0x36: {  	[tilespmem:$0x1100] =	vst v63  }
0x37: {  	[tilespmem:$0x1110] =	vst v63  }
0x38: {  	[tilespmem:$0x1120] =	vst v63  }
0x39: {  	[tilespmem:$0x1130] =	vst v63  }
0x3a: {  	v3 =	vld.idx.msk [tilespmem:v0+s18+$0x0], $0xffff;
	_ =	sdelay $0x4  }
0x3b: {  	v3 =	vadd.s32 v1, v3;
	_ =	sdelay $0x4  }
0x3c: {  	[tilespmem:v3+s12+$0x0] =	vst.idx.add.s32.msk $0xffff, v2  }
0x3d: {  	v3 =	vld [tilespmem:$0x1FFA0];
	_ =	sdelay $0x7  }
0x3e: {  	v3 =	vld.idx.msk [tilespmem:v3+s18+$0x0], $0xffff;
	_ =	sdelay $0x4  }
0x3f: {  	v3 =	vadd.s32 v1, v3;
	_ =	sdelay $0x4  }
0x40: {  	[tilespmem:v3+s12+$0x0] =	vst.idx.add.s32.msk $0xffff, v2  }
0x41: {  	v3 =	vld [tilespmem:$0x1FFB0];
	_ =	sdelay $0x7  }
0x42: {  	v3 =	vld.idx.msk [tilespmem:v3+s18+$0x0], $0xffff;
	_ =	sdelay $0x4  }
0x43: {  	v3 =	vadd.s32 v1, v3;
	_ =	sdelay $0x4  }
0x44: {  	[tilespmem:v3+s12+$0x0] =	vst.idx.add.s32.msk $0xffff, v2  }
0x45: {  	v3 =	vld [tilespmem:$0x1FFC0];
	_ =	sdelay $0x7  }
0x46: {  	v3 =	vld.idx.msk [tilespmem:v3+s18+$0x0], $0xffff;
	_ =	sdelay $0x4  }
0x47: {  	v3 =	vadd.s32 v1, v3;
	_ =	sdelay $0x4  }
0x48: {  	[tilespmem:v3+s12+$0x0] =	vst.idx.add.s32.msk $0xffff, v2  }
0x49: {  	v3 =	vld [tilespmem:$0x1FFD0];
	_ =	sdelay $0x7  }
0x4a: {  	v3 =	vld.idx.msk [tilespmem:v3+s18+$0x0], $0xffff;
	_ =	sdelay $0x4  }
0x4b: {  	v3 =	vadd.s32 v1, v3;
	_ =	sdelay $0x4  }
0x4c: {  	[tilespmem:v3+s12+$0x0] =	vst.idx.add.s32.msk $0xffff, v2  }
0x4d: {  	v3 =	vld [tilespmem:$0x1FFE0];
	_ =	sdelay $0x7  }
0x4e: {  	v3 =	vld.idx.msk [tilespmem:v3+s18+$0x0], $0xffff;
	_ =	sdelay $0x4  }
0x4f: {  	v3 =	vadd.s32 v1, v3;
	_ =	sdelay $0x4  }
0x50: {  	[tilespmem:v3+s12+$0x0] =	vst.idx.add.s32.msk $0xffff, v2  }
0x51: {  	v3 =	vld [tilespmem:$0x1FFF0];
	_ =	sdelay $0x7  }
0x52: {  	v3 =	vld.idx.msk [tilespmem:v3+s18+$0x0], $0xffff;
	_ =	sdelay $0x4  }
0x53: {  	v3 =	vadd.s32 v1, v3;
	_ =	sdelay $0x4  }
0x54: {  	[tilespmem:v3+s12+$0x0] =	vst.idx.add.s32.msk $0xffff, v2  }
0x55: {  	v3 =	vld.idx.msk [tilespmem:v9+s18+$0x0], $0xffff;
	_ =	sdelay $0x4  }
0x56: {  	v3 =	vadd.s32 v1, v3;
	_ =	sdelay $0x4  }
0x57: {  	[tilespmem:v3+s12+$0x0] =	vst.idx.add.s32.msk $0xffff, v2  }
0x58: {  	v3 =	vld.idx.msk [tilespmem:v10+s18+$0x0], $0xffff;
	_ =	sdelay $0x4  }
0x59: {  	v3 =	vadd.s32 v1, v3;
	_ =	sdelay $0x4  }
0x5a: {  	[tilespmem:v3+s12+$0x0] =	vst.idx.add.s32.msk $0xffff, v2  }
0x5b: {  	v3 =	vld.idx.msk [tilespmem:v11+s18+$0x0], $0xffff;
	_ =	sdelay $0x4  }
0x5c: {  	v3 =	vadd.s32 v1, v3;
	_ =	sdelay $0x4  }
0x5d: {  	[tilespmem:v3+s12+$0x0] =	vst.idx.add.s32.msk $0xffff, v2  }
0x5e: {  	v3 =	vld.idx.msk [tilespmem:v12+s18+$0x0], $0xffff;
	_ =	sdelay $0x4  }
0x5f: {  	v3 =	vadd.s32 v1, v3;
	_ =	sdelay $0x4  }
0x60: {  	[tilespmem:v3+s12+$0x0] =	vst.idx.add.s32.msk $0xffff, v2  }
0x61: {  	v3 =	vld.idx.msk [tilespmem:v13+s18+$0x0], $0xffff;
	_ =	sdelay $0x4  }
0x62: {  	v3 =	vadd.s32 v1, v3;
	_ =	sdelay $0x4  }
0x63: {  	[tilespmem:v3+s12+$0x0] =	vst.idx.add.s32.msk $0xffff, v2  }
0x64: {  	v3 =	vld.idx.msk [tilespmem:v14+s18+$0x0], $0xffff;
	_ =	sdelay $0x4  }
0x65: {  	v3 =	vadd.s32 v1, v3;
	_ =	sdelay $0x4  }
0x66: {  	[tilespmem:v3+s12+$0x0] =	vst.idx.add.s32.msk $0xffff, v2  }
0x67: {  	v3 =	vld.idx.msk [tilespmem:v15+s18+$0x0], $0xffff;
	_ =	sdelay $0x4  }
0x68: {  	v3 =	vadd.s32 v1, v3;
	_ =	sdelay $0x4  }
0x69: {  	[tilespmem:v3+s12+$0x0] =	vst.idx.add.s32.msk $0xffff, v2  }
0x6a: {  	v3 =	vld.idx.msk [tilespmem:v16+s18+$0x0], $0xffff;
	_ =	sdelay $0x4  }
0x6b: {  	v3 =	vadd.s32 v1, v3;
	_ =	sdelay $0x4  }
0x6c: {  	[tilespmem:v3+s12+$0x0] =	vst.idx.add.s32.msk $0xffff, v2  }
0x6d: {  	v3 =	vld.idx.msk [tilespmem:v17+s18+$0x0], $0xffff;
	_ =	sdelay $0x4  }
0x6e: {  	v3 =	vadd.s32 v1, v3;
	_ =	sdelay $0x4  }
0x6f: {  	[tilespmem:v3+s12+$0x0] =	vst.idx.add.s32.msk $0xffff, v2  }
0x70: {  	v3 =	vld.idx.msk [tilespmem:v18+s18+$0x0], $0xffff;
	_ =	sdelay $0x4  }
0x71: {  	v3 =	vadd.s32 v1, v3;
	_ =	sdelay $0x4  }
0x72: {  	[tilespmem:v3+s12+$0x0] =	vst.idx.add.s32.msk $0xffff, v2  }
0x73: {  	v3 =	vld.idx.msk [tilespmem:v19+s18+$0x0], $0xffff;
	_ =	sdelay $0x4  }
0x74: {  	v3 =	vadd.s32 v1, v3;
	_ =	sdelay $0x4  }
0x75: {  	[tilespmem:v3+s12+$0x0] =	vst.idx.add.s32.msk $0xffff, v2  }
0x76: {  	v3 =	vld.idx.msk [tilespmem:v20+s18+$0x0], $0xffff;
	_ =	sdelay $0x4  }
0x77: {  	v3 =	vadd.s32 v1, v3;
	_ =	sdelay $0x4  }
0x78: {  	[tilespmem:v3+s12+$0x0] =	vst.idx.add.s32.msk $0xffff, v2  }
0x79: {  	v3 =	vld.idx.msk [tilespmem:v21+s18+$0x0], $0xffff;
	_ =	sdelay $0x4  }
0x7a: {  	v3 =	vadd.s32 v1, v3;
	_ =	sdelay $0x4  }
0x7b: {  	[tilespmem:v3+s12+$0x0] =	vst.idx.add.s32.msk $0xffff, v2  }
0x7c: {  	v3 =	vld.idx.msk [tilespmem:v22+s18+$0x0], $0xffff;
	_ =	sdelay $0x4  }
0x7d: {  	v3 =	vadd.s32 v1, v3;
	_ =	sdelay $0x4  }
0x7e: {  	[tilespmem:v3+s12+$0x0] =	vst.idx.add.s32.msk $0xffff, v2  }
0x7f: {  	v3 =	vld.idx.msk [tilespmem:v23+s18+$0x0], $0xffff;
	_ =	sdelay $0x4  }
0x80: {  	v3 =	vadd.s32 v1, v3;
	_ =	sdelay $0x4  }
0x81: {  	[tilespmem:v3+s12+$0x0] =	vst.idx.add.s32.msk $0xffff, v2  }
0x82: {  	v3 =	vld.idx.msk [tilespmem:v24+s18+$0x0], $0xffff;
	_ =	sdelay $0x4  }
0x83: {  	v3 =	vadd.s32 v1, v3;
	_ =	sdelay $0x4  }
0x84: {  	[tilespmem:v3+s12+$0x0] =	vst.idx.add.s32.msk $0xffff, v2  }
0x85: {  	v3 =	vld.idx.msk [tilespmem:v25+s18+$0x0], $0xffff;
	_ =	sdelay $0x4  }
0x86: {  	v3 =	vadd.s32 v1, v3;
	_ =	sdelay $0x4  }
0x87: {  	[tilespmem:v3+s12+$0x0] =	vst.idx.add.s32.msk $0xffff, v2  }
0x88: {  	v3 =	vld.idx.msk [tilespmem:v26+s18+$0x0], $0xffff;
	_ =	sdelay $0x4  }
0x89: {  	v3 =	vadd.s32 v1, v3;
	_ =	sdelay $0x4  }
0x8a: {  	[tilespmem:v3+s12+$0x0] =	vst.idx.add.s32.msk $0xffff, v2  }
0x8b: {  	v3 =	vld.idx.msk [tilespmem:v27+s18+$0x0], $0xffff;
	_ =	sdelay $0x4  }
0x8c: {  	v3 =	vadd.s32 v1, v3;
	_ =	sdelay $0x4  }
0x8d: {  	[tilespmem:v3+s12+$0x0] =	vst.idx.add.s32.msk $0xffff, v2  }
0x8e: {  	v3 =	vld.idx.msk [tilespmem:v28+s18+$0x0], $0xffff;
	_ =	sdelay $0x4  }
0x8f: {  	v3 =	vadd.s32 v1, v3;
	_ =	sdelay $0x4  }
0x90: {  	[tilespmem:v3+s12+$0x0] =	vst.idx.add.s32.msk $0xffff, v2  }
0x91: {  	v3 =	vld.idx.msk [tilespmem:v29+s18+$0x0], $0xffff;
	_ =	sdelay $0x4  }
0x92: {  	v3 =	vadd.s32 v1, v3;
	_ =	sdelay $0x4  }
0x93: {  	[tilespmem:v3+s12+$0x0] =	vst.idx.add.s32.msk $0xffff, v2  }
0x94: {  	v3 =	vld.idx.msk [tilespmem:v30+s18+$0x0], $0xffff;
	_ =	sdelay $0x4  }
0x95: {  	v3 =	vadd.s32 v1, v3;
	_ =	sdelay $0x4  }
0x96: {  	[tilespmem:v3+s12+$0x0] =	vst.idx.add.s32.msk $0xffff, v2  }
0x97: {  	v3 =	vld.idx.msk [tilespmem:v31+s18+$0x0], $0xffff;
	_ =	sdelay $0x4  }
0x98: {  	v3 =	vadd.s32 v1, v3;
	_ =	sdelay $0x4  }
0x99: {  	[tilespmem:v3+s12+$0x0] =	vst.idx.add.s32.msk $0xffff, v2  }
0x9a: {  	v3 =	vld.idx.msk [tilespmem:v32+s18+$0x0], $0xffff;
	_ =	sdelay $0x4  }
0x9b: {  	v3 =	vadd.s32 v1, v3;
	_ =	sdelay $0x4  }
0x9c: {  	[tilespmem:v3+s12+$0x0] =	vst.idx.add.s32.msk $0xffff, v2  }
0x9d: {  	v3 =	vld.idx.msk [tilespmem:v33+s18+$0x0], $0xffff;
	_ =	sdelay $0x4  }
0x9e: {  	v3 =	vadd.s32 v1, v3;
	_ =	sdelay $0x4  }
0x9f: {  	[tilespmem:v3+s12+$0x0] =	vst.idx.add.s32.msk $0xffff, v2  }
0xa0: {  	v3 =	vld.idx.msk [tilespmem:v34+s18+$0x0], $0xffff;
	_ =	sdelay $0x4  }
0xa1: {  	v3 =	vadd.s32 v1, v3;
	_ =	sdelay $0x4  }
0xa2: {  	[tilespmem:v3+s12+$0x0] =	vst.idx.add.s32.msk $0xffff, v2  }
0xa3: {  	v3 =	vld.idx.msk [tilespmem:v35+s18+$0x0], $0xffff;
	_ =	sdelay $0x4  }
0xa4: {  	v3 =	vadd.s32 v1, v3;
	_ =	sdelay $0x4  }
0xa5: {  	[tilespmem:v3+s12+$0x0] =	vst.idx.add.s32.msk $0xffff, v2  }
0xa6: {  	v3 =	vld.idx.msk [tilespmem:v36+s18+$0x0], $0xffff;
	_ =	sdelay $0x4  }
0xa7: {  	v3 =	vadd.s32 v1, v3;
	_ =	sdelay $0x4  }
0xa8: {  	[tilespmem:v3+s12+$0x0] =	vst.idx.add.s32.msk $0xffff, v2  }
0xa9: {  	v3 =	vld.idx.msk [tilespmem:v37+s18+$0x0], $0xffff;
	_ =	sdelay $0x4  }
0xaa: {  	v3 =	vadd.s32 v1, v3;
	_ =	sdelay $0x4  }
0xab: {  	[tilespmem:v3+s12+$0x0] =	vst.idx.add.s32.msk $0xffff, v2  }
0xac: {  	v3 =	vld.idx.msk [tilespmem:v38+s18+$0x0], $0xffff;
	_ =	sdelay $0x4  }
0xad: {  	v3 =	vadd.s32 v1, v3;
	_ =	sdelay $0x4  }
0xae: {  	[tilespmem:v3+s12+$0x0] =	vst.idx.add.s32.msk $0xffff, v2  }
0xaf: {  	v3 =	vld.idx.msk [tilespmem:v39+s18+$0x0], $0xffff;
	_ =	sdelay $0x4  }
0xb0: {  	v3 =	vadd.s32 v1, v3;
	_ =	sdelay $0x4  }
0xb1: {  	[tilespmem:v3+s12+$0x0] =	vst.idx.add.s32.msk $0xffff, v2  }
0xb2: {  	v3 =	vld.idx.msk [tilespmem:v40+s18+$0x0], $0xffff;
	_ =	sdelay $0x4  }
0xb3: {  	v3 =	vadd.s32 v1, v3;
	_ =	sdelay $0x4  }
0xb4: {  	[tilespmem:v3+s12+$0x0] =	vst.idx.add.s32.msk $0xffff, v2  }
0xb5: {  	v3 =	vld.idx.msk [tilespmem:v41+s18+$0x0], $0xffff;
	_ =	sdelay $0x4  }
0xb6: {  	v3 =	vadd.s32 v1, v3;
	_ =	sdelay $0x4  }
0xb7: {  	[tilespmem:v3+s12+$0x0] =	vst.idx.add.s32.msk $0xffff, v2  }
0xb8: {  	v3 =	vld.idx.msk [tilespmem:v42+s18+$0x0], $0xffff;
	_ =	sdelay $0x4  }
0xb9: {  	v3 =	vadd.s32 v1, v3;
	_ =	sdelay $0x4  }
0xba: {  	[tilespmem:v3+s12+$0x0] =	vst.idx.add.s32.msk $0xffff, v2  }
0xbb: {  	v3 =	vld.idx.msk [tilespmem:v43+s18+$0x0], $0xffff;
	_ =	sdelay $0x4  }
0xbc: {  	v3 =	vadd.s32 v1, v3;
	_ =	sdelay $0x4  }
0xbd: {  	[tilespmem:v3+s12+$0x0] =	vst.idx.add.s32.msk $0xffff, v2  }
0xbe: {  	v3 =	vld.idx.msk [tilespmem:v44+s18+$0x0], $0xffff;
	_ =	sdelay $0x4  }
0xbf: {  	v3 =	vadd.s32 v1, v3;
	_ =	sdelay $0x4  }
0xc0: {  	[tilespmem:v3+s12+$0x0] =	vst.idx.add.s32.msk $0xffff, v2  }
0xc1: {  	v3 =	vld.idx.msk [tilespmem:v45+s18+$0x0], $0xffff;
	_ =	sdelay $0x4  }
0xc2: {  	v3 =	vadd.s32 v1, v3;
	_ =	sdelay $0x4  }
0xc3: {  	[tilespmem:v3+s12+$0x0] =	vst.idx.add.s32.msk $0xffff, v2  }
0xc4: {  	v3 =	vld.idx.msk [tilespmem:v46+s18+$0x0], $0xffff;
	_ =	sdelay $0x4  }
0xc5: {  	v3 =	vadd.s32 v1, v3;
	_ =	sdelay $0x4  }
0xc6: {  	[tilespmem:v3+s12+$0x0] =	vst.idx.add.s32.msk $0xffff, v2  }
0xc7: {  	v3 =	vld.idx.msk [tilespmem:v47+s18+$0x0], $0xffff;
	_ =	sdelay $0x4  }
0xc8: {  	v3 =	vadd.s32 v1, v3;
	_ =	sdelay $0x4  }
0xc9: {  	[tilespmem:v3+s12+$0x0] =	vst.idx.add.s32.msk $0xffff, v2  }
0xca: {  	v3 =	vld.idx.msk [tilespmem:v48+s18+$0x0], $0xffff;
	_ =	sdelay $0x4  }
0xcb: {  	v3 =	vadd.s32 v1, v3;
	_ =	sdelay $0x4  }
0xcc: {  	[tilespmem:v3+s12+$0x0] =	vst.idx.add.s32.msk $0xffff, v2  }
0xcd: {  	v3 =	vld.idx.msk [tilespmem:v49+s18+$0x0], $0xffff;
	_ =	sdelay $0x4  }
0xce: {  	v3 =	vadd.s32 v1, v3;
	_ =	sdelay $0x4  }
0xcf: {  	[tilespmem:v3+s12+$0x0] =	vst.idx.add.s32.msk $0xffff, v2  }
0xd0: {  	v3 =	vld.idx.msk [tilespmem:v50+s18+$0x0], $0xffff;
	_ =	sdelay $0x4  }
0xd1: {  	v3 =	vadd.s32 v1, v3;
	_ =	sdelay $0x4  }
0xd2: {  	[tilespmem:v3+s12+$0x0] =	vst.idx.add.s32.msk $0xffff, v2  }
0xd3: {  	v3 =	vld.idx.msk [tilespmem:v51+s18+$0x0], $0xffff;
	_ =	sdelay $0x4  }
0xd4: {  	v3 =	vadd.s32 v1, v3;
	_ =	sdelay $0x4  }
0xd5: {  	[tilespmem:v3+s12+$0x0] =	vst.idx.add.s32.msk $0xffff, v2  }
0xd6: {  	v3 =	vld.idx.msk [tilespmem:v52+s18+$0x0], $0xffff;
	_ =	sdelay $0x4  }
0xd7: {  	v3 =	vadd.s32 v1, v3;
	_ =	sdelay $0x4  }
0xd8: {  	[tilespmem:v3+s12+$0x0] =	vst.idx.add.s32.msk $0xffff, v2  }
0xd9: {  	v3 =	vld.idx.msk [tilespmem:v53+s18+$0x0], $0xffff;
	_ =	sdelay $0x4  }
0xda: {  	v3 =	vadd.s32 v1, v3;
	_ =	sdelay $0x4  }
0xdb: {  	[tilespmem:v3+s12+$0x0] =	vst.idx.add.s32.msk $0xffff, v2  }
0xdc: {  	v3 =	vld.idx.msk [tilespmem:v54+s18+$0x0], $0xffff;
	_ =	sdelay $0x4  }
0xdd: {  	v3 =	vadd.s32 v1, v3;
	_ =	sdelay $0x4  }
0xde: {  	[tilespmem:v3+s12+$0x0] =	vst.idx.add.s32.msk $0xffff, v2  }
0xdf: {  	v3 =	vld.idx.msk [tilespmem:v55+s18+$0x0], $0xffff;
	_ =	sdelay $0x4  }
0xe0: {  	v3 =	vadd.s32 v1, v3;
	_ =	sdelay $0x4  }
0xe1: {  	[tilespmem:v3+s12+$0x0] =	vst.idx.add.s32.msk $0xffff, v2  }
0xe2: {  	v3 =	vld.idx.msk [tilespmem:v56+s18+$0x0], $0xffff;
	_ =	sdelay $0x4  }
0xe3: {  	v3 =	vadd.s32 v1, v3;
	_ =	sdelay $0x4  }
0xe4: {  	[tilespmem:v3+s12+$0x0] =	vst.idx.add.s32.msk $0xffff, v2  }
0xe5: {  	v3 =	vld.idx.msk [tilespmem:v57+s18+$0x0], $0xffff;
	_ =	sdelay $0x4  }
0xe6: {  	v3 =	vadd.s32 v1, v3;
	_ =	sdelay $0x4  }
0xe7: {  	[tilespmem:v3+s12+$0x0] =	vst.idx.add.s32.msk $0xffff, v2  }
0xe8: {  	v3 =	vld.idx.msk [tilespmem:v58+s18+$0x0], $0xffff;
	_ =	sdelay $0x4  }
0xe9: {  	v3 =	vadd.s32 v1, v3;
	_ =	sdelay $0x4  }
0xea: {  	[tilespmem:v3+s12+$0x0] =	vst.idx.add.s32.msk $0xffff, v2  }
0xeb: {  	v3 =	vld.idx.msk [tilespmem:v59+s18+$0x0], $0xffff;
	_ =	sdelay $0x4  }
0xec: {  	v3 =	vadd.s32 v1, v3;
	_ =	sdelay $0x4  }
0xed: {  	[tilespmem:v3+s12+$0x0] =	vst.idx.add.s32.msk $0xffff, v2  }
0xee: {  	v3 =	vld.idx.msk [tilespmem:v60+s18+$0x0], $0xffff;
	_ =	sdelay $0x4  }
0xef: {  	v3 =	vadd.s32 v1, v3;
	_ =	sdelay $0x4  }
0xf0: {  	[tilespmem:v3+s12+$0x0] =	vst.idx.add.s32.msk $0xffff, v2  }
0xf1: {  	v3 =	vld.idx.msk [tilespmem:v61+s18+$0x0], $0xffff;
	_ =	sdelay $0x4  }
0xf2: {  	v3 =	vadd.s32 v1, v3;
	_ =	sdelay $0x4  }
0xf3: {  	[tilespmem:v3+s12+$0x0] =	vst.idx.add.s32.msk $0xffff, v2  }
0xf4: {  	v3 =	vld.idx.msk [tilespmem:v62+s18+$0x0], $0xffff;
	_ =	sdelay $0x4  }
0xf5: {  	v3 =	vadd.s32 v1, v3  }
0xf6: {  	v4 =	vor.u32 $0xE05, v0;
	_ =	sdelay $0x3  }
0xf7: {  	[tilespmem:v3+s12+$0x0] =	vst.idx.add.s32.msk $0xffff, v2  }
0xf8: {  	v3 =	vld.idx.msk [tilespmem:v4+s18+$0x0], $0xffff;
	_ =	sdelay $0x4  }
0xf9: {  	v3 =	vadd.s32 v1, v3  }
0xfa: {  	v4 =	vor.u32 $0xE06, v0;
	_ =	sdelay $0x3  }
0xfb: {  	[tilespmem:v3+s12+$0x0] =	vst.idx.add.s32.msk $0xffff, v2  }
0xfc: {  	v3 =	vld.idx.msk [tilespmem:v4+s18+$0x0], $0xffff;
	_ =	sdelay $0x4  }
0xfd: {  	v3 =	vadd.s32 v1, v3  }
0xfe: {  	v4 =	vor.u32 $0xE07, v0;
	_ =	sdelay $0x3  }
0xff: {  	[tilespmem:v3+s12+$0x0] =	vst.idx.add.s32.msk $0xffff, v2  }
0x100: {  	v3 =	vld.idx.msk [tilespmem:v4+s18+$0x0], $0xffff;
	_ =	sdelay $0x4  }
0x101: {  	v3 =	vadd.s32 v1, v3;
	_ =	sdelay $0x2  }
0x102: {  	v4 =	vadd.s32 s18, v1;
	_ =	sdelay $0x1  }
0x103: {  	[tilespmem:v3+s12+$0x0] =	vst.idx.add.s32.msk $0xffff, v2;
	v3 =	vmov s18;
	_ =	sdelay $0x1  }
0x104: {  	s19 =	simm.s32 $0x1  }
0x105: {  	v5 =	vadd.s32 s19, v1;
	v7 =	vld.idx.msk [tilespmem:v4+s12+$0x0], $0xffff;
	_ =	sdelay $0x1  }
0x106: {  	v6 =	vmov s19;
	v4 =	vld.idx.msk [tilespmem:v3+s8+$0x0], $0xffff;
	_ =	sdelay $0x2  }
0x107: {  	s20 =	simm.s32 $0x2;
	v5 =	vld.idx.msk [tilespmem:v5+s12+$0x0], $0xffff;
	v3 =	vimm.f32 $-Inf;
	v7 =	vcvt.s32.f32 v7  }
.LBB2_3:
0x108: {  	v8 =	vadd.s32 s20, v1;
	p0 =	sne.s32 s20, $0x13;
	s21 =	smov.u32 s20;
	s20 =	sadd.s32 $0x1, s20  }
.Ltmp0:
0x109: {  	v7 =	vmul.f32 v7, v4;
	v4 =	vld.idx.msk [tilespmem:v6+s8+$0x0], $0xffff;
	(pc) =	sbr.rel @p0 .LBB2_3-.Ltmp0, $4  }
0x10a: {  	v6 =	vmov s21  }
0x10b: {  	vm0 =	vgt.f32 v7, v3  }
0x10c: {  	v3 =	vsel vm0, v7, v3;
	v63 =	vsel vm0, s18, v63;
	s18 =	smov.u32 s19;
	s19 =	smov.u32 s21  }
0x10d: {  	v7 =	vcvt.s32.f32 v5;
	v5 =	vld.idx.msk [tilespmem:v8+s12+$0x0], $0xffff  }
0x10e: {  	_ = 	snop  }
0x10f: {  	v4 =	vmul.f32 v7, v4;
	_ =	sdelay $0x1  }
0x110: {  	vm0 =	vgt.f32 v4, v3  }
0x111: {  	v3 =	vsel vm0, v4, v3;
	v4 =	vsel vm0, s18, v63;
	v63 =	vimm.s32 $0x0  }
0x112: {  	v6 =	vld.idx.msk [tilespmem:v6+s8+$0x0], $0xffff;
	[tilespmem:$0x1000] =	vst v63  }
0x113: {  	[tilespmem:$0x1010] =	vst v63  }
0x114: {  	[tilespmem:$0x1020] =	vst v63  }
0x115: {  	[tilespmem:$0x1030] =	vst v63  }
0x116: {  	[tilespmem:$0x1040] =	vst v63  }
0x117: {  	[tilespmem:$0x1050] =	vst v63  }
0x118: {  	[tilespmem:$0x1060] =	vst v63  }
0x119: {  	[tilespmem:$0x1070] =	vst v63  }
0x11a: {  	[tilespmem:$0x1080] =	vst v63  }
0x11b: {  	[tilespmem:$0x1090] =	vst v63  }
0x11c: {  	v5 =	vcvt.s32.f32 v5;
	[tilespmem:$0x10A0] =	vst v63  }
0x11d: {  	[tilespmem:$0x10B0] =	vst v63  }
0x11e: {  	[tilespmem:$0x10C0] =	vst v63;
	v5 =	vmul.f32 v5, v6  }
0x11f: {  	[tilespmem:$0x10D0] =	vst v63  }
0x120: {  	[tilespmem:$0x10E0] =	vst v63;
	vm15 =	vgt.f32 v5, v3  }
0x121: {  	[tilespmem:$0x10F0] =	vst v63;
	v3 =	vsel vm15, s19, v4  }
0x122: {  	[tilespmem:$0x1180] =	vst v3;
	v3 =	vor.u32 $0x80, v0  }
0x123: {  	[tilespmem:$0x1100] =	vst v63  }
0x124: {  	[tilespmem:$0x1110] =	vst v63  }
0x125: {  	[tilespmem:$0x1120] =	vst v63  }
0x126: {  	s18 =	simm.s32 $0x0;
	[tilespmem:$0x1130] =	vst v63  }
0x127: {  	v3 =	vld.idx.msk [tilespmem:v3+s18+$0x0], $0xffff;
	_ =	sdelay $0x4  }
0x128: {  	v3 =	vadd.s32 v1, v3  }
0x129: {  	v4 =	vor.u32 $0x81, v0;
	_ =	sdelay $0x3  }
0x12a: {  	[tilespmem:v3+s12+$0x0] =	vst.idx.add.s32.msk $0xffff, v2  }
0x12b: {  	v3 =	vld.idx.msk [tilespmem:v4+s18+$0x0], $0xffff;
	_ =	sdelay $0x4  }
0x12c: {  	v3 =	vadd.s32 v1, v3  }
0x12d: {  	v4 =	vor.u32 $0x82, v0;
	_ =	sdelay $0x3  }
0x12e: {  	[tilespmem:v3+s12+$0x0] =	vst.idx.add.s32.msk $0xffff, v2  }
0x12f: {  	v3 =	vld.idx.msk [tilespmem:v4+s18+$0x0], $0xffff;
	_ =	sdelay $0x4  }
0x130: {  	v3 =	vadd.s32 v1, v3  }
0x131: {  	v4 =	vor.u32 $0x83, v0;
	_ =	sdelay $0x3  }
0x132: {  	[tilespmem:v3+s12+$0x0] =	vst.idx.add.s32.msk $0xffff, v2  }
0x133: {  	v3 =	vld.idx.msk [tilespmem:v4+s18+$0x0], $0xffff;
	_ =	sdelay $0x4  }
0x134: {  	v3 =	vadd.s32 v1, v3  }
0x135: {  	v4 =	vor.u32 $0x84, v0;
	_ =	sdelay $0x3  }
0x136: {  	[tilespmem:v3+s12+$0x0] =	vst.idx.add.s32.msk $0xffff, v2  }
0x137: {  	v3 =	vld.idx.msk [tilespmem:v4+s18+$0x0], $0xffff;
	_ =	sdelay $0x4  }
0x138: {  	v3 =	vadd.s32 v1, v3  }
0x139: {  	v4 =	vor.u32 $0x85, v0;
	_ =	sdelay $0x3  }
0x13a: {  	[tilespmem:v3+s12+$0x0] =	vst.idx.add.s32.msk $0xffff, v2  }
0x13b: {  	v3 =	vld.idx.msk [tilespmem:v4+s18+$0x0], $0xffff;
	_ =	sdelay $0x4  }
0x13c: {  	v3 =	vadd.s32 v1, v3  }
0x13d: {  	v4 =	vor.u32 $0x86, v0;
	_ =	sdelay $0x3  }
0x13e: {  	[tilespmem:v3+s12+$0x0] =	vst.idx.add.s32.msk $0xffff, v2  }
0x13f: {  	v3 =	vld.idx.msk [tilespmem:v4+s18+$0x0], $0xffff;
	_ =	sdelay $0x4  }
0x140: {  	v3 =	vadd.s32 v1, v3  }
0x141: {  	v4 =	vor.u32 $0x87, v0;
	_ =	sdelay $0x3  }
0x142: {  	[tilespmem:v3+s12+$0x0] =	vst.idx.add.s32.msk $0xffff, v2  }
0x143: {  	v3 =	vld.idx.msk [tilespmem:v4+s18+$0x0], $0xffff;
	_ =	sdelay $0x4  }
0x144: {  	v3 =	vadd.s32 v1, v3  }
0x145: {  	v4 =	vor.u32 $0x280, v0;
	_ =	sdelay $0x3  }
0x146: {  	[tilespmem:v3+s12+$0x0] =	vst.idx.add.s32.msk $0xffff, v2  }
0x147: {  	v3 =	vld.idx.msk [tilespmem:v4+s18+$0x0], $0xffff;
	_ =	sdelay $0x4  }
0x148: {  	v3 =	vadd.s32 v1, v3  }
0x149: {  	v4 =	vor.u32 $0x281, v0;
	_ =	sdelay $0x3  }
0x14a: {  	[tilespmem:v3+s12+$0x0] =	vst.idx.add.s32.msk $0xffff, v2  }
0x14b: {  	v3 =	vld.idx.msk [tilespmem:v4+s18+$0x0], $0xffff;
	_ =	sdelay $0x4  }
0x14c: {  	v3 =	vadd.s32 v1, v3  }
0x14d: {  	v4 =	vor.u32 $0x282, v0;
	_ =	sdelay $0x3  }
0x14e: {  	[tilespmem:v3+s12+$0x0] =	vst.idx.add.s32.msk $0xffff, v2  }
0x14f: {  	v3 =	vld.idx.msk [tilespmem:v4+s18+$0x0], $0xffff;
	_ =	sdelay $0x4  }
0x150: {  	v3 =	vadd.s32 v1, v3  }
0x151: {  	v4 =	vor.u32 $0x283, v0;
	_ =	sdelay $0x3  }
0x152: {  	[tilespmem:v3+s12+$0x0] =	vst.idx.add.s32.msk $0xffff, v2  }
0x153: {  	v3 =	vld.idx.msk [tilespmem:v4+s18+$0x0], $0xffff;
	_ =	sdelay $0x4  }
0x154: {  	v3 =	vadd.s32 v1, v3  }
0x155: {  	v4 =	vor.u32 $0x284, v0;
	_ =	sdelay $0x3  }
0x156: {  	[tilespmem:v3+s12+$0x0] =	vst.idx.add.s32.msk $0xffff, v2  }
0x157: {  	v3 =	vld.idx.msk [tilespmem:v4+s18+$0x0], $0xffff;
	_ =	sdelay $0x4  }
0x158: {  	v3 =	vadd.s32 v1, v3  }
0x159: {  	v4 =	vor.u32 $0x285, v0;
	_ =	sdelay $0x3  }
0x15a: {  	[tilespmem:v3+s12+$0x0] =	vst.idx.add.s32.msk $0xffff, v2  }
0x15b: {  	v3 =	vld.idx.msk [tilespmem:v4+s18+$0x0], $0xffff;
	_ =	sdelay $0x4  }
0x15c: {  	v3 =	vadd.s32 v1, v3  }
0x15d: {  	v4 =	vor.u32 $0x286, v0;
	_ =	sdelay $0x3  }
0x15e: {  	[tilespmem:v3+s12+$0x0] =	vst.idx.add.s32.msk $0xffff, v2  }
0x15f: {  	v3 =	vld.idx.msk [tilespmem:v4+s18+$0x0], $0xffff;
	_ =	sdelay $0x4  }
0x160: {  	v3 =	vadd.s32 v1, v3  }
0x161: {  	v4 =	vor.u32 $0x287, v0;
	_ =	sdelay $0x3  }
0x162: {  	[tilespmem:v3+s12+$0x0] =	vst.idx.add.s32.msk $0xffff, v2  }
0x163: {  	v3 =	vld.idx.msk [tilespmem:v4+s18+$0x0], $0xffff;
	_ =	sdelay $0x4  }
0x164: {  	v3 =	vadd.s32 v1, v3  }
0x165: {  	v4 =	vor.u32 $0x480, v0;
	_ =	sdelay $0x3  }
0x166: {  	[tilespmem:v3+s12+$0x0] =	vst.idx.add.s32.msk $0xffff, v2  }
0x167: {  	v3 =	vld.idx.msk [tilespmem:v4+s18+$0x0], $0xffff;
	_ =	sdelay $0x4  }
0x168: {  	v3 =	vadd.s32 v1, v3  }
0x169: {  	v4 =	vor.u32 $0x481, v0;
	_ =	sdelay $0x3  }
0x16a: {  	[tilespmem:v3+s12+$0x0] =	vst.idx.add.s32.msk $0xffff, v2  }
0x16b: {  	v3 =	vld.idx.msk [tilespmem:v4+s18+$0x0], $0xffff;
	_ =	sdelay $0x4  }
0x16c: {  	v3 =	vadd.s32 v1, v3  }
0x16d: {  	v4 =	vor.u32 $0x482, v0;
	_ =	sdelay $0x3  }
0x16e: {  	[tilespmem:v3+s12+$0x0] =	vst.idx.add.s32.msk $0xffff, v2  }
0x16f: {  	v3 =	vld.idx.msk [tilespmem:v4+s18+$0x0], $0xffff;
	_ =	sdelay $0x4  }
0x170: {  	v3 =	vadd.s32 v1, v3  }
0x171: {  	v4 =	vor.u32 $0x483, v0;
	_ =	sdelay $0x3  }
0x172: {  	[tilespmem:v3+s12+$0x0] =	vst.idx.add.s32.msk $0xffff, v2  }
0x173: {  	v3 =	vld.idx.msk [tilespmem:v4+s18+$0x0], $0xffff;
	_ =	sdelay $0x4  }
0x174: {  	v3 =	vadd.s32 v1, v3  }
0x175: {  	v4 =	vor.u32 $0x484, v0;
	_ =	sdelay $0x3  }
0x176: {  	[tilespmem:v3+s12+$0x0] =	vst.idx.add.s32.msk $0xffff, v2  }
0x177: {  	v3 =	vld.idx.msk [tilespmem:v4+s18+$0x0], $0xffff;
	_ =	sdelay $0x4  }
0x178: {  	v3 =	vadd.s32 v1, v3  }
0x179: {  	v4 =	vor.u32 $0x485, v0;
	_ =	sdelay $0x3  }
0x17a: {  	[tilespmem:v3+s12+$0x0] =	vst.idx.add.s32.msk $0xffff, v2  }
0x17b: {  	v3 =	vld.idx.msk [tilespmem:v4+s18+$0x0], $0xffff;
	_ =	sdelay $0x4  }
0x17c: {  	v3 =	vadd.s32 v1, v3  }
0x17d: {  	v4 =	vor.u32 $0x486, v0;
	_ =	sdelay $0x3  }
0x17e: {  	[tilespmem:v3+s12+$0x0] =	vst.idx.add.s32.msk $0xffff, v2  }
0x17f: {  	v3 =	vld.idx.msk [tilespmem:v4+s18+$0x0], $0xffff;
	_ =	sdelay $0x4  }
0x180: {  	v3 =	vadd.s32 v1, v3  }
0x181: {  	v4 =	vor.u32 $0x487, v0;
	_ =	sdelay $0x3  }
0x182: {  	[tilespmem:v3+s12+$0x0] =	vst.idx.add.s32.msk $0xffff, v2  }
0x183: {  	v3 =	vld.idx.msk [tilespmem:v4+s18+$0x0], $0xffff;
	_ =	sdelay $0x4  }
0x184: {  	v3 =	vadd.s32 v1, v3  }
0x185: {  	v4 =	vor.u32 $0x680, v0;
	_ =	sdelay $0x3  }
0x186: {  	[tilespmem:v3+s12+$0x0] =	vst.idx.add.s32.msk $0xffff, v2  }
0x187: {  	v3 =	vld.idx.msk [tilespmem:v4+s18+$0x0], $0xffff;
	_ =	sdelay $0x4  }
0x188: {  	v3 =	vadd.s32 v1, v3  }
0x189: {  	v4 =	vor.u32 $0x681, v0;
	_ =	sdelay $0x3  }
0x18a: {  	[tilespmem:v3+s12+$0x0] =	vst.idx.add.s32.msk $0xffff, v2  }
0x18b: {  	v3 =	vld.idx.msk [tilespmem:v4+s18+$0x0], $0xffff;
	_ =	sdelay $0x4  }
0x18c: {  	v3 =	vadd.s32 v1, v3  }
0x18d: {  	v4 =	vor.u32 $0x682, v0;
	_ =	sdelay $0x3  }
0x18e: {  	[tilespmem:v3+s12+$0x0] =	vst.idx.add.s32.msk $0xffff, v2  }
0x18f: {  	v3 =	vld.idx.msk [tilespmem:v4+s18+$0x0], $0xffff;
	_ =	sdelay $0x4  }
0x190: {  	v3 =	vadd.s32 v1, v3  }
0x191: {  	v4 =	vor.u32 $0x683, v0;
	_ =	sdelay $0x3  }
0x192: {  	[tilespmem:v3+s12+$0x0] =	vst.idx.add.s32.msk $0xffff, v2  }
0x193: {  	v3 =	vld.idx.msk [tilespmem:v4+s18+$0x0], $0xffff;
	_ =	sdelay $0x4  }
0x194: {  	v3 =	vadd.s32 v1, v3  }
0x195: {  	v4 =	vor.u32 $0x684, v0;
	_ =	sdelay $0x3  }
0x196: {  	[tilespmem:v3+s12+$0x0] =	vst.idx.add.s32.msk $0xffff, v2  }
0x197: {  	v3 =	vld.idx.msk [tilespmem:v4+s18+$0x0], $0xffff;
	_ =	sdelay $0x4  }
0x198: {  	v3 =	vadd.s32 v1, v3  }
0x199: {  	v4 =	vor.u32 $0x685, v0;
	_ =	sdelay $0x3  }
0x19a: {  	[tilespmem:v3+s12+$0x0] =	vst.idx.add.s32.msk $0xffff, v2  }
0x19b: {  	v3 =	vld.idx.msk [tilespmem:v4+s18+$0x0], $0xffff;
	_ =	sdelay $0x4  }
0x19c: {  	v3 =	vadd.s32 v1, v3  }
0x19d: {  	v4 =	vor.u32 $0x686, v0;
	_ =	sdelay $0x3  }
0x19e: {  	[tilespmem:v3+s12+$0x0] =	vst.idx.add.s32.msk $0xffff, v2  }
0x19f: {  	v3 =	vld.idx.msk [tilespmem:v4+s18+$0x0], $0xffff;
	_ =	sdelay $0x4  }
0x1a0: {  	v3 =	vadd.s32 v1, v3  }
0x1a1: {  	v4 =	vor.u32 $0x687, v0;
	_ =	sdelay $0x3  }
0x1a2: {  	[tilespmem:v3+s12+$0x0] =	vst.idx.add.s32.msk $0xffff, v2  }
0x1a3: {  	v3 =	vld.idx.msk [tilespmem:v4+s18+$0x0], $0xffff;
	_ =	sdelay $0x4  }
0x1a4: {  	v3 =	vadd.s32 v1, v3  }
0x1a5: {  	v4 =	vor.u32 $0x880, v0;
	_ =	sdelay $0x3  }
0x1a6: {  	[tilespmem:v3+s12+$0x0] =	vst.idx.add.s32.msk $0xffff, v2  }
0x1a7: {  	v3 =	vld.idx.msk [tilespmem:v4+s18+$0x0], $0xffff;
	_ =	sdelay $0x4  }
0x1a8: {  	v3 =	vadd.s32 v1, v3  }
0x1a9: {  	v4 =	vor.u32 $0x881, v0;
	_ =	sdelay $0x3  }
0x1aa: {  	[tilespmem:v3+s12+$0x0] =	vst.idx.add.s32.msk $0xffff, v2  }
0x1ab: {  	v3 =	vld.idx.msk [tilespmem:v4+s18+$0x0], $0xffff;
	_ =	sdelay $0x4  }
0x1ac: {  	v3 =	vadd.s32 v1, v3  }
0x1ad: {  	v4 =	vor.u32 $0x882, v0;
	_ =	sdelay $0x3  }
0x1ae: {  	[tilespmem:v3+s12+$0x0] =	vst.idx.add.s32.msk $0xffff, v2  }
0x1af: {  	v3 =	vld.idx.msk [tilespmem:v4+s18+$0x0], $0xffff;
	_ =	sdelay $0x4  }
0x1b0: {  	v3 =	vadd.s32 v1, v3  }
0x1b1: {  	v4 =	vor.u32 $0x883, v0;
	_ =	sdelay $0x3  }
0x1b2: {  	[tilespmem:v3+s12+$0x0] =	vst.idx.add.s32.msk $0xffff, v2  }
0x1b3: {  	v3 =	vld.idx.msk [tilespmem:v4+s18+$0x0], $0xffff;
	_ =	sdelay $0x4  }
0x1b4: {  	v3 =	vadd.s32 v1, v3  }
0x1b5: {  	v4 =	vor.u32 $0x884, v0;
	_ =	sdelay $0x3  }
0x1b6: {  	[tilespmem:v3+s12+$0x0] =	vst.idx.add.s32.msk $0xffff, v2  }
0x1b7: {  	v3 =	vld.idx.msk [tilespmem:v4+s18+$0x0], $0xffff;
	_ =	sdelay $0x4  }
0x1b8: {  	v3 =	vadd.s32 v1, v3  }
0x1b9: {  	v4 =	vor.u32 $0x885, v0;
	_ =	sdelay $0x3  }
0x1ba: {  	[tilespmem:v3+s12+$0x0] =	vst.idx.add.s32.msk $0xffff, v2  }
0x1bb: {  	v3 =	vld.idx.msk [tilespmem:v4+s18+$0x0], $0xffff;
	_ =	sdelay $0x4  }
0x1bc: {  	v3 =	vadd.s32 v1, v3  }
0x1bd: {  	v4 =	vor.u32 $0x886, v0;
	_ =	sdelay $0x3  }
0x1be: {  	[tilespmem:v3+s12+$0x0] =	vst.idx.add.s32.msk $0xffff, v2  }
0x1bf: {  	v3 =	vld.idx.msk [tilespmem:v4+s18+$0x0], $0xffff;
	_ =	sdelay $0x4  }
0x1c0: {  	v3 =	vadd.s32 v1, v3  }
0x1c1: {  	v4 =	vor.u32 $0x887, v0;
	_ =	sdelay $0x3  }
0x1c2: {  	[tilespmem:v3+s12+$0x0] =	vst.idx.add.s32.msk $0xffff, v2  }
0x1c3: {  	v3 =	vld.idx.msk [tilespmem:v4+s18+$0x0], $0xffff;
	_ =	sdelay $0x4  }
0x1c4: {  	v3 =	vadd.s32 v1, v3  }
0x1c5: {  	v4 =	vor.u32 $0xA80, v0;
	_ =	sdelay $0x3  }
0x1c6: {  	[tilespmem:v3+s12+$0x0] =	vst.idx.add.s32.msk $0xffff, v2  }
0x1c7: {  	v3 =	vld.idx.msk [tilespmem:v4+s18+$0x0], $0xffff;
	_ =	sdelay $0x4  }
0x1c8: {  	v3 =	vadd.s32 v1, v3  }
0x1c9: {  	v4 =	vor.u32 $0xA81, v0;
	_ =	sdelay $0x3  }
0x1ca: {  	[tilespmem:v3+s12+$0x0] =	vst.idx.add.s32.msk $0xffff, v2  }
0x1cb: {  	v3 =	vld.idx.msk [tilespmem:v4+s18+$0x0], $0xffff;
	_ =	sdelay $0x4  }
0x1cc: {  	v3 =	vadd.s32 v1, v3  }
0x1cd: {  	v4 =	vor.u32 $0xA82, v0;
	_ =	sdelay $0x3  }
0x1ce: {  	[tilespmem:v3+s12+$0x0] =	vst.idx.add.s32.msk $0xffff, v2  }
0x1cf: {  	v3 =	vld.idx.msk [tilespmem:v4+s18+$0x0], $0xffff;
	_ =	sdelay $0x4  }
0x1d0: {  	v3 =	vadd.s32 v1, v3  }
0x1d1: {  	v4 =	vor.u32 $0xA83, v0;
	_ =	sdelay $0x3  }
0x1d2: {  	[tilespmem:v3+s12+$0x0] =	vst.idx.add.s32.msk $0xffff, v2  }
0x1d3: {  	v3 =	vld.idx.msk [tilespmem:v4+s18+$0x0], $0xffff;
	_ =	sdelay $0x4  }
0x1d4: {  	v3 =	vadd.s32 v1, v3  }
0x1d5: {  	v4 =	vor.u32 $0xA84, v0;
	_ =	sdelay $0x3  }
0x1d6: {  	[tilespmem:v3+s12+$0x0] =	vst.idx.add.s32.msk $0xffff, v2  }
0x1d7: {  	v3 =	vld.idx.msk [tilespmem:v4+s18+$0x0], $0xffff;
	_ =	sdelay $0x4  }
0x1d8: {  	v3 =	vadd.s32 v1, v3  }
0x1d9: {  	v4 =	vor.u32 $0xA85, v0;
	_ =	sdelay $0x3  }
0x1da: {  	[tilespmem:v3+s12+$0x0] =	vst.idx.add.s32.msk $0xffff, v2  }
0x1db: {  	v3 =	vld.idx.msk [tilespmem:v4+s18+$0x0], $0xffff;
	_ =	sdelay $0x4  }
0x1dc: {  	v3 =	vadd.s32 v1, v3  }
0x1dd: {  	v4 =	vor.u32 $0xA86, v0;
	_ =	sdelay $0x3  }
0x1de: {  	[tilespmem:v3+s12+$0x0] =	vst.idx.add.s32.msk $0xffff, v2  }
0x1df: {  	v3 =	vld.idx.msk [tilespmem:v4+s18+$0x0], $0xffff;
	_ =	sdelay $0x4  }
0x1e0: {  	v3 =	vadd.s32 v1, v3  }
0x1e1: {  	v4 =	vor.u32 $0xA87, v0;
	_ =	sdelay $0x3  }
0x1e2: {  	[tilespmem:v3+s12+$0x0] =	vst.idx.add.s32.msk $0xffff, v2  }
0x1e3: {  	v3 =	vld.idx.msk [tilespmem:v4+s18+$0x0], $0xffff;
	_ =	sdelay $0x4  }
0x1e4: {  	v3 =	vadd.s32 v1, v3  }
0x1e5: {  	v4 =	vor.u32 $0xC80, v0;
	_ =	sdelay $0x3  }
0x1e6: {  	[tilespmem:v3+s12+$0x0] =	vst.idx.add.s32.msk $0xffff, v2  }
0x1e7: {  	v3 =	vld.idx.msk [tilespmem:v4+s18+$0x0], $0xffff;
	_ =	sdelay $0x4  }
0x1e8: {  	v3 =	vadd.s32 v1, v3  }
0x1e9: {  	v4 =	vor.u32 $0xC81, v0;
	_ =	sdelay $0x3  }
0x1ea: {  	[tilespmem:v3+s12+$0x0] =	vst.idx.add.s32.msk $0xffff, v2  }
0x1eb: {  	v3 =	vld.idx.msk [tilespmem:v4+s18+$0x0], $0xffff;
	_ =	sdelay $0x4  }
0x1ec: {  	v3 =	vadd.s32 v1, v3  }
0x1ed: {  	v4 =	vor.u32 $0xC82, v0;
	_ =	sdelay $0x3  }
0x1ee: {  	[tilespmem:v3+s12+$0x0] =	vst.idx.add.s32.msk $0xffff, v2  }
0x1ef: {  	v3 =	vld.idx.msk [tilespmem:v4+s18+$0x0], $0xffff;
	_ =	sdelay $0x4  }
0x1f0: {  	v3 =	vadd.s32 v1, v3  }
0x1f1: {  	v4 =	vor.u32 $0xC83, v0;
	_ =	sdelay $0x3  }
0x1f2: {  	[tilespmem:v3+s12+$0x0] =	vst.idx.add.s32.msk $0xffff, v2  }
0x1f3: {  	v3 =	vld.idx.msk [tilespmem:v4+s18+$0x0], $0xffff;
	_ =	sdelay $0x4  }
0x1f4: {  	v3 =	vadd.s32 v1, v3  }
0x1f5: {  	v4 =	vor.u32 $0xC84, v0;
	_ =	sdelay $0x3  }
0x1f6: {  	[tilespmem:v3+s12+$0x0] =	vst.idx.add.s32.msk $0xffff, v2  }
0x1f7: {  	v3 =	vld.idx.msk [tilespmem:v4+s18+$0x0], $0xffff;
	_ =	sdelay $0x4  }
0x1f8: {  	v3 =	vadd.s32 v1, v3  }
0x1f9: {  	v4 =	vor.u32 $0xC85, v0;
	_ =	sdelay $0x3  }
0x1fa: {  	[tilespmem:v3+s12+$0x0] =	vst.idx.add.s32.msk $0xffff, v2  }
0x1fb: {  	v3 =	vld.idx.msk [tilespmem:v4+s18+$0x0], $0xffff;
	_ =	sdelay $0x4  }
0x1fc: {  	v3 =	vadd.s32 v1, v3  }
0x1fd: {  	v4 =	vor.u32 $0xC86, v0;
	_ =	sdelay $0x3  }
0x1fe: {  	[tilespmem:v3+s12+$0x0] =	vst.idx.add.s32.msk $0xffff, v2  }
0x1ff: {  	v3 =	vld.idx.msk [tilespmem:v4+s18+$0x0], $0xffff;
	_ =	sdelay $0x4  }
0x200: {  	v3 =	vadd.s32 v1, v3  }
0x201: {  	v4 =	vor.u32 $0xC87, v0;
	_ =	sdelay $0x3  }
0x202: {  	[tilespmem:v3+s12+$0x0] =	vst.idx.add.s32.msk $0xffff, v2  }
0x203: {  	v3 =	vld.idx.msk [tilespmem:v4+s18+$0x0], $0xffff;
	_ =	sdelay $0x4  }
0x204: {  	v3 =	vadd.s32 v1, v3  }
0x205: {  	v4 =	vor.u32 $0xE80, v0;
	_ =	sdelay $0x3  }
0x206: {  	[tilespmem:v3+s12+$0x0] =	vst.idx.add.s32.msk $0xffff, v2  }
0x207: {  	v3 =	vld.idx.msk [tilespmem:v4+s18+$0x0], $0xffff;
	_ =	sdelay $0x4  }
0x208: {  	v3 =	vadd.s32 v1, v3  }
0x209: {  	v4 =	vor.u32 $0xE81, v0;
	_ =	sdelay $0x3  }
0x20a: {  	[tilespmem:v3+s12+$0x0] =	vst.idx.add.s32.msk $0xffff, v2  }
0x20b: {  	v3 =	vld.idx.msk [tilespmem:v4+s18+$0x0], $0xffff;
	_ =	sdelay $0x4  }
0x20c: {  	v3 =	vadd.s32 v1, v3  }
0x20d: {  	v4 =	vor.u32 $0xE82, v0;
	_ =	sdelay $0x3  }
0x20e: {  	[tilespmem:v3+s12+$0x0] =	vst.idx.add.s32.msk $0xffff, v2  }
0x20f: {  	v3 =	vld.idx.msk [tilespmem:v4+s18+$0x0], $0xffff;
	_ =	sdelay $0x4  }
0x210: {  	v3 =	vadd.s32 v1, v3  }
0x211: {  	v4 =	vor.u32 $0xE83, v0;
	_ =	sdelay $0x3  }
0x212: {  	[tilespmem:v3+s12+$0x0] =	vst.idx.add.s32.msk $0xffff, v2  }
0x213: {  	v3 =	vld.idx.msk [tilespmem:v4+s18+$0x0], $0xffff;
	_ =	sdelay $0x4  }
0x214: {  	v3 =	vadd.s32 v1, v3  }
0x215: {  	v4 =	vor.u32 $0xE84, v0;
	_ =	sdelay $0x3  }
0x216: {  	[tilespmem:v3+s12+$0x0] =	vst.idx.add.s32.msk $0xffff, v2  }
0x217: {  	v3 =	vld.idx.msk [tilespmem:v4+s18+$0x0], $0xffff;
	_ =	sdelay $0x4  }
0x218: {  	v3 =	vadd.s32 v1, v3  }
0x219: {  	v4 =	vor.u32 $0xE85, v0;
	_ =	sdelay $0x3  }
0x21a: {  	[tilespmem:v3+s12+$0x0] =	vst.idx.add.s32.msk $0xffff, v2  }
0x21b: {  	v3 =	vld.idx.msk [tilespmem:v4+s18+$0x0], $0xffff;
	_ =	sdelay $0x4  }
0x21c: {  	v3 =	vadd.s32 v1, v3  }
0x21d: {  	v4 =	vor.u32 $0xE86, v0;
	_ =	sdelay $0x3  }
0x21e: {  	[tilespmem:v3+s12+$0x0] =	vst.idx.add.s32.msk $0xffff, v2  }
0x21f: {  	v3 =	vld.idx.msk [tilespmem:v4+s18+$0x0], $0xffff;
	_ =	sdelay $0x4  }
0x220: {  	v3 =	vadd.s32 v1, v3  }
0x221: {  	v4 =	vor.u32 $0xE87, v0;
	_ =	sdelay $0x3  }
0x222: {  	[tilespmem:v3+s12+$0x0] =	vst.idx.add.s32.msk $0xffff, v2  }
0x223: {  	v3 =	vld.idx.msk [tilespmem:v4+s18+$0x0], $0xffff;
	_ =	sdelay $0x4  }
0x224: {  	v3 =	vadd.s32 v1, v3;
	_ =	sdelay $0x2  }
0x225: {  	v4 =	vadd.s32 s18, v1;
	_ =	sdelay $0x1  }
0x226: {  	[tilespmem:v3+s12+$0x0] =	vst.idx.add.s32.msk $0xffff, v2;
	v3 =	vmov s18;
	_ =	sdelay $0x1  }
0x227: {  	s19 =	simm.s32 $0x1  }
0x228: {  	v5 =	vadd.s32 s19, v1;
	v7 =	vld.idx.msk [tilespmem:v4+s12+$0x0], $0xffff;
	_ =	sdelay $0x1  }
0x229: {  	v6 =	vmov s19;
	v4 =	vld.idx.msk [tilespmem:v3+s8+$0x0], $0xffff;
	_ =	sdelay $0x2  }
0x22a: {  	s20 =	simm.s32 $0x2;
	v5 =	vld.idx.msk [tilespmem:v5+s12+$0x0], $0xffff;
	v3 =	vimm.f32 $-Inf;
	v7 =	vcvt.s32.f32 v7  }
.LBB2_5:
0x22b: {  	v8 =	vadd.s32 s20, v1;
	p0 =	sne.s32 s20, $0x13;
	s21 =	smov.u32 s20;
	s20 =	sadd.s32 $0x1, s20  }
.Ltmp1:
0x22c: {  	v7 =	vmul.f32 v7, v4;
	v4 =	vld.idx.msk [tilespmem:v6+s8+$0x0], $0xffff;
	(pc) =	sbr.rel @p0 .LBB2_5-.Ltmp1, $4  }
0x22d: {  	v6 =	vmov s21  }
0x22e: {  	vm0 =	vgt.f32 v7, v3  }
0x22f: {  	v3 =	vsel vm0, v7, v3;
	v63 =	vsel vm0, s18, v63;
	s18 =	smov.u32 s19;
	s19 =	smov.u32 s21  }
0x230: {  	v7 =	vcvt.s32.f32 v5;
	v5 =	vld.idx.msk [tilespmem:v8+s12+$0x0], $0xffff  }
0x231: {  	_ = 	snop  }
0x232: {  	v4 =	vmul.f32 v7, v4;
	_ =	sdelay $0x1  }
0x233: {  	vm0 =	vgt.f32 v4, v3  }
0x234: {  	v3 =	vsel vm0, v4, v3;
	v4 =	vsel vm0, s18, v63;
	v63 =	vimm.s32 $0x0  }
0x235: {  	v6 =	vld.idx.msk [tilespmem:v6+s8+$0x0], $0xffff;
	[tilespmem:$0x1000] =	vst v63  }
0x236: {  	[tilespmem:$0x1010] =	vst v63  }
0x237: {  	[tilespmem:$0x1020] =	vst v63  }
0x238: {  	[tilespmem:$0x1030] =	vst v63  }
0x239: {  	[tilespmem:$0x1040] =	vst v63  }
0x23a: {  	[tilespmem:$0x1050] =	vst v63  }
0x23b: {  	[tilespmem:$0x1060] =	vst v63  }
0x23c: {  	[tilespmem:$0x1070] =	vst v63  }
0x23d: {  	[tilespmem:$0x1080] =	vst v63  }
0x23e: {  	[tilespmem:$0x1090] =	vst v63  }
0x23f: {  	v5 =	vcvt.s32.f32 v5;
	[tilespmem:$0x10A0] =	vst v63  }
0x240: {  	[tilespmem:$0x10B0] =	vst v63  }
0x241: {  	[tilespmem:$0x10C0] =	vst v63;
	v5 =	vmul.f32 v5, v6  }
0x242: {  	[tilespmem:$0x10D0] =	vst v63  }
0x243: {  	[tilespmem:$0x10E0] =	vst v63;
	vm15 =	vgt.f32 v5, v3  }
0x244: {  	[tilespmem:$0x10F0] =	vst v63;
	v3 =	vsel vm15, s19, v4  }
0x245: {  	[tilespmem:$0x1190] =	vst v3;
	v3 =	vor.u32 $0x100, v0  }
0x246: {  	[tilespmem:$0x1100] =	vst v63  }
0x247: {  	[tilespmem:$0x1110] =	vst v63  }
0x248: {  	[tilespmem:$0x1120] =	vst v63  }
0x249: {  	s18 =	simm.s32 $0x0;
	[tilespmem:$0x1130] =	vst v63  }
0x24a: {  	v3 =	vld.idx.msk [tilespmem:v3+s18+$0x0], $0xffff;
	_ =	sdelay $0x4  }
0x24b: {  	v3 =	vadd.s32 v1, v3  }
0x24c: {  	v4 =	vor.u32 $0x101, v0;
	_ =	sdelay $0x3  }
0x24d: {  	[tilespmem:v3+s12+$0x0] =	vst.idx.add.s32.msk $0xffff, v2  }
0x24e: {  	v3 =	vld.idx.msk [tilespmem:v4+s18+$0x0], $0xffff;
	_ =	sdelay $0x4  }
0x24f: {  	v3 =	vadd.s32 v1, v3  }
0x250: {  	v4 =	vor.u32 $0x102, v0;
	_ =	sdelay $0x3  }
0x251: {  	[tilespmem:v3+s12+$0x0] =	vst.idx.add.s32.msk $0xffff, v2  }
0x252: {  	v3 =	vld.idx.msk [tilespmem:v4+s18+$0x0], $0xffff;
	_ =	sdelay $0x4  }
0x253: {  	v3 =	vadd.s32 v1, v3  }
0x254: {  	v4 =	vor.u32 $0x103, v0;
	_ =	sdelay $0x3  }
0x255: {  	[tilespmem:v3+s12+$0x0] =	vst.idx.add.s32.msk $0xffff, v2  }
0x256: {  	v3 =	vld.idx.msk [tilespmem:v4+s18+$0x0], $0xffff;
	_ =	sdelay $0x4  }
0x257: {  	v3 =	vadd.s32 v1, v3  }
0x258: {  	v4 =	vor.u32 $0x104, v0;
	_ =	sdelay $0x3  }
0x259: {  	[tilespmem:v3+s12+$0x0] =	vst.idx.add.s32.msk $0xffff, v2  }
0x25a: {  	v3 =	vld.idx.msk [tilespmem:v4+s18+$0x0], $0xffff;
	_ =	sdelay $0x4  }
0x25b: {  	v3 =	vadd.s32 v1, v3  }
0x25c: {  	v4 =	vor.u32 $0x105, v0;
	_ =	sdelay $0x3  }
0x25d: {  	[tilespmem:v3+s12+$0x0] =	vst.idx.add.s32.msk $0xffff, v2  }
0x25e: {  	v3 =	vld.idx.msk [tilespmem:v4+s18+$0x0], $0xffff;
	_ =	sdelay $0x4  }
0x25f: {  	v3 =	vadd.s32 v1, v3  }
0x260: {  	v4 =	vor.u32 $0x106, v0;
	_ =	sdelay $0x3  }
0x261: {  	[tilespmem:v3+s12+$0x0] =	vst.idx.add.s32.msk $0xffff, v2  }
0x262: {  	v3 =	vld.idx.msk [tilespmem:v4+s18+$0x0], $0xffff;
	_ =	sdelay $0x4  }
0x263: {  	v3 =	vadd.s32 v1, v3  }
0x264: {  	v4 =	vor.u32 $0x107, v0;
	_ =	sdelay $0x3  }
0x265: {  	[tilespmem:v3+s12+$0x0] =	vst.idx.add.s32.msk $0xffff, v2  }
0x266: {  	v3 =	vld.idx.msk [tilespmem:v4+s18+$0x0], $0xffff;
	_ =	sdelay $0x4  }
0x267: {  	v3 =	vadd.s32 v1, v3  }
0x268: {  	v4 =	vor.u32 $0x300, v0;
	_ =	sdelay $0x3  }
0x269: {  	[tilespmem:v3+s12+$0x0] =	vst.idx.add.s32.msk $0xffff, v2  }
0x26a: {  	v3 =	vld.idx.msk [tilespmem:v4+s18+$0x0], $0xffff;
	_ =	sdelay $0x4  }
0x26b: {  	v3 =	vadd.s32 v1, v3  }
0x26c: {  	v4 =	vor.u32 $0x301, v0;
	_ =	sdelay $0x3  }
0x26d: {  	[tilespmem:v3+s12+$0x0] =	vst.idx.add.s32.msk $0xffff, v2  }
0x26e: {  	v3 =	vld.idx.msk [tilespmem:v4+s18+$0x0], $0xffff;
	_ =	sdelay $0x4  }
0x26f: {  	v3 =	vadd.s32 v1, v3  }
0x270: {  	v4 =	vor.u32 $0x302, v0;
	_ =	sdelay $0x3  }
0x271: {  	[tilespmem:v3+s12+$0x0] =	vst.idx.add.s32.msk $0xffff, v2  }
0x272: {  	v3 =	vld.idx.msk [tilespmem:v4+s18+$0x0], $0xffff;
	_ =	sdelay $0x4  }
0x273: {  	v3 =	vadd.s32 v1, v3  }
0x274: {  	v4 =	vor.u32 $0x303, v0;
	_ =	sdelay $0x3  }
0x275: {  	[tilespmem:v3+s12+$0x0] =	vst.idx.add.s32.msk $0xffff, v2  }
0x276: {  	v3 =	vld.idx.msk [tilespmem:v4+s18+$0x0], $0xffff;
	_ =	sdelay $0x4  }
0x277: {  	v3 =	vadd.s32 v1, v3  }
0x278: {  	v4 =	vor.u32 $0x304, v0;
	_ =	sdelay $0x3  }
0x279: {  	[tilespmem:v3+s12+$0x0] =	vst.idx.add.s32.msk $0xffff, v2  }
0x27a: {  	v3 =	vld.idx.msk [tilespmem:v4+s18+$0x0], $0xffff;
	_ =	sdelay $0x4  }
0x27b: {  	v3 =	vadd.s32 v1, v3  }
0x27c: {  	v4 =	vor.u32 $0x305, v0;
	_ =	sdelay $0x3  }
0x27d: {  	[tilespmem:v3+s12+$0x0] =	vst.idx.add.s32.msk $0xffff, v2  }
0x27e: {  	v3 =	vld.idx.msk [tilespmem:v4+s18+$0x0], $0xffff;
	_ =	sdelay $0x4  }
0x27f: {  	v3 =	vadd.s32 v1, v3  }
0x280: {  	v4 =	vor.u32 $0x306, v0;
	_ =	sdelay $0x3  }
0x281: {  	[tilespmem:v3+s12+$0x0] =	vst.idx.add.s32.msk $0xffff, v2  }
0x282: {  	v3 =	vld.idx.msk [tilespmem:v4+s18+$0x0], $0xffff;
	_ =	sdelay $0x4  }
0x283: {  	v3 =	vadd.s32 v1, v3  }
0x284: {  	v4 =	vor.u32 $0x307, v0;
	_ =	sdelay $0x3  }
0x285: {  	[tilespmem:v3+s12+$0x0] =	vst.idx.add.s32.msk $0xffff, v2  }
0x286: {  	v3 =	vld.idx.msk [tilespmem:v4+s18+$0x0], $0xffff;
	_ =	sdelay $0x4  }
0x287: {  	v3 =	vadd.s32 v1, v3  }
0x288: {  	v4 =	vor.u32 $0x500, v0;
	_ =	sdelay $0x3  }
0x289: {  	[tilespmem:v3+s12+$0x0] =	vst.idx.add.s32.msk $0xffff, v2  }
0x28a: {  	v3 =	vld.idx.msk [tilespmem:v4+s18+$0x0], $0xffff;
	_ =	sdelay $0x4  }
0x28b: {  	v3 =	vadd.s32 v1, v3  }
0x28c: {  	v4 =	vor.u32 $0x501, v0;
	_ =	sdelay $0x3  }
0x28d: {  	[tilespmem:v3+s12+$0x0] =	vst.idx.add.s32.msk $0xffff, v2  }
0x28e: {  	v3 =	vld.idx.msk [tilespmem:v4+s18+$0x0], $0xffff;
	_ =	sdelay $0x4  }
0x28f: {  	v3 =	vadd.s32 v1, v3  }
0x290: {  	v4 =	vor.u32 $0x502, v0;
	_ =	sdelay $0x3  }
0x291: {  	[tilespmem:v3+s12+$0x0] =	vst.idx.add.s32.msk $0xffff, v2  }
0x292: {  	v3 =	vld.idx.msk [tilespmem:v4+s18+$0x0], $0xffff;
	_ =	sdelay $0x4  }
0x293: {  	v3 =	vadd.s32 v1, v3  }
0x294: {  	v4 =	vor.u32 $0x503, v0;
	_ =	sdelay $0x3  }
0x295: {  	[tilespmem:v3+s12+$0x0] =	vst.idx.add.s32.msk $0xffff, v2  }
0x296: {  	v3 =	vld.idx.msk [tilespmem:v4+s18+$0x0], $0xffff;
	_ =	sdelay $0x4  }
0x297: {  	v3 =	vadd.s32 v1, v3  }
0x298: {  	v4 =	vor.u32 $0x504, v0;
	_ =	sdelay $0x3  }
0x299: {  	[tilespmem:v3+s12+$0x0] =	vst.idx.add.s32.msk $0xffff, v2  }
0x29a: {  	v3 =	vld.idx.msk [tilespmem:v4+s18+$0x0], $0xffff;
	_ =	sdelay $0x4  }
0x29b: {  	v3 =	vadd.s32 v1, v3  }
0x29c: {  	v4 =	vor.u32 $0x505, v0;
	_ =	sdelay $0x3  }
0x29d: {  	[tilespmem:v3+s12+$0x0] =	vst.idx.add.s32.msk $0xffff, v2  }
0x29e: {  	v3 =	vld.idx.msk [tilespmem:v4+s18+$0x0], $0xffff;
	_ =	sdelay $0x4  }
0x29f: {  	v3 =	vadd.s32 v1, v3  }
0x2a0: {  	v4 =	vor.u32 $0x506, v0;
	_ =	sdelay $0x3  }
0x2a1: {  	[tilespmem:v3+s12+$0x0] =	vst.idx.add.s32.msk $0xffff, v2  }
0x2a2: {  	v3 =	vld.idx.msk [tilespmem:v4+s18+$0x0], $0xffff;
	_ =	sdelay $0x4  }
0x2a3: {  	v3 =	vadd.s32 v1, v3  }
0x2a4: {  	v4 =	vor.u32 $0x507, v0;
	_ =	sdelay $0x3  }
0x2a5: {  	[tilespmem:v3+s12+$0x0] =	vst.idx.add.s32.msk $0xffff, v2  }
0x2a6: {  	v3 =	vld.idx.msk [tilespmem:v4+s18+$0x0], $0xffff;
	_ =	sdelay $0x4  }
0x2a7: {  	v3 =	vadd.s32 v1, v3  }
0x2a8: {  	v4 =	vor.u32 $0x700, v0;
	_ =	sdelay $0x3  }
0x2a9: {  	[tilespmem:v3+s12+$0x0] =	vst.idx.add.s32.msk $0xffff, v2  }
0x2aa: {  	v3 =	vld.idx.msk [tilespmem:v4+s18+$0x0], $0xffff;
	_ =	sdelay $0x4  }
0x2ab: {  	v3 =	vadd.s32 v1, v3  }
0x2ac: {  	v4 =	vor.u32 $0x701, v0;
	_ =	sdelay $0x3  }
0x2ad: {  	[tilespmem:v3+s12+$0x0] =	vst.idx.add.s32.msk $0xffff, v2  }
0x2ae: {  	v3 =	vld.idx.msk [tilespmem:v4+s18+$0x0], $0xffff;
	_ =	sdelay $0x4  }
0x2af: {  	v3 =	vadd.s32 v1, v3  }
0x2b0: {  	v4 =	vor.u32 $0x702, v0;
	_ =	sdelay $0x3  }
0x2b1: {  	[tilespmem:v3+s12+$0x0] =	vst.idx.add.s32.msk $0xffff, v2  }
0x2b2: {  	v3 =	vld.idx.msk [tilespmem:v4+s18+$0x0], $0xffff;
	_ =	sdelay $0x4  }
0x2b3: {  	v3 =	vadd.s32 v1, v3  }
0x2b4: {  	v4 =	vor.u32 $0x703, v0;
	_ =	sdelay $0x3  }
0x2b5: {  	[tilespmem:v3+s12+$0x0] =	vst.idx.add.s32.msk $0xffff, v2  }
0x2b6: {  	v3 =	vld.idx.msk [tilespmem:v4+s18+$0x0], $0xffff;
	_ =	sdelay $0x4  }
0x2b7: {  	v3 =	vadd.s32 v1, v3  }
0x2b8: {  	v4 =	vor.u32 $0x704, v0;
	_ =	sdelay $0x3  }
0x2b9: {  	[tilespmem:v3+s12+$0x0] =	vst.idx.add.s32.msk $0xffff, v2  }
0x2ba: {  	v3 =	vld.idx.msk [tilespmem:v4+s18+$0x0], $0xffff;
	_ =	sdelay $0x4  }
0x2bb: {  	v3 =	vadd.s32 v1, v3  }
0x2bc: {  	v4 =	vor.u32 $0x705, v0;
	_ =	sdelay $0x3  }
0x2bd: {  	[tilespmem:v3+s12+$0x0] =	vst.idx.add.s32.msk $0xffff, v2  }
0x2be: {  	v3 =	vld.idx.msk [tilespmem:v4+s18+$0x0], $0xffff;
	_ =	sdelay $0x4  }
0x2bf: {  	v3 =	vadd.s32 v1, v3  }
0x2c0: {  	v4 =	vor.u32 $0x706, v0;
	_ =	sdelay $0x3  }
0x2c1: {  	[tilespmem:v3+s12+$0x0] =	vst.idx.add.s32.msk $0xffff, v2  }
0x2c2: {  	v3 =	vld.idx.msk [tilespmem:v4+s18+$0x0], $0xffff;
	_ =	sdelay $0x4  }
0x2c3: {  	v3 =	vadd.s32 v1, v3  }
0x2c4: {  	v4 =	vor.u32 $0x707, v0;
	_ =	sdelay $0x3  }
0x2c5: {  	[tilespmem:v3+s12+$0x0] =	vst.idx.add.s32.msk $0xffff, v2  }
0x2c6: {  	v3 =	vld.idx.msk [tilespmem:v4+s18+$0x0], $0xffff;
	_ =	sdelay $0x4  }
0x2c7: {  	v3 =	vadd.s32 v1, v3  }
0x2c8: {  	v4 =	vor.u32 $0x900, v0;
	_ =	sdelay $0x3  }
0x2c9: {  	[tilespmem:v3+s12+$0x0] =	vst.idx.add.s32.msk $0xffff, v2  }
0x2ca: {  	v3 =	vld.idx.msk [tilespmem:v4+s18+$0x0], $0xffff;
	_ =	sdelay $0x4  }
0x2cb: {  	v3 =	vadd.s32 v1, v3  }
0x2cc: {  	v4 =	vor.u32 $0x901, v0;
	_ =	sdelay $0x3  }
0x2cd: {  	[tilespmem:v3+s12+$0x0] =	vst.idx.add.s32.msk $0xffff, v2  }
0x2ce: {  	v3 =	vld.idx.msk [tilespmem:v4+s18+$0x0], $0xffff;
	_ =	sdelay $0x4  }
0x2cf: {  	v3 =	vadd.s32 v1, v3  }
0x2d0: {  	v4 =	vor.u32 $0x902, v0;
	_ =	sdelay $0x3  }
0x2d1: {  	[tilespmem:v3+s12+$0x0] =	vst.idx.add.s32.msk $0xffff, v2  }
0x2d2: {  	v3 =	vld.idx.msk [tilespmem:v4+s18+$0x0], $0xffff;
	_ =	sdelay $0x4  }
0x2d3: {  	v3 =	vadd.s32 v1, v3  }
0x2d4: {  	v4 =	vor.u32 $0x903, v0;
	_ =	sdelay $0x3  }
0x2d5: {  	[tilespmem:v3+s12+$0x0] =	vst.idx.add.s32.msk $0xffff, v2  }
0x2d6: {  	v3 =	vld.idx.msk [tilespmem:v4+s18+$0x0], $0xffff;
	_ =	sdelay $0x4  }
0x2d7: {  	v3 =	vadd.s32 v1, v3  }
0x2d8: {  	v4 =	vor.u32 $0x904, v0;
	_ =	sdelay $0x3  }
0x2d9: {  	[tilespmem:v3+s12+$0x0] =	vst.idx.add.s32.msk $0xffff, v2  }
0x2da: {  	v3 =	vld.idx.msk [tilespmem:v4+s18+$0x0], $0xffff;
	_ =	sdelay $0x4  }
0x2db: {  	v3 =	vadd.s32 v1, v3  }
0x2dc: {  	v4 =	vor.u32 $0x905, v0;
	_ =	sdelay $0x3  }
0x2dd: {  	[tilespmem:v3+s12+$0x0] =	vst.idx.add.s32.msk $0xffff, v2  }
0x2de: {  	v3 =	vld.idx.msk [tilespmem:v4+s18+$0x0], $0xffff;
	_ =	sdelay $0x4  }
0x2df: {  	v3 =	vadd.s32 v1, v3  }
0x2e0: {  	v4 =	vor.u32 $0x906, v0;
	_ =	sdelay $0x3  }
0x2e1: {  	[tilespmem:v3+s12+$0x0] =	vst.idx.add.s32.msk $0xffff, v2  }
0x2e2: {  	v3 =	vld.idx.msk [tilespmem:v4+s18+$0x0], $0xffff;
	_ =	sdelay $0x4  }
0x2e3: {  	v3 =	vadd.s32 v1, v3  }
0x2e4: {  	v4 =	vor.u32 $0x907, v0;
	_ =	sdelay $0x3  }
0x2e5: {  	[tilespmem:v3+s12+$0x0] =	vst.idx.add.s32.msk $0xffff, v2  }
0x2e6: {  	v3 =	vld.idx.msk [tilespmem:v4+s18+$0x0], $0xffff;
	_ =	sdelay $0x4  }
0x2e7: {  	v3 =	vadd.s32 v1, v3  }
0x2e8: {  	v4 =	vor.u32 $0xB00, v0;
	_ =	sdelay $0x3  }
0x2e9: {  	[tilespmem:v3+s12+$0x0] =	vst.idx.add.s32.msk $0xffff, v2  }
0x2ea: {  	v3 =	vld.idx.msk [tilespmem:v4+s18+$0x0], $0xffff;
	_ =	sdelay $0x4  }
0x2eb: {  	v3 =	vadd.s32 v1, v3  }
0x2ec: {  	v4 =	vor.u32 $0xB01, v0;
	_ =	sdelay $0x3  }
0x2ed: {  	[tilespmem:v3+s12+$0x0] =	vst.idx.add.s32.msk $0xffff, v2  }
0x2ee: {  	v3 =	vld.idx.msk [tilespmem:v4+s18+$0x0], $0xffff;
	_ =	sdelay $0x4  }
0x2ef: {  	v3 =	vadd.s32 v1, v3  }
0x2f0: {  	v4 =	vor.u32 $0xB02, v0;
	_ =	sdelay $0x3  }
0x2f1: {  	[tilespmem:v3+s12+$0x0] =	vst.idx.add.s32.msk $0xffff, v2  }
0x2f2: {  	v3 =	vld.idx.msk [tilespmem:v4+s18+$0x0], $0xffff;
	_ =	sdelay $0x4  }
0x2f3: {  	v3 =	vadd.s32 v1, v3  }
0x2f4: {  	v4 =	vor.u32 $0xB03, v0;
	_ =	sdelay $0x3  }
0x2f5: {  	[tilespmem:v3+s12+$0x0] =	vst.idx.add.s32.msk $0xffff, v2  }
0x2f6: {  	v3 =	vld.idx.msk [tilespmem:v4+s18+$0x0], $0xffff;
	_ =	sdelay $0x4  }
0x2f7: {  	v3 =	vadd.s32 v1, v3  }
0x2f8: {  	v4 =	vor.u32 $0xB04, v0;
	_ =	sdelay $0x3  }
0x2f9: {  	[tilespmem:v3+s12+$0x0] =	vst.idx.add.s32.msk $0xffff, v2  }
0x2fa: {  	v3 =	vld.idx.msk [tilespmem:v4+s18+$0x0], $0xffff;
	_ =	sdelay $0x4  }
0x2fb: {  	v3 =	vadd.s32 v1, v3  }
0x2fc: {  	v4 =	vor.u32 $0xB05, v0;
	_ =	sdelay $0x3  }
0x2fd: {  	[tilespmem:v3+s12+$0x0] =	vst.idx.add.s32.msk $0xffff, v2  }
0x2fe: {  	v3 =	vld.idx.msk [tilespmem:v4+s18+$0x0], $0xffff;
	_ =	sdelay $0x4  }
0x2ff: {  	v3 =	vadd.s32 v1, v3  }
0x300: {  	v4 =	vor.u32 $0xB06, v0;
	_ =	sdelay $0x3  }
0x301: {  	[tilespmem:v3+s12+$0x0] =	vst.idx.add.s32.msk $0xffff, v2  }
0x302: {  	v3 =	vld.idx.msk [tilespmem:v4+s18+$0x0], $0xffff;
	_ =	sdelay $0x4  }
0x303: {  	v3 =	vadd.s32 v1, v3  }
0x304: {  	v4 =	vor.u32 $0xB07, v0;
	_ =	sdelay $0x3  }
0x305: {  	[tilespmem:v3+s12+$0x0] =	vst.idx.add.s32.msk $0xffff, v2  }
0x306: {  	v3 =	vld.idx.msk [tilespmem:v4+s18+$0x0], $0xffff;
	_ =	sdelay $0x4  }
0x307: {  	v3 =	vadd.s32 v1, v3  }
0x308: {  	v4 =	vor.u32 $0xD00, v0;
	_ =	sdelay $0x3  }
0x309: {  	[tilespmem:v3+s12+$0x0] =	vst.idx.add.s32.msk $0xffff, v2  }
0x30a: {  	v3 =	vld.idx.msk [tilespmem:v4+s18+$0x0], $0xffff;
	_ =	sdelay $0x4  }
0x30b: {  	v3 =	vadd.s32 v1, v3  }
0x30c: {  	v4 =	vor.u32 $0xD01, v0;
	_ =	sdelay $0x3  }
0x30d: {  	[tilespmem:v3+s12+$0x0] =	vst.idx.add.s32.msk $0xffff, v2  }
0x30e: {  	v3 =	vld.idx.msk [tilespmem:v4+s18+$0x0], $0xffff;
	_ =	sdelay $0x4  }
0x30f: {  	v3 =	vadd.s32 v1, v3  }
0x310: {  	v4 =	vor.u32 $0xD02, v0;
	_ =	sdelay $0x3  }
0x311: {  	[tilespmem:v3+s12+$0x0] =	vst.idx.add.s32.msk $0xffff, v2  }
0x312: {  	v3 =	vld.idx.msk [tilespmem:v4+s18+$0x0], $0xffff;
	_ =	sdelay $0x4  }
0x313: {  	v3 =	vadd.s32 v1, v3  }
0x314: {  	v4 =	vor.u32 $0xD03, v0;
	_ =	sdelay $0x3  }
0x315: {  	[tilespmem:v3+s12+$0x0] =	vst.idx.add.s32.msk $0xffff, v2  }
0x316: {  	v3 =	vld.idx.msk [tilespmem:v4+s18+$0x0], $0xffff;
	_ =	sdelay $0x4  }
0x317: {  	v3 =	vadd.s32 v1, v3  }
0x318: {  	v4 =	vor.u32 $0xD04, v0;
	_ =	sdelay $0x3  }
0x319: {  	[tilespmem:v3+s12+$0x0] =	vst.idx.add.s32.msk $0xffff, v2  }
0x31a: {  	v3 =	vld.idx.msk [tilespmem:v4+s18+$0x0], $0xffff;
	_ =	sdelay $0x4  }
0x31b: {  	v3 =	vadd.s32 v1, v3  }
0x31c: {  	v4 =	vor.u32 $0xD05, v0;
	_ =	sdelay $0x3  }
0x31d: {  	[tilespmem:v3+s12+$0x0] =	vst.idx.add.s32.msk $0xffff, v2  }
0x31e: {  	v3 =	vld.idx.msk [tilespmem:v4+s18+$0x0], $0xffff;
	_ =	sdelay $0x4  }
0x31f: {  	v3 =	vadd.s32 v1, v3  }
0x320: {  	v4 =	vor.u32 $0xD06, v0;
	_ =	sdelay $0x3  }
0x321: {  	[tilespmem:v3+s12+$0x0] =	vst.idx.add.s32.msk $0xffff, v2  }
0x322: {  	v3 =	vld.idx.msk [tilespmem:v4+s18+$0x0], $0xffff;
	_ =	sdelay $0x4  }
0x323: {  	v3 =	vadd.s32 v1, v3  }
0x324: {  	v4 =	vor.u32 $0xD07, v0;
	_ =	sdelay $0x3  }
0x325: {  	[tilespmem:v3+s12+$0x0] =	vst.idx.add.s32.msk $0xffff, v2  }
0x326: {  	v3 =	vld.idx.msk [tilespmem:v4+s18+$0x0], $0xffff;
	_ =	sdelay $0x4  }
0x327: {  	v3 =	vadd.s32 v1, v3  }
0x328: {  	v4 =	vor.u32 $0xF00, v0;
	_ =	sdelay $0x3  }
0x329: {  	[tilespmem:v3+s12+$0x0] =	vst.idx.add.s32.msk $0xffff, v2  }
0x32a: {  	v3 =	vld.idx.msk [tilespmem:v4+s18+$0x0], $0xffff;
	_ =	sdelay $0x4  }
0x32b: {  	v3 =	vadd.s32 v1, v3  }
0x32c: {  	v4 =	vor.u32 $0xF01, v0;
	_ =	sdelay $0x3  }
0x32d: {  	[tilespmem:v3+s12+$0x0] =	vst.idx.add.s32.msk $0xffff, v2  }
0x32e: {  	v3 =	vld.idx.msk [tilespmem:v4+s18+$0x0], $0xffff;
	_ =	sdelay $0x4  }
0x32f: {  	v3 =	vadd.s32 v1, v3  }
0x330: {  	v4 =	vor.u32 $0xF02, v0;
	_ =	sdelay $0x3  }
0x331: {  	[tilespmem:v3+s12+$0x0] =	vst.idx.add.s32.msk $0xffff, v2  }
0x332: {  	v3 =	vld.idx.msk [tilespmem:v4+s18+$0x0], $0xffff;
	_ =	sdelay $0x4  }
0x333: {  	v3 =	vadd.s32 v1, v3  }
0x334: {  	v4 =	vor.u32 $0xF03, v0;
	_ =	sdelay $0x3  }
0x335: {  	[tilespmem:v3+s12+$0x0] =	vst.idx.add.s32.msk $0xffff, v2  }
0x336: {  	v3 =	vld.idx.msk [tilespmem:v4+s18+$0x0], $0xffff;
	_ =	sdelay $0x4  }
0x337: {  	v3 =	vadd.s32 v1, v3  }
0x338: {  	v4 =	vor.u32 $0xF04, v0;
	_ =	sdelay $0x3  }
0x339: {  	[tilespmem:v3+s12+$0x0] =	vst.idx.add.s32.msk $0xffff, v2  }
0x33a: {  	v3 =	vld.idx.msk [tilespmem:v4+s18+$0x0], $0xffff;
	_ =	sdelay $0x4  }
0x33b: {  	v3 =	vadd.s32 v1, v3  }
0x33c: {  	v4 =	vor.u32 $0xF05, v0;
	_ =	sdelay $0x3  }
0x33d: {  	[tilespmem:v3+s12+$0x0] =	vst.idx.add.s32.msk $0xffff, v2  }
0x33e: {  	v3 =	vld.idx.msk [tilespmem:v4+s18+$0x0], $0xffff;
	_ =	sdelay $0x4  }
0x33f: {  	v3 =	vadd.s32 v1, v3  }
0x340: {  	v4 =	vor.u32 $0xF06, v0;
	_ =	sdelay $0x3  }
0x341: {  	[tilespmem:v3+s12+$0x0] =	vst.idx.add.s32.msk $0xffff, v2  }
0x342: {  	v3 =	vld.idx.msk [tilespmem:v4+s18+$0x0], $0xffff;
	_ =	sdelay $0x4  }
0x343: {  	v3 =	vadd.s32 v1, v3  }
0x344: {  	v4 =	vor.u32 $0xF07, v0;
	_ =	sdelay $0x3  }
0x345: {  	[tilespmem:v3+s12+$0x0] =	vst.idx.add.s32.msk $0xffff, v2  }
0x346: {  	v3 =	vld.idx.msk [tilespmem:v4+s18+$0x0], $0xffff;
	_ =	sdelay $0x4  }
0x347: {  	v3 =	vadd.s32 v1, v3;
	_ =	sdelay $0x2  }
0x348: {  	v4 =	vadd.s32 s18, v1;
	_ =	sdelay $0x1  }
0x349: {  	[tilespmem:v3+s12+$0x0] =	vst.idx.add.s32.msk $0xffff, v2;
	v3 =	vmov s18;
	_ =	sdelay $0x1  }
0x34a: {  	s19 =	simm.s32 $0x1  }
0x34b: {  	v5 =	vadd.s32 s19, v1;
	v7 =	vld.idx.msk [tilespmem:v4+s12+$0x0], $0xffff;
	_ =	sdelay $0x1  }
0x34c: {  	v6 =	vmov s19;
	v4 =	vld.idx.msk [tilespmem:v3+s8+$0x0], $0xffff;
	_ =	sdelay $0x2  }
0x34d: {  	s20 =	simm.s32 $0x2;
	v5 =	vld.idx.msk [tilespmem:v5+s12+$0x0], $0xffff;
	v3 =	vimm.f32 $-Inf;
	v7 =	vcvt.s32.f32 v7  }
.LBB2_7:
0x34e: {  	v8 =	vadd.s32 s20, v1;
	p0 =	sne.s32 s20, $0x13;
	s21 =	smov.u32 s20;
	s20 =	sadd.s32 $0x1, s20  }
.Ltmp2:
0x34f: {  	v7 =	vmul.f32 v7, v4;
	v4 =	vld.idx.msk [tilespmem:v6+s8+$0x0], $0xffff;
	(pc) =	sbr.rel @p0 .LBB2_7-.Ltmp2, $4  }
0x350: {  	v6 =	vmov s21  }
0x351: {  	vm0 =	vgt.f32 v7, v3  }
0x352: {  	v3 =	vsel vm0, v7, v3;
	v63 =	vsel vm0, s18, v63;
	s18 =	smov.u32 s19;
	s19 =	smov.u32 s21  }
0x353: {  	v7 =	vcvt.s32.f32 v5;
	v5 =	vld.idx.msk [tilespmem:v8+s12+$0x0], $0xffff  }
0x354: {  	_ = 	snop  }
0x355: {  	v4 =	vmul.f32 v7, v4;
	_ =	sdelay $0x1  }
0x356: {  	vm0 =	vgt.f32 v4, v3  }
0x357: {  	v3 =	vsel vm0, v4, v3;
	v4 =	vsel vm0, s18, v63;
	v63 =	vimm.s32 $0x0  }
0x358: {  	v6 =	vld.idx.msk [tilespmem:v6+s8+$0x0], $0xffff;
	[tilespmem:$0x1000] =	vst v63  }
0x359: {  	[tilespmem:$0x1010] =	vst v63  }
0x35a: {  	[tilespmem:$0x1020] =	vst v63  }
0x35b: {  	[tilespmem:$0x1030] =	vst v63  }
0x35c: {  	[tilespmem:$0x1040] =	vst v63  }
0x35d: {  	[tilespmem:$0x1050] =	vst v63  }
0x35e: {  	[tilespmem:$0x1060] =	vst v63  }
0x35f: {  	[tilespmem:$0x1070] =	vst v63  }
0x360: {  	[tilespmem:$0x1080] =	vst v63  }
0x361: {  	[tilespmem:$0x1090] =	vst v63  }
0x362: {  	v5 =	vcvt.s32.f32 v5;
	[tilespmem:$0x10A0] =	vst v63  }
0x363: {  	[tilespmem:$0x10B0] =	vst v63  }
0x364: {  	[tilespmem:$0x10C0] =	vst v63;
	v5 =	vmul.f32 v5, v6  }
0x365: {  	[tilespmem:$0x10D0] =	vst v63  }
0x366: {  	[tilespmem:$0x10E0] =	vst v63;
	vm15 =	vgt.f32 v5, v3  }
0x367: {  	[tilespmem:$0x10F0] =	vst v63;
	v3 =	vsel vm15, s19, v4  }
0x368: {  	[tilespmem:$0x11A0] =	vst v3;
	v3 =	vor.u32 $0x180, v0  }
0x369: {  	[tilespmem:$0x1100] =	vst v63  }
0x36a: {  	[tilespmem:$0x1110] =	vst v63  }
0x36b: {  	[tilespmem:$0x1120] =	vst v63  }
0x36c: {  	s18 =	simm.s32 $0x0;
	[tilespmem:$0x1130] =	vst v63  }
0x36d: {  	v3 =	vld.idx.msk [tilespmem:v3+s18+$0x0], $0xffff;
	_ =	sdelay $0x4  }
0x36e: {  	v3 =	vadd.s32 v1, v3  }
0x36f: {  	v4 =	vor.u32 $0x181, v0;
	_ =	sdelay $0x3  }
0x370: {  	[tilespmem:v3+s12+$0x0] =	vst.idx.add.s32.msk $0xffff, v2  }
0x371: {  	v3 =	vld.idx.msk [tilespmem:v4+s18+$0x0], $0xffff;
	_ =	sdelay $0x4  }
0x372: {  	v3 =	vadd.s32 v1, v3  }
0x373: {  	v4 =	vor.u32 $0x182, v0;
	_ =	sdelay $0x3  }
0x374: {  	[tilespmem:v3+s12+$0x0] =	vst.idx.add.s32.msk $0xffff, v2  }
0x375: {  	v3 =	vld.idx.msk [tilespmem:v4+s18+$0x0], $0xffff;
	_ =	sdelay $0x4  }
0x376: {  	v3 =	vadd.s32 v1, v3  }
0x377: {  	v4 =	vor.u32 $0x183, v0;
	_ =	sdelay $0x3  }
0x378: {  	[tilespmem:v3+s12+$0x0] =	vst.idx.add.s32.msk $0xffff, v2  }
0x379: {  	v3 =	vld.idx.msk [tilespmem:v4+s18+$0x0], $0xffff;
	_ =	sdelay $0x4  }
0x37a: {  	v3 =	vadd.s32 v1, v3  }
0x37b: {  	v4 =	vor.u32 $0x184, v0;
	_ =	sdelay $0x3  }
0x37c: {  	[tilespmem:v3+s12+$0x0] =	vst.idx.add.s32.msk $0xffff, v2  }
0x37d: {  	v3 =	vld.idx.msk [tilespmem:v4+s18+$0x0], $0xffff;
	_ =	sdelay $0x4  }
0x37e: {  	v3 =	vadd.s32 v1, v3  }
0x37f: {  	v4 =	vor.u32 $0x185, v0;
	_ =	sdelay $0x3  }
0x380: {  	[tilespmem:v3+s12+$0x0] =	vst.idx.add.s32.msk $0xffff, v2  }
0x381: {  	v3 =	vld.idx.msk [tilespmem:v4+s18+$0x0], $0xffff;
	_ =	sdelay $0x4  }
0x382: {  	v3 =	vadd.s32 v1, v3  }
0x383: {  	v4 =	vor.u32 $0x186, v0;
	_ =	sdelay $0x3  }
0x384: {  	[tilespmem:v3+s12+$0x0] =	vst.idx.add.s32.msk $0xffff, v2  }
0x385: {  	v3 =	vld.idx.msk [tilespmem:v4+s18+$0x0], $0xffff;
	_ =	sdelay $0x4  }
0x386: {  	v3 =	vadd.s32 v1, v3  }
0x387: {  	v4 =	vor.u32 $0x187, v0;
	_ =	sdelay $0x3  }
0x388: {  	[tilespmem:v3+s12+$0x0] =	vst.idx.add.s32.msk $0xffff, v2  }
0x389: {  	v3 =	vld.idx.msk [tilespmem:v4+s18+$0x0], $0xffff;
	_ =	sdelay $0x4  }
0x38a: {  	v3 =	vadd.s32 v1, v3  }
0x38b: {  	v4 =	vor.u32 $0x380, v0;
	_ =	sdelay $0x3  }
0x38c: {  	[tilespmem:v3+s12+$0x0] =	vst.idx.add.s32.msk $0xffff, v2  }
0x38d: {  	v3 =	vld.idx.msk [tilespmem:v4+s18+$0x0], $0xffff;
	_ =	sdelay $0x4  }
0x38e: {  	v3 =	vadd.s32 v1, v3  }
0x38f: {  	v4 =	vor.u32 $0x381, v0;
	_ =	sdelay $0x3  }
0x390: {  	[tilespmem:v3+s12+$0x0] =	vst.idx.add.s32.msk $0xffff, v2  }
0x391: {  	v3 =	vld.idx.msk [tilespmem:v4+s18+$0x0], $0xffff;
	_ =	sdelay $0x4  }
0x392: {  	v3 =	vadd.s32 v1, v3  }
0x393: {  	v4 =	vor.u32 $0x382, v0;
	_ =	sdelay $0x3  }
0x394: {  	[tilespmem:v3+s12+$0x0] =	vst.idx.add.s32.msk $0xffff, v2  }
0x395: {  	v3 =	vld.idx.msk [tilespmem:v4+s18+$0x0], $0xffff;
	_ =	sdelay $0x4  }
0x396: {  	v3 =	vadd.s32 v1, v3  }
0x397: {  	v4 =	vor.u32 $0x383, v0;
	_ =	sdelay $0x3  }
0x398: {  	[tilespmem:v3+s12+$0x0] =	vst.idx.add.s32.msk $0xffff, v2  }
0x399: {  	v3 =	vld.idx.msk [tilespmem:v4+s18+$0x0], $0xffff;
	_ =	sdelay $0x4  }
0x39a: {  	v3 =	vadd.s32 v1, v3  }
0x39b: {  	v4 =	vor.u32 $0x384, v0;
	_ =	sdelay $0x3  }
0x39c: {  	[tilespmem:v3+s12+$0x0] =	vst.idx.add.s32.msk $0xffff, v2  }
0x39d: {  	v3 =	vld.idx.msk [tilespmem:v4+s18+$0x0], $0xffff;
	_ =	sdelay $0x4  }
0x39e: {  	v3 =	vadd.s32 v1, v3  }
0x39f: {  	v4 =	vor.u32 $0x385, v0;
	_ =	sdelay $0x3  }
0x3a0: {  	[tilespmem:v3+s12+$0x0] =	vst.idx.add.s32.msk $0xffff, v2  }
0x3a1: {  	v3 =	vld.idx.msk [tilespmem:v4+s18+$0x0], $0xffff;
	_ =	sdelay $0x4  }
0x3a2: {  	v3 =	vadd.s32 v1, v3  }
0x3a3: {  	v4 =	vor.u32 $0x386, v0;
	_ =	sdelay $0x3  }
0x3a4: {  	[tilespmem:v3+s12+$0x0] =	vst.idx.add.s32.msk $0xffff, v2  }
0x3a5: {  	v3 =	vld.idx.msk [tilespmem:v4+s18+$0x0], $0xffff;
	_ =	sdelay $0x4  }
0x3a6: {  	v3 =	vadd.s32 v1, v3  }
0x3a7: {  	v4 =	vor.u32 $0x387, v0;
	_ =	sdelay $0x3  }
0x3a8: {  	[tilespmem:v3+s12+$0x0] =	vst.idx.add.s32.msk $0xffff, v2  }
0x3a9: {  	v3 =	vld.idx.msk [tilespmem:v4+s18+$0x0], $0xffff;
	_ =	sdelay $0x4  }
0x3aa: {  	v3 =	vadd.s32 v1, v3  }
0x3ab: {  	v4 =	vor.u32 $0x580, v0;
	_ =	sdelay $0x3  }
0x3ac: {  	[tilespmem:v3+s12+$0x0] =	vst.idx.add.s32.msk $0xffff, v2  }
0x3ad: {  	v3 =	vld.idx.msk [tilespmem:v4+s18+$0x0], $0xffff;
	_ =	sdelay $0x4  }
0x3ae: {  	v3 =	vadd.s32 v1, v3  }
0x3af: {  	v4 =	vor.u32 $0x581, v0;
	_ =	sdelay $0x3  }
0x3b0: {  	[tilespmem:v3+s12+$0x0] =	vst.idx.add.s32.msk $0xffff, v2  }
0x3b1: {  	v3 =	vld.idx.msk [tilespmem:v4+s18+$0x0], $0xffff;
	_ =	sdelay $0x4  }
0x3b2: {  	v3 =	vadd.s32 v1, v3  }
0x3b3: {  	v4 =	vor.u32 $0x582, v0;
	_ =	sdelay $0x3  }
0x3b4: {  	[tilespmem:v3+s12+$0x0] =	vst.idx.add.s32.msk $0xffff, v2  }
0x3b5: {  	v3 =	vld.idx.msk [tilespmem:v4+s18+$0x0], $0xffff;
	_ =	sdelay $0x4  }
0x3b6: {  	v3 =	vadd.s32 v1, v3  }
0x3b7: {  	v4 =	vor.u32 $0x583, v0;
	_ =	sdelay $0x3  }
0x3b8: {  	[tilespmem:v3+s12+$0x0] =	vst.idx.add.s32.msk $0xffff, v2  }
0x3b9: {  	v3 =	vld.idx.msk [tilespmem:v4+s18+$0x0], $0xffff;
	_ =	sdelay $0x4  }
0x3ba: {  	v3 =	vadd.s32 v1, v3  }
0x3bb: {  	v4 =	vor.u32 $0x584, v0;
	_ =	sdelay $0x3  }
0x3bc: {  	[tilespmem:v3+s12+$0x0] =	vst.idx.add.s32.msk $0xffff, v2  }
0x3bd: {  	v3 =	vld.idx.msk [tilespmem:v4+s18+$0x0], $0xffff;
	_ =	sdelay $0x4  }
0x3be: {  	v3 =	vadd.s32 v1, v3  }
0x3bf: {  	v4 =	vor.u32 $0x585, v0;
	_ =	sdelay $0x3  }
0x3c0: {  	[tilespmem:v3+s12+$0x0] =	vst.idx.add.s32.msk $0xffff, v2  }
0x3c1: {  	v3 =	vld.idx.msk [tilespmem:v4+s18+$0x0], $0xffff;
	_ =	sdelay $0x4  }
0x3c2: {  	v3 =	vadd.s32 v1, v3  }
0x3c3: {  	v4 =	vor.u32 $0x586, v0;
	_ =	sdelay $0x3  }
0x3c4: {  	[tilespmem:v3+s12+$0x0] =	vst.idx.add.s32.msk $0xffff, v2  }
0x3c5: {  	v3 =	vld.idx.msk [tilespmem:v4+s18+$0x0], $0xffff;
	_ =	sdelay $0x4  }
0x3c6: {  	v3 =	vadd.s32 v1, v3  }
0x3c7: {  	v4 =	vor.u32 $0x587, v0;
	_ =	sdelay $0x3  }
0x3c8: {  	[tilespmem:v3+s12+$0x0] =	vst.idx.add.s32.msk $0xffff, v2  }
0x3c9: {  	v3 =	vld.idx.msk [tilespmem:v4+s18+$0x0], $0xffff;
	_ =	sdelay $0x4  }
0x3ca: {  	v3 =	vadd.s32 v1, v3  }
0x3cb: {  	v4 =	vor.u32 $0x780, v0;
	_ =	sdelay $0x3  }
0x3cc: {  	[tilespmem:v3+s12+$0x0] =	vst.idx.add.s32.msk $0xffff, v2  }
0x3cd: {  	v3 =	vld.idx.msk [tilespmem:v4+s18+$0x0], $0xffff;
	_ =	sdelay $0x4  }
0x3ce: {  	v3 =	vadd.s32 v1, v3  }
0x3cf: {  	v4 =	vor.u32 $0x781, v0;
	_ =	sdelay $0x3  }
0x3d0: {  	[tilespmem:v3+s12+$0x0] =	vst.idx.add.s32.msk $0xffff, v2  }
0x3d1: {  	v3 =	vld.idx.msk [tilespmem:v4+s18+$0x0], $0xffff;
	_ =	sdelay $0x4  }
0x3d2: {  	v3 =	vadd.s32 v1, v3  }
0x3d3: {  	v4 =	vor.u32 $0x782, v0;
	_ =	sdelay $0x3  }
0x3d4: {  	[tilespmem:v3+s12+$0x0] =	vst.idx.add.s32.msk $0xffff, v2  }
0x3d5: {  	v3 =	vld.idx.msk [tilespmem:v4+s18+$0x0], $0xffff;
	_ =	sdelay $0x4  }
0x3d6: {  	v3 =	vadd.s32 v1, v3  }
0x3d7: {  	v4 =	vor.u32 $0x783, v0;
	_ =	sdelay $0x3  }
0x3d8: {  	[tilespmem:v3+s12+$0x0] =	vst.idx.add.s32.msk $0xffff, v2  }
0x3d9: {  	v3 =	vld.idx.msk [tilespmem:v4+s18+$0x0], $0xffff;
	_ =	sdelay $0x4  }
0x3da: {  	v3 =	vadd.s32 v1, v3  }
0x3db: {  	v4 =	vor.u32 $0x784, v0;
	_ =	sdelay $0x3  }
0x3dc: {  	[tilespmem:v3+s12+$0x0] =	vst.idx.add.s32.msk $0xffff, v2  }
0x3dd: {  	v3 =	vld.idx.msk [tilespmem:v4+s18+$0x0], $0xffff;
	_ =	sdelay $0x4  }
0x3de: {  	v3 =	vadd.s32 v1, v3  }
0x3df: {  	v4 =	vor.u32 $0x785, v0;
	_ =	sdelay $0x3  }
0x3e0: {  	[tilespmem:v3+s12+$0x0] =	vst.idx.add.s32.msk $0xffff, v2  }
0x3e1: {  	v3 =	vld.idx.msk [tilespmem:v4+s18+$0x0], $0xffff;
	_ =	sdelay $0x4  }
0x3e2: {  	v3 =	vadd.s32 v1, v3  }
0x3e3: {  	v4 =	vor.u32 $0x786, v0;
	_ =	sdelay $0x3  }
0x3e4: {  	[tilespmem:v3+s12+$0x0] =	vst.idx.add.s32.msk $0xffff, v2  }
0x3e5: {  	v3 =	vld.idx.msk [tilespmem:v4+s18+$0x0], $0xffff;
	_ =	sdelay $0x4  }
0x3e6: {  	v3 =	vadd.s32 v1, v3  }
0x3e7: {  	v4 =	vor.u32 $0x787, v0;
	_ =	sdelay $0x3  }
0x3e8: {  	[tilespmem:v3+s12+$0x0] =	vst.idx.add.s32.msk $0xffff, v2  }
0x3e9: {  	v3 =	vld.idx.msk [tilespmem:v4+s18+$0x0], $0xffff;
	_ =	sdelay $0x4  }
0x3ea: {  	v3 =	vadd.s32 v1, v3  }
0x3eb: {  	v4 =	vor.u32 $0x980, v0;
	_ =	sdelay $0x3  }
0x3ec: {  	[tilespmem:v3+s12+$0x0] =	vst.idx.add.s32.msk $0xffff, v2  }
0x3ed: {  	v3 =	vld.idx.msk [tilespmem:v4+s18+$0x0], $0xffff;
	_ =	sdelay $0x4  }
0x3ee: {  	v3 =	vadd.s32 v1, v3  }
0x3ef: {  	v4 =	vor.u32 $0x981, v0;
	_ =	sdelay $0x3  }
0x3f0: {  	[tilespmem:v3+s12+$0x0] =	vst.idx.add.s32.msk $0xffff, v2  }
0x3f1: {  	v3 =	vld.idx.msk [tilespmem:v4+s18+$0x0], $0xffff;
	_ =	sdelay $0x4  }
0x3f2: {  	v3 =	vadd.s32 v1, v3  }
0x3f3: {  	v4 =	vor.u32 $0x982, v0;
	_ =	sdelay $0x3  }
0x3f4: {  	[tilespmem:v3+s12+$0x0] =	vst.idx.add.s32.msk $0xffff, v2  }
0x3f5: {  	v3 =	vld.idx.msk [tilespmem:v4+s18+$0x0], $0xffff;
	_ =	sdelay $0x4  }
0x3f6: {  	v3 =	vadd.s32 v1, v3  }
0x3f7: {  	v4 =	vor.u32 $0x983, v0;
	_ =	sdelay $0x3  }
0x3f8: {  	[tilespmem:v3+s12+$0x0] =	vst.idx.add.s32.msk $0xffff, v2  }
0x3f9: {  	v3 =	vld.idx.msk [tilespmem:v4+s18+$0x0], $0xffff;
	_ =	sdelay $0x4  }
0x3fa: {  	v3 =	vadd.s32 v1, v3  }
0x3fb: {  	v4 =	vor.u32 $0x984, v0;
	_ =	sdelay $0x3  }
0x3fc: {  	[tilespmem:v3+s12+$0x0] =	vst.idx.add.s32.msk $0xffff, v2  }
0x3fd: {  	v3 =	vld.idx.msk [tilespmem:v4+s18+$0x0], $0xffff;
	_ =	sdelay $0x4  }
0x3fe: {  	v3 =	vadd.s32 v1, v3  }
0x3ff: {  	v4 =	vor.u32 $0x985, v0;
	_ =	sdelay $0x3  }
0x400: {  	[tilespmem:v3+s12+$0x0] =	vst.idx.add.s32.msk $0xffff, v2  }
0x401: {  	v3 =	vld.idx.msk [tilespmem:v4+s18+$0x0], $0xffff;
	_ =	sdelay $0x4  }
0x402: {  	v3 =	vadd.s32 v1, v3  }
0x403: {  	v4 =	vor.u32 $0x986, v0;
	_ =	sdelay $0x3  }
0x404: {  	[tilespmem:v3+s12+$0x0] =	vst.idx.add.s32.msk $0xffff, v2  }
0x405: {  	v3 =	vld.idx.msk [tilespmem:v4+s18+$0x0], $0xffff;
	_ =	sdelay $0x4  }
0x406: {  	v3 =	vadd.s32 v1, v3  }
0x407: {  	v4 =	vor.u32 $0x987, v0;
	_ =	sdelay $0x3  }
0x408: {  	[tilespmem:v3+s12+$0x0] =	vst.idx.add.s32.msk $0xffff, v2  }
0x409: {  	v3 =	vld.idx.msk [tilespmem:v4+s18+$0x0], $0xffff;
	_ =	sdelay $0x4  }
0x40a: {  	v3 =	vadd.s32 v1, v3  }
0x40b: {  	v4 =	vor.u32 $0xB80, v0;
	_ =	sdelay $0x3  }
0x40c: {  	[tilespmem:v3+s12+$0x0] =	vst.idx.add.s32.msk $0xffff, v2  }
0x40d: {  	v3 =	vld.idx.msk [tilespmem:v4+s18+$0x0], $0xffff;
	_ =	sdelay $0x4  }
0x40e: {  	v3 =	vadd.s32 v1, v3  }
0x40f: {  	v4 =	vor.u32 $0xB81, v0;
	_ =	sdelay $0x3  }
0x410: {  	[tilespmem:v3+s12+$0x0] =	vst.idx.add.s32.msk $0xffff, v2  }
0x411: {  	v3 =	vld.idx.msk [tilespmem:v4+s18+$0x0], $0xffff;
	_ =	sdelay $0x4  }
0x412: {  	v3 =	vadd.s32 v1, v3  }
0x413: {  	v4 =	vor.u32 $0xB82, v0;
	_ =	sdelay $0x3  }
0x414: {  	[tilespmem:v3+s12+$0x0] =	vst.idx.add.s32.msk $0xffff, v2  }
0x415: {  	v3 =	vld.idx.msk [tilespmem:v4+s18+$0x0], $0xffff;
	_ =	sdelay $0x4  }
0x416: {  	v3 =	vadd.s32 v1, v3  }
0x417: {  	v4 =	vor.u32 $0xB83, v0;
	_ =	sdelay $0x3  }
0x418: {  	[tilespmem:v3+s12+$0x0] =	vst.idx.add.s32.msk $0xffff, v2  }
0x419: {  	v3 =	vld.idx.msk [tilespmem:v4+s18+$0x0], $0xffff;
	_ =	sdelay $0x4  }
0x41a: {  	v3 =	vadd.s32 v1, v3  }
0x41b: {  	v4 =	vor.u32 $0xB84, v0;
	_ =	sdelay $0x3  }
0x41c: {  	[tilespmem:v3+s12+$0x0] =	vst.idx.add.s32.msk $0xffff, v2  }
0x41d: {  	v3 =	vld.idx.msk [tilespmem:v4+s18+$0x0], $0xffff;
	_ =	sdelay $0x4  }
0x41e: {  	v3 =	vadd.s32 v1, v3  }
0x41f: {  	v4 =	vor.u32 $0xB85, v0;
	_ =	sdelay $0x3  }
0x420: {  	[tilespmem:v3+s12+$0x0] =	vst.idx.add.s32.msk $0xffff, v2  }
0x421: {  	v3 =	vld.idx.msk [tilespmem:v4+s18+$0x0], $0xffff;
	_ =	sdelay $0x4  }
0x422: {  	v3 =	vadd.s32 v1, v3  }
0x423: {  	v4 =	vor.u32 $0xB86, v0;
	_ =	sdelay $0x3  }
0x424: {  	[tilespmem:v3+s12+$0x0] =	vst.idx.add.s32.msk $0xffff, v2  }
0x425: {  	v3 =	vld.idx.msk [tilespmem:v4+s18+$0x0], $0xffff;
	_ =	sdelay $0x4  }
0x426: {  	v3 =	vadd.s32 v1, v3  }
0x427: {  	v4 =	vor.u32 $0xB87, v0;
	_ =	sdelay $0x3  }
0x428: {  	[tilespmem:v3+s12+$0x0] =	vst.idx.add.s32.msk $0xffff, v2  }
0x429: {  	v3 =	vld.idx.msk [tilespmem:v4+s18+$0x0], $0xffff;
	_ =	sdelay $0x4  }
0x42a: {  	v3 =	vadd.s32 v1, v3  }
0x42b: {  	v4 =	vor.u32 $0xD80, v0;
	_ =	sdelay $0x3  }
0x42c: {  	[tilespmem:v3+s12+$0x0] =	vst.idx.add.s32.msk $0xffff, v2  }
0x42d: {  	v3 =	vld.idx.msk [tilespmem:v4+s18+$0x0], $0xffff;
	_ =	sdelay $0x4  }
0x42e: {  	v3 =	vadd.s32 v1, v3  }
0x42f: {  	v4 =	vor.u32 $0xD81, v0;
	_ =	sdelay $0x3  }
0x430: {  	[tilespmem:v3+s12+$0x0] =	vst.idx.add.s32.msk $0xffff, v2  }
0x431: {  	v3 =	vld.idx.msk [tilespmem:v4+s18+$0x0], $0xffff;
	_ =	sdelay $0x4  }
0x432: {  	v3 =	vadd.s32 v1, v3  }
0x433: {  	v4 =	vor.u32 $0xD82, v0;
	_ =	sdelay $0x3  }
0x434: {  	[tilespmem:v3+s12+$0x0] =	vst.idx.add.s32.msk $0xffff, v2  }
0x435: {  	v3 =	vld.idx.msk [tilespmem:v4+s18+$0x0], $0xffff;
	_ =	sdelay $0x4  }
0x436: {  	v3 =	vadd.s32 v1, v3  }
0x437: {  	v4 =	vor.u32 $0xD83, v0;
	_ =	sdelay $0x3  }
0x438: {  	[tilespmem:v3+s12+$0x0] =	vst.idx.add.s32.msk $0xffff, v2  }
0x439: {  	v3 =	vld.idx.msk [tilespmem:v4+s18+$0x0], $0xffff;
	_ =	sdelay $0x4  }
0x43a: {  	v3 =	vadd.s32 v1, v3  }
0x43b: {  	v4 =	vor.u32 $0xD84, v0;
	_ =	sdelay $0x3  }
0x43c: {  	[tilespmem:v3+s12+$0x0] =	vst.idx.add.s32.msk $0xffff, v2  }
0x43d: {  	v3 =	vld.idx.msk [tilespmem:v4+s18+$0x0], $0xffff;
	_ =	sdelay $0x4  }
0x43e: {  	v3 =	vadd.s32 v1, v3  }
0x43f: {  	v4 =	vor.u32 $0xD85, v0;
	_ =	sdelay $0x3  }
0x440: {  	[tilespmem:v3+s12+$0x0] =	vst.idx.add.s32.msk $0xffff, v2  }
0x441: {  	v3 =	vld.idx.msk [tilespmem:v4+s18+$0x0], $0xffff;
	_ =	sdelay $0x4  }
0x442: {  	v3 =	vadd.s32 v1, v3  }
0x443: {  	v4 =	vor.u32 $0xD86, v0;
	_ =	sdelay $0x3  }
0x444: {  	[tilespmem:v3+s12+$0x0] =	vst.idx.add.s32.msk $0xffff, v2  }
0x445: {  	v3 =	vld.idx.msk [tilespmem:v4+s18+$0x0], $0xffff;
	_ =	sdelay $0x4  }
0x446: {  	v3 =	vadd.s32 v1, v3  }
0x447: {  	v4 =	vor.u32 $0xD87, v0;
	_ =	sdelay $0x3  }
0x448: {  	[tilespmem:v3+s12+$0x0] =	vst.idx.add.s32.msk $0xffff, v2  }
0x449: {  	v3 =	vld.idx.msk [tilespmem:v4+s18+$0x0], $0xffff;
	_ =	sdelay $0x4  }
0x44a: {  	v3 =	vadd.s32 v1, v3  }
0x44b: {  	v4 =	vor.u32 $0xF80, v0;
	_ =	sdelay $0x3  }
0x44c: {  	[tilespmem:v3+s12+$0x0] =	vst.idx.add.s32.msk $0xffff, v2  }
0x44d: {  	v3 =	vld.idx.msk [tilespmem:v4+s18+$0x0], $0xffff;
	_ =	sdelay $0x4  }
0x44e: {  	v3 =	vadd.s32 v1, v3  }
0x44f: {  	v4 =	vor.u32 $0xF81, v0;
	_ =	sdelay $0x3  }
0x450: {  	[tilespmem:v3+s12+$0x0] =	vst.idx.add.s32.msk $0xffff, v2  }
0x451: {  	v3 =	vld.idx.msk [tilespmem:v4+s18+$0x0], $0xffff;
	_ =	sdelay $0x4  }
0x452: {  	v3 =	vadd.s32 v1, v3  }
0x453: {  	v4 =	vor.u32 $0xF82, v0;
	_ =	sdelay $0x3  }
0x454: {  	[tilespmem:v3+s12+$0x0] =	vst.idx.add.s32.msk $0xffff, v2  }
0x455: {  	v3 =	vld.idx.msk [tilespmem:v4+s18+$0x0], $0xffff;
	_ =	sdelay $0x4  }
0x456: {  	v3 =	vadd.s32 v1, v3  }
0x457: {  	v4 =	vor.u32 $0xF83, v0;
	_ =	sdelay $0x3  }
0x458: {  	[tilespmem:v3+s12+$0x0] =	vst.idx.add.s32.msk $0xffff, v2  }
0x459: {  	v3 =	vld.idx.msk [tilespmem:v4+s18+$0x0], $0xffff;
	_ =	sdelay $0x4  }
0x45a: {  	v3 =	vadd.s32 v1, v3  }
0x45b: {  	v4 =	vor.u32 $0xF84, v0;
	_ =	sdelay $0x3  }
0x45c: {  	[tilespmem:v3+s12+$0x0] =	vst.idx.add.s32.msk $0xffff, v2  }
0x45d: {  	v3 =	vld.idx.msk [tilespmem:v4+s18+$0x0], $0xffff;
	_ =	sdelay $0x4  }
0x45e: {  	v3 =	vadd.s32 v1, v3  }
0x45f: {  	v4 =	vor.u32 $0xF85, v0;
	_ =	sdelay $0x3  }
0x460: {  	[tilespmem:v3+s12+$0x0] =	vst.idx.add.s32.msk $0xffff, v2  }
0x461: {  	v3 =	vld.idx.msk [tilespmem:v4+s18+$0x0], $0xffff;
	_ =	sdelay $0x4  }
0x462: {  	v3 =	vadd.s32 v1, v3  }
0x463: {  	v4 =	vor.u32 $0xF86, v0;
	_ =	sdelay $0x3  }
0x464: {  	[tilespmem:v3+s12+$0x0] =	vst.idx.add.s32.msk $0xffff, v2  }
0x465: {  	v3 =	vld.idx.msk [tilespmem:v4+s18+$0x0], $0xffff;
	_ =	sdelay $0x4  }
0x466: {  	v3 =	vadd.s32 v1, v3  }
0x467: {  	v4 =	vor.u32 $0xF87, v0;
	_ =	sdelay $0x3  }
0x468: {  	[tilespmem:v3+s12+$0x0] =	vst.idx.add.s32.msk $0xffff, v2  }
0x469: {  	v3 =	vld.idx.msk [tilespmem:v4+s18+$0x0], $0xffff;
	_ =	sdelay $0x4  }
0x46a: {  	v3 =	vadd.s32 v1, v3;
	_ =	sdelay $0x2  }
0x46b: {  	v4 =	vadd.s32 s18, v1;
	_ =	sdelay $0x1  }
0x46c: {  	[tilespmem:v3+s12+$0x0] =	vst.idx.add.s32.msk $0xffff, v2;
	v3 =	vmov s18;
	_ =	sdelay $0x1  }
0x46d: {  	s19 =	simm.s32 $0x1  }
0x46e: {  	v5 =	vadd.s32 s19, v1;
	v7 =	vld.idx.msk [tilespmem:v4+s12+$0x0], $0xffff;
	_ =	sdelay $0x1  }
0x46f: {  	v6 =	vmov s19;
	v4 =	vld.idx.msk [tilespmem:v3+s8+$0x0], $0xffff;
	_ =	sdelay $0x2  }
0x470: {  	s20 =	simm.s32 $0x2;
	v5 =	vld.idx.msk [tilespmem:v5+s12+$0x0], $0xffff;
	v3 =	vimm.f32 $-Inf;
	v7 =	vcvt.s32.f32 v7  }
.LBB2_9:
0x471: {  	v8 =	vadd.s32 s20, v1;
	p0 =	sne.s32 s20, $0x13;
	s21 =	smov.u32 s20;
	s20 =	sadd.s32 $0x1, s20  }
.Ltmp3:
0x472: {  	v7 =	vmul.f32 v7, v4;
	v4 =	vld.idx.msk [tilespmem:v6+s8+$0x0], $0xffff;
	(pc) =	sbr.rel @p0 .LBB2_9-.Ltmp3, $4  }
0x473: {  	v6 =	vmov s21  }
0x474: {  	vm0 =	vgt.f32 v7, v3  }
0x475: {  	v3 =	vsel vm0, v7, v3;
	v63 =	vsel vm0, s18, v63;
	s18 =	smov.u32 s19;
	s19 =	smov.u32 s21  }
0x476: {  	v7 =	vcvt.s32.f32 v5;
	v5 =	vld.idx.msk [tilespmem:v8+s12+$0x0], $0xffff  }
0x477: {  	_ =	sdelay $0x3  }
0x478: {  	v6 =	vld.idx.msk [tilespmem:v6+s8+$0x0], $0xffff;
	_ =	sdelay $0x2  }
0x479: {  	v4 =	vmul.f32 v7, v4;
	v5 =	vcvt.s32.f32 v5;
	_ =	sdelay $0x1  }
0x47a: {  	vm0 =	vgt.f32 v4, v3;
	v5 =	vmul.f32 v5, v6  }
0x47b: {  	s17 =	sshll.u32 s17, $0xA;
	v3 =	vsel vm0, v4, v3  }
0x47c: {  	s15 =	sadd.s32 $0x1, s15;
	s16 =	sor.u32 s16, s17;
	v63 =	vsel vm0, s18, v63;
	vm15 =	vgt.f32 v5, v3  }
0x47d: {  	p0 =	sne.s32 s15, $0x20;
	s16 =	sshrl.u32 s16, $0x3;
	v3 =	vsel vm15, s19, v63  }
.Ltmp4:
0x47e: {  	s16 =	sadd.s32 s2, s16;
	[tilespmem:$0x11B0] =	vst v3;
	(pc) =	sbr.rel @p0 .LBB2_2-.Ltmp4, $4  }
0x47f: {  	[hbm4b:s16+s3] =	stream.linear.scatter [tilespmem:s13], [sflag:$0x1], $0x80, $0x38;
	[tilespmem:$0x1280] =	vst v63  }
0x480: {  	_ =	swait.ge [sflag:s9], $0x80  }
0x481: {  	[sflag:s9] =	ssyncset.done $0x0  }
0x482: {  	[sflag:s9] =	ssyncadd.s32 $0xFFFFFF80  }
0x483: {  	s14 =	sadd.s32 $0x1, s14  }
0x484: {  	p0 =	sne.s32 s14, s7  }
.Ltmp5:
0x485: {  	_ = 	snop;
	(pc) =	sbr.rel @p0 .LBB2_1-.Ltmp5, $1  }
0x486: {  	_ =	sdelay $0x3  }
0x487: {  	_ =	sfence.sel $0x180000  }
0x488: {  	[bflag:$0x0] =	sbarrier.arrive $0xFFFF  }
0x489: {  	p0 =	sne.s32 s4, $0x0;
	_ =	strace $0x90000047  }
0x48a: {  	s0 =	sadd.s32 @!p0 $0x100000, s1;
	[bflag:$0x2] =	sbarrier.arrive $0xFFFF  }
0x48b: {  	[sflag:s0] =	ssyncadd.tile.s32 @!p0 $0x1;
	_ =	shalt  }
.Lfunc_end2:
_tile_overlayer_lowered:
.L_overlay_start_2:
0x48c: {  	(tag) =	ssettag $0x2  }
0x48d: {  	s0 =	rddreg [dreg:$0x0];
	s2 =	stileid.u32  }
0x48e: {  	s1 =	rddreg [dreg:$0x1];
	p0 =	sne.s32 s2, $0x0  }
0x48f: {  	s3 =	rddreg [dreg:$0x2];
	[bflag:$0x3] =	sbarrier.arrive $0xFFFF;
	s2 =	simm.s32 @!p0 $0x1C01  }
0x490: {  	[timem:s3], [sflag:s2] =	dma.local @!p0 [hbm:s0], s1  }
0x491: {  	s0 =	simm.s32 @!p0 $0x1  }
0x492: {  	_ =	swait.ge @!p0 [sflag:s0], s1  }
0x493: {  	s1 =	ssub.s32 @!p0 $0x0, s1;
	[sflag:s0] =	ssyncset.done @!p0 $0x0  }
0x494: {  	[sflag:s0] =	ssyncadd.s32 @!p0 s1  }
0x495: {  	[bflag:$0x3] =	sbarrier.arrive $0xFFFF  }
0x496: {  	_ =	shalt  }

</sc_bundles>
